<compile_context>
chip_gen: v7x
topology: tpu7x:2x2x1
jax: 0.10.2.dev20260603
libtpu: 0.0.44.dev20260713+nightly
codegen_flags: <defaults>
</compile_context>

<pallas_src>
import functools

import jax
import jax.numpy as jnp
from jax import lax
from jax.experimental import pallas as pl
from jax.experimental.pallas import tpu as pltpu
from jax.experimental.pallas import tpu_sc as plsc

N_NODES = 10000
N_PAD = 10240
N_EDGES = 320000
F = 128
N_CLASSES = 40

NC = 2
NS = 16
CHUNK = 40
NCHUNK = 250
NSTREAM = 5
RPS = N_PAD // NS
DEG_W = 16
CD = 200
ND = 100

_mesh = plsc.VectorSubcoreMesh(core_axis_name="c", subcore_axis_name="s")
_sc_params = pltpu.CompilerParams(use_tc_tiling_on_sc=False)


def _agg_body(y_hbm, src_hbm, dst_hbm, zeros_hbm, out_hbm,
              srcv, dstv, rows0, rows1, rows2, rows3, rows4, acc,
              sem0, sem1, sem2, sem3, sem4):
    c = lax.axis_index("c")
    s = lax.axis_index("s")
    pltpu.sync_copy(src_hbm.at[c].at[s], srcv)
    pltpu.sync_copy(dst_hbm.at[c].at[s], dstv)
    sl = pl.ds(s * RPS, RPS)
    pltpu.sync_copy(zeros_hbm.at[sl], acc.at[sl])
    plsc.subcore_barrier()

    streams = ((rows0, sem0), (rows1, sem1), (rows2, sem2), (rows3, sem3),
               (rows4, sem4))
    for k, (rows, sem) in enumerate(streams):
        pltpu.async_copy(y_hbm.at[srcv.at[k]], rows, sem)

    @pl.loop(0, NCHUNK, step=NSTREAM)
    def _(j):
        for k, (rows, sem) in enumerate(streams):
            pltpu.make_async_copy(y_hbm.at[srcv.at[0]], rows, sem).wait()
            pltpu.sync_copy(rows, acc.at[dstv.at[j + k]], add=True)

            @pl.when(j + k + NSTREAM < NCHUNK)
            def _(rows=rows, sem=sem, k=k):
                pltpu.async_copy(
                    y_hbm.at[srcv.at[j + k + NSTREAM]], rows, sem)

    plsc.subcore_barrier()
    pltpu.sync_copy(acc.at[sl], out_hbm.at[c].at[sl])


@functools.partial(
    pl.kernel, mesh=_mesh,
    out_type=jax.ShapeDtypeStruct((NC, N_PAD, F), jnp.float32),
    scratch_types=[
        pltpu.VMEM((NCHUNK, CHUNK), jnp.int32),
        pltpu.VMEM((NCHUNK, CHUNK), jnp.int32),
        pltpu.VMEM((CHUNK, F), jnp.float32),
        pltpu.VMEM((CHUNK, F), jnp.float32),
        pltpu.VMEM((CHUNK, F), jnp.float32),
        pltpu.VMEM((CHUNK, F), jnp.float32),
        pltpu.VMEM((CHUNK, F), jnp.float32),
        pltpu.VMEM_SHARED((N_PAD, F), jnp.float32),
        pltpu.SemaphoreType.DMA,
        pltpu.SemaphoreType.DMA,
        pltpu.SemaphoreType.DMA,
        pltpu.SemaphoreType.DMA,
        pltpu.SemaphoreType.DMA,
    ],
    compiler_params=_sc_params,
)
def _sc_aggregate(*args):
    _agg_body(*args)


def _deg_body(src_hbm, dst_hbm, ones_hbm, zeros_hbm, od_hbm, id_hbm,
              idxv, ones_v, acc):
    c = lax.axis_index("c")
    s = lax.axis_index("s")

    @pl.when(c == 0)
    def _():
        pltpu.sync_copy(src_hbm.at[s], idxv)

    @pl.when(c == 1)
    def _():
        pltpu.sync_copy(dst_hbm.at[s], idxv)
    pltpu.sync_copy(ones_hbm, ones_v)
    sl = pl.ds(s * RPS, RPS)
    pltpu.sync_copy(zeros_hbm.at[sl], acc.at[sl])
    plsc.subcore_barrier()

    @pl.loop(0, ND)
    def _(j):
        pltpu.sync_copy(ones_v, acc.at[idxv.at[j]], add=True)

    plsc.subcore_barrier()

    @pl.when(c == 0)
    def _():
        pltpu.sync_copy(acc.at[sl], od_hbm.at[sl])

    @pl.when(c == 1)
    def _():
        pltpu.sync_copy(acc.at[sl], id_hbm.at[sl])


@functools.partial(
    pl.kernel, mesh=_mesh,
    out_type=(jax.ShapeDtypeStruct((N_PAD, DEG_W), jnp.float32),
              jax.ShapeDtypeStruct((N_PAD, DEG_W), jnp.float32)),
    scratch_types=[
        pltpu.VMEM((ND, CD), jnp.int32),
        pltpu.VMEM((CD, DEG_W), jnp.float32),
        pltpu.VMEM_SHARED((N_PAD, DEG_W), jnp.float32),
    ],
    compiler_params=_sc_params,
)
def _sc_degrees(*args):
    _deg_body(*args)


def _rs(ref):
    return lax.rsqrt(jnp.maximum(ref[:, 0:1], 1.0))


def _l1_body(x_ref, w_ref, od_ref, o_ref):
    xw = jnp.dot(x_ref[...], w_ref[...], preferred_element_type=jnp.float32)
    o_ref[...] = xw * _rs(od_ref)


def _mid_body(g_ref, od_ref, id_ref, b_ref, w_ref, o_ref):
    g = g_ref[0] + g_ref[1]
    h = jnp.maximum(g * _rs(id_ref) + b_ref[...], 0.0) * _rs(od_ref)
    o_ref[...] = jnp.dot(h, w_ref[...], preferred_element_type=jnp.float32)


def _pre3_body(g_ref, od_ref, id_ref, b_ref, o_ref):
    g = g_ref[0] + g_ref[1]
    o_ref[...] = jnp.maximum(g * _rs(id_ref) + b_ref[...], 0.0) * _rs(od_ref)


def _final_body(g_ref, id_ref, w_ref, b_ref, o_ref):
    g = (g_ref[0] + g_ref[1]) * _rs(id_ref)
    o_ref[...] = (jnp.dot(g, w_ref[...], preferred_element_type=jnp.float32)
                  + b_ref[...])


def _tc(body, out_shape, *args):
    return pl.pallas_call(
        body, out_shape=jax.ShapeDtypeStruct(out_shape, jnp.float32))(*args)


def kernel(features, edge_index, W1, b1, W2, b2, W3, b3):
    src = edge_index[0].astype(jnp.int32)
    dst = edge_index[1].astype(jnp.int32)
    srcp = src.reshape(NC, NS, NCHUNK, CHUNK)
    dstp = dst.reshape(NC, NS, NCHUNK, CHUNK)
    srcd = src.reshape(NS, ND, CD)
    dstd = dst.reshape(NS, ND, CD)
    x = jnp.pad(features, ((0, N_PAD - N_NODES), (0, 0)))

    zeros_f = jnp.zeros((N_PAD, F), jnp.float32)
    zeros_d = jnp.zeros((N_PAD, DEG_W), jnp.float32)
    ones_d = jnp.ones((CD, DEG_W), jnp.float32)
    b1r = b1[None, :]
    b2r = b2[None, :]
    W3p = jnp.pad(W3, ((0, 0), (0, F - N_CLASSES)))
    b3r = jnp.pad(b3, (0, F - N_CLASSES))[None, :]

    od, idg = _sc_degrees(srcd, dstd, ones_d, zeros_d)

    y0 = _tc(_l1_body, (N_PAD, F), x, W1, od)
    g1 = _sc_aggregate(y0, srcp, dstp, zeros_f)
    y1 = _tc(_mid_body, (N_PAD, F), g1, od, idg, b1r, W2)
    g2 = _sc_aggregate(y1, srcp, dstp, zeros_f)
    y2 = _tc(_pre3_body, (N_PAD, F), g2, od, idg, b2r)
    g3 = _sc_aggregate(y2, srcp, dstp, zeros_f)
    out = _tc(_final_body, (N_PAD, F), g3, idg, W3p, b3r)
    return out[:N_NODES, :N_CLASSES]

# --- scband reference (transcript-rebuilt; emitter-appended) ---
"""Pipeline reference for scband-gcn-16303695855989 (READ-ONLY COPY).

The authoritative reference and input builder live on the scoring server;
editing this copy changes nothing except your own understanding.
"""

import jax, jax.numpy as jnp
import numpy as np

N_NODES = 10000
N_EDGES = 320000
IN_FEATS = 128
N_HIDDEN = 128
N_CLASSES = 40


def setup_inputs(seed: int = 0) -> dict:
    key = jax.random.key(seed)
    k1, k2, k3, k4, k5 = jax.random.split(key, 5)
    features = jax.random.normal(k1, (N_NODES, IN_FEATS), dtype=jnp.float32)
    edge_index = jax.random.randint(k2, (2, N_EDGES), 0, N_NODES, dtype=jnp.int64)
    # Glorot-initialized GraphConv weights (3 layers: in->hidden, hidden->hidden, hidden->classes)
    def glorot(k, fan_in, fan_out):
        s = jnp.sqrt(6.0 / (fan_in + fan_out))
        return jax.random.uniform(k, (fan_in, fan_out), minval=-s, maxval=s, dtype=jnp.float32)
    W1 = glorot(k3, IN_FEATS, N_HIDDEN)
    W2 = glorot(k4, N_HIDDEN, N_HIDDEN)
    W3 = glorot(k5, N_HIDDEN, N_CLASSES)
    b1 = jnp.zeros((N_HIDDEN,), dtype=jnp.float32)
    b2 = jnp.zeros((N_HIDDEN,), dtype=jnp.float32)
    b3 = jnp.zeros((N_CLASSES,), dtype=jnp.float32)
    return {"features": features, "edge_index": edge_index,
            "W1": W1, "b1": b1, "W2": W2, "b2": b2, "W3": W3, "b3": b3}


def _graph_conv(x, src, dst, W, b, n_nodes, activation):
    # DGL GraphConv with norm='both': D_dst^{-1/2} A D_src^{-1/2} X W + b
    out_deg = jnp.clip(jnp.bincount(src, length=n_nodes), 1).astype(x.dtype)
    in_deg = jnp.clip(jnp.bincount(dst, length=n_nodes), 1).astype(x.dtype)
    h = x * (out_deg ** -0.5)[:, None]
    h = h @ W
    msgs = jnp.take(h, src, axis=0)
    agg = jax.ops.segment_sum(msgs, dst, num_segments=n_nodes)
    agg = agg * (in_deg ** -0.5)[:, None]
    agg = agg + b
    if activation:
        agg = jax.nn.relu(agg)
    return agg


def reference(features, edge_index, W1, b1, W2, b2, W3, b3):
    src = edge_index[0]
    dst = edge_index[1]
    # Dropout is identity in eval mode
    h = _graph_conv(features, src, dst, W1, b1, N_NODES, True)
    h = _graph_conv(h, src, dst, W2, b2, N_NODES, True)
    h = _graph_conv(h, src, dst, W3, b3, N_NODES, False)
    return h

if __name__ == "__main__":
    import jax
    _d = setup_inputs()
    print(jax.jit(kernel)(*tuple(_d.values())))

</pallas_src>

<mosaic_0001>
#map = affine_map<(d0, d1) -> (0, 0)>
#map1 = affine_map<(d0, d1) -> (0, 0, 0, 0)>
#map2 = affine_map<(d0, d1) -> (0, 0, 0)>
module attributes {stable_mosaic.version = 14 : i64} {
  func.func @_sc_aggregate(%arg0: i32, %arg1: i32, %arg2: memref<10240x128xf32, #tpu.memory_space<hbm>>, %arg3: memref<2x16x250x40xi32, #tpu.memory_space<hbm>>, %arg4: memref<2x16x250x40xi32, #tpu.memory_space<hbm>>, %arg5: memref<10240x128xf32, #tpu.memory_space<hbm>>, %arg6: memref<2x10240x128xf32, #tpu.memory_space<hbm>>, %arg7: memref<250x40xi32, #tpu.memory_space<vmem>>, %arg8: memref<250x40xi32, #tpu.memory_space<vmem>>, %arg9: memref<40x128xf32, #tpu.memory_space<vmem>>, %arg10: memref<40x128xf32, #tpu.memory_space<vmem>>, %arg11: memref<40x128xf32, #tpu.memory_space<vmem>>, %arg12: memref<40x128xf32, #tpu.memory_space<vmem>>, %arg13: memref<40x128xf32, #tpu.memory_space<vmem>>, %arg14: memref<10240x128xf32, #tpu.memory_space<vmem_shared>>, %arg15: memref<!tpu.dma_semaphore, #tpu.memory_space<semaphore_mem>>, %arg16: memref<!tpu.dma_semaphore, #tpu.memory_space<semaphore_mem>>, %arg17: memref<!tpu.dma_semaphore, #tpu.memory_space<semaphore_mem>>, %arg18: memref<!tpu.dma_semaphore, #tpu.memory_space<semaphore_mem>>, %arg19: memref<!tpu.dma_semaphore, #tpu.memory_space<semaphore_mem>>) attributes {dimension_semantics = [#tpu.dimension_semantics<core_parallel>, #tpu.dimension_semantics<subcore_parallel>], iteration_bounds = array<i64: 2, 16>, scalar_prefetch = 0 : i64, scratch_operands = 13 : i64, tpu.core_type = #tpu.core_type<sc_vector_subcore>, window_params = [{transform_indices = #map}, {transform_indices = #map1}, {transform_indices = #map1}, {transform_indices = #map}, {transform_indices = #map2}]} {
    "tpu.region"() ({
      %run_scoped3A = tpu.sem_alloc : memref<!tpu.dma_semaphore, #tpu.memory_space<semaphore_mem>>
      %dma_start3A_40 = arith.constant 0 : i32
      %dma_start3A_41 = arith.constant 0 : i32
      %dma_start3A_42 = arith.constant 0 : i32
      %dma_start3A_43 = tpu.memref_slice %arg3[%arg0, %dma_start3A_40, %dma_start3A_41, %dma_start3A_42] : memref<2x16x250x40xi32, #tpu.memory_space<hbm>> -> memref<1x16x250x40xi32, #tpu.memory_space<hbm>>
      %dma_start3A_44 = tpu.memref_squeeze %dma_start3A_43 : memref<1x16x250x40xi32, #tpu.memory_space<hbm>> -> memref<16x250x40xi32, #tpu.memory_space<hbm>>
      %dma_start3A_45 = arith.constant 0 : i32
      %dma_start3A_46 = arith.constant 0 : i32
      %dma_start3A_47 = tpu.memref_slice %dma_start3A_44[%arg1, %dma_start3A_45, %dma_start3A_46] : memref<16x250x40xi32, #tpu.memory_space<hbm>> -> memref<1x250x40xi32, #tpu.memory_space<hbm>>
      %dma_start3A_48 = tpu.memref_squeeze %dma_start3A_47 : memref<1x250x40xi32, #tpu.memory_space<hbm>> -> memref<250x40xi32, #tpu.memory_space<hbm>>
      %dma_start3A_49 = arith.constant 0 : i32
      %dma_start3A_50 = arith.constant 0 : i32
      %dma_start3A_51 = arith.constant 0 : i32
      %dma_start3A_52 = tpu.memref_slice %arg3[%arg0, %dma_start3A_49, %dma_start3A_50, %dma_start3A_51] : memref<2x16x250x40xi32, #tpu.memory_space<hbm>> -> memref<1x16x250x40xi32, #tpu.memory_space<hbm>>
      %dma_start3A_53 = tpu.memref_squeeze %dma_start3A_52 : memref<1x16x250x40xi32, #tpu.memory_space<hbm>> -> memref<16x250x40xi32, #tpu.memory_space<hbm>>
      %dma_start3A_54 = arith.constant 0 : i32
      %dma_start3A_55 = arith.constant 0 : i32
      %dma_start3A_56 = tpu.memref_slice %dma_start3A_53[%arg1, %dma_start3A_54, %dma_start3A_55] : memref<16x250x40xi32, #tpu.memory_space<hbm>> -> memref<1x250x40xi32, #tpu.memory_space<hbm>>
      %dma_start3A_57 = tpu.memref_squeeze %dma_start3A_56 : memref<1x250x40xi32, #tpu.memory_space<hbm>> -> memref<250x40xi32, #tpu.memory_space<hbm>>
      tpu.enqueue_dma source(%dma_start3A_57 : memref<250x40xi32, #tpu.memory_space<hbm>>) target(%arg7 : memref<250x40xi32, #tpu.memory_space<vmem>>) target_semaphore(%run_scoped3A : memref<!tpu.dma_semaphore, #tpu.memory_space<semaphore_mem>>)
      %dma_wait3A = arith.constant 0 : i32
      %dma_wait3A_58 = arith.constant 0 : i32
      %dma_wait3A_59 = arith.constant 0 : i32
      %dma_wait3A_60 = tpu.memref_slice %arg3[%arg0, %dma_wait3A, %dma_wait3A_58, %dma_wait3A_59] : memref<2x16x250x40xi32, #tpu.memory_space<hbm>> -> memref<1x16x250x40xi32, #tpu.memory_space<hbm>>
      %dma_wait3A_61 = tpu.memref_squeeze %dma_wait3A_60 : memref<1x16x250x40xi32, #tpu.memory_space<hbm>> -> memref<16x250x40xi32, #tpu.memory_space<hbm>>
      %dma_wait3A_62 = arith.constant 0 : i32
      %dma_wait3A_63 = arith.constant 0 : i32
      %dma_wait3A_64 = tpu.memref_slice %dma_wait3A_61[%arg1, %dma_wait3A_62, %dma_wait3A_63] : memref<16x250x40xi32, #tpu.memory_space<hbm>> -> memref<1x250x40xi32, #tpu.memory_space<hbm>>
      %dma_wait3A_65 = tpu.memref_squeeze %dma_wait3A_64 : memref<1x250x40xi32, #tpu.memory_space<hbm>> -> memref<250x40xi32, #tpu.memory_space<hbm>>
      %dma_wait3A_66 = arith.constant 0 : i32
      %dma_wait3A_67 = arith.constant 0 : i32
      %dma_wait3A_68 = arith.constant 0 : i32
      %dma_wait3A_69 = tpu.memref_slice %arg3[%arg0, %dma_wait3A_66, %dma_wait3A_67, %dma_wait3A_68] : memref<2x16x250x40xi32, #tpu.memory_space<hbm>> -> memref<1x16x250x40xi32, #tpu.memory_space<hbm>>
      %dma_wait3A_70 = tpu.memref_squeeze %dma_wait3A_69 : memref<1x16x250x40xi32, #tpu.memory_space<hbm>> -> memref<16x250x40xi32, #tpu.memory_space<hbm>>
      %dma_wait3A_71 = arith.constant 0 : i32
      %dma_wait3A_72 = arith.constant 0 : i32
      %dma_wait3A_73 = tpu.memref_slice %dma_wait3A_70[%arg1, %dma_wait3A_71, %dma_wait3A_72] : memref<16x250x40xi32, #tpu.memory_space<hbm>> -> memref<1x250x40xi32, #tpu.memory_space<hbm>>
      %dma_wait3A_74 = tpu.memref_squeeze %dma_wait3A_73 : memref<1x250x40xi32, #tpu.memory_space<hbm>> -> memref<250x40xi32, #tpu.memory_space<hbm>>
      tpu.wait_dma2 semaphore(%run_scoped3A : memref<!tpu.dma_semaphore, #tpu.memory_space<semaphore_mem>>) src(%dma_wait3A_74 : memref<250x40xi32, #tpu.memory_space<hbm>>) dst(%arg7 : memref<250x40xi32, #tpu.memory_space<vmem>>)
      tpu.yield
    }) : () -> ()
    "tpu.region"() ({
      %run_scoped3A = tpu.sem_alloc : memref<!tpu.dma_semaphore, #tpu.memory_space<semaphore_mem>>
      %dma_start3A_40 = arith.constant 0 : i32
      %dma_start3A_41 = arith.constant 0 : i32
      %dma_start3A_42 = arith.constant 0 : i32
      %dma_start3A_43 = tpu.memref_slice %arg4[%arg0, %dma_start3A_40, %dma_start3A_41, %dma_start3A_42] : memref<2x16x250x40xi32, #tpu.memory_space<hbm>> -> memref<1x16x250x40xi32, #tpu.memory_space<hbm>>
      %dma_start3A_44 = tpu.memref_squeeze %dma_start3A_43 : memref<1x16x250x40xi32, #tpu.memory_space<hbm>> -> memref<16x250x40xi32, #tpu.memory_space<hbm>>
      %dma_start3A_45 = arith.constant 0 : i32
      %dma_start3A_46 = arith.constant 0 : i32
      %dma_start3A_47 = tpu.memref_slice %dma_start3A_44[%arg1, %dma_start3A_45, %dma_start3A_46] : memref<16x250x40xi32, #tpu.memory_space<hbm>> -> memref<1x250x40xi32, #tpu.memory_space<hbm>>
      %dma_start3A_48 = tpu.memref_squeeze %dma_start3A_47 : memref<1x250x40xi32, #tpu.memory_space<hbm>> -> memref<250x40xi32, #tpu.memory_space<hbm>>
      %dma_start3A_49 = arith.constant 0 : i32
      %dma_start3A_50 = arith.constant 0 : i32
      %dma_start3A_51 = arith.constant 0 : i32
      %dma_start3A_52 = tpu.memref_slice %arg4[%arg0, %dma_start3A_49, %dma_start3A_50, %dma_start3A_51] : memref<2x16x250x40xi32, #tpu.memory_space<hbm>> -> memref<1x16x250x40xi32, #tpu.memory_space<hbm>>
      %dma_start3A_53 = tpu.memref_squeeze %dma_start3A_52 : memref<1x16x250x40xi32, #tpu.memory_space<hbm>> -> memref<16x250x40xi32, #tpu.memory_space<hbm>>
      %dma_start3A_54 = arith.constant 0 : i32
      %dma_start3A_55 = arith.constant 0 : i32
      %dma_start3A_56 = tpu.memref_slice %dma_start3A_53[%arg1, %dma_start3A_54, %dma_start3A_55] : memref<16x250x40xi32, #tpu.memory_space<hbm>> -> memref<1x250x40xi32, #tpu.memory_space<hbm>>
      %dma_start3A_57 = tpu.memref_squeeze %dma_start3A_56 : memref<1x250x40xi32, #tpu.memory_space<hbm>> -> memref<250x40xi32, #tpu.memory_space<hbm>>
      tpu.enqueue_dma source(%dma_start3A_57 : memref<250x40xi32, #tpu.memory_space<hbm>>) target(%arg8 : memref<250x40xi32, #tpu.memory_space<vmem>>) target_semaphore(%run_scoped3A : memref<!tpu.dma_semaphore, #tpu.memory_space<semaphore_mem>>)
      %dma_wait3A = arith.constant 0 : i32
      %dma_wait3A_58 = arith.constant 0 : i32
      %dma_wait3A_59 = arith.constant 0 : i32
      %dma_wait3A_60 = tpu.memref_slice %arg4[%arg0, %dma_wait3A, %dma_wait3A_58, %dma_wait3A_59] : memref<2x16x250x40xi32, #tpu.memory_space<hbm>> -> memref<1x16x250x40xi32, #tpu.memory_space<hbm>>
      %dma_wait3A_61 = tpu.memref_squeeze %dma_wait3A_60 : memref<1x16x250x40xi32, #tpu.memory_space<hbm>> -> memref<16x250x40xi32, #tpu.memory_space<hbm>>
      %dma_wait3A_62 = arith.constant 0 : i32
      %dma_wait3A_63 = arith.constant 0 : i32
      %dma_wait3A_64 = tpu.memref_slice %dma_wait3A_61[%arg1, %dma_wait3A_62, %dma_wait3A_63] : memref<16x250x40xi32, #tpu.memory_space<hbm>> -> memref<1x250x40xi32, #tpu.memory_space<hbm>>
      %dma_wait3A_65 = tpu.memref_squeeze %dma_wait3A_64 : memref<1x250x40xi32, #tpu.memory_space<hbm>> -> memref<250x40xi32, #tpu.memory_space<hbm>>
      %dma_wait3A_66 = arith.constant 0 : i32
      %dma_wait3A_67 = arith.constant 0 : i32
      %dma_wait3A_68 = arith.constant 0 : i32
      %dma_wait3A_69 = tpu.memref_slice %arg4[%arg0, %dma_wait3A_66, %dma_wait3A_67, %dma_wait3A_68] : memref<2x16x250x40xi32, #tpu.memory_space<hbm>> -> memref<1x16x250x40xi32, #tpu.memory_space<hbm>>
      %dma_wait3A_70 = tpu.memref_squeeze %dma_wait3A_69 : memref<1x16x250x40xi32, #tpu.memory_space<hbm>> -> memref<16x250x40xi32, #tpu.memory_space<hbm>>
      %dma_wait3A_71 = arith.constant 0 : i32
      %dma_wait3A_72 = arith.constant 0 : i32
      %dma_wait3A_73 = tpu.memref_slice %dma_wait3A_70[%arg1, %dma_wait3A_71, %dma_wait3A_72] : memref<16x250x40xi32, #tpu.memory_space<hbm>> -> memref<1x250x40xi32, #tpu.memory_space<hbm>>
      %dma_wait3A_74 = tpu.memref_squeeze %dma_wait3A_73 : memref<1x250x40xi32, #tpu.memory_space<hbm>> -> memref<250x40xi32, #tpu.memory_space<hbm>>
      tpu.wait_dma2 semaphore(%run_scoped3A : memref<!tpu.dma_semaphore, #tpu.memory_space<semaphore_mem>>) src(%dma_wait3A_74 : memref<250x40xi32, #tpu.memory_space<hbm>>) dst(%arg8 : memref<250x40xi32, #tpu.memory_space<vmem>>)
      tpu.yield
    }) : () -> ()
    %mul3A = arith.constant 640 : i32
    %mul3A_0 = arith.muli %arg1, %mul3A : i32
    "tpu.region"() ({
      %run_scoped3A = tpu.sem_alloc : memref<!tpu.dma_semaphore, #tpu.memory_space<semaphore_mem>>
      %dma_start3A_40 = arith.constant 0 : i32
      %dma_start3A_41 = tpu.memref_slice %arg14[%mul3A_0, %dma_start3A_40] : memref<10240x128xf32, #tpu.memory_space<vmem_shared>> -> memref<640x128xf32, #tpu.memory_space<vmem_shared>>
      %dma_start3A_42 = arith.constant 0 : i32
      %dma_start3A_43 = tpu.memref_slice %arg5[%mul3A_0, %dma_start3A_42] : memref<10240x128xf32, #tpu.memory_space<hbm>> -> memref<640x128xf32, #tpu.memory_space<hbm>>
      tpu.enqueue_dma source(%dma_start3A_43 : memref<640x128xf32, #tpu.memory_space<hbm>>) target(%dma_start3A_41 : memref<640x128xf32, #tpu.memory_space<vmem_shared>>) target_semaphore(%run_scoped3A : memref<!tpu.dma_semaphore, #tpu.memory_space<semaphore_mem>>)
      %dma_wait3A = arith.constant 0 : i32
      %dma_wait3A_44 = tpu.memref_slice %arg14[%mul3A_0, %dma_wait3A] : memref<10240x128xf32, #tpu.memory_space<vmem_shared>> -> memref<640x128xf32, #tpu.memory_space<vmem_shared>>
      %dma_wait3A_45 = arith.constant 0 : i32
      %dma_wait3A_46 = tpu.memref_slice %arg5[%mul3A_0, %dma_wait3A_45] : memref<10240x128xf32, #tpu.memory_space<hbm>> -> memref<640x128xf32, #tpu.memory_space<hbm>>
      tpu.wait_dma2 semaphore(%run_scoped3A : memref<!tpu.dma_semaphore, #tpu.memory_space<semaphore_mem>>) src(%dma_wait3A_46 : memref<640x128xf32, #tpu.memory_space<hbm>>) dst(%dma_wait3A_44 : memref<640x128xf32, #tpu.memory_space<vmem_shared>>)
      tpu.yield
    }) : () -> ()
    %barrier3A = arith.constant 0 : index
    tpu.barrier barrier_id(%barrier3A)
    %dma_start3A = arith.constant 0 : i32
    %dma_start3A_1 = arith.constant 0 : i32
    %dma_start3A_2 = tpu.memref_slice %arg7[%dma_start3A, %dma_start3A_1] : memref<250x40xi32, #tpu.memory_space<vmem>> -> memref<1x40xi32, #tpu.memory_space<vmem>>
    %dma_start3A_3 = tpu.memref_squeeze %dma_start3A_2 : memref<1x40xi32, #tpu.memory_space<vmem>> -> memref<40xi32, #tpu.memory_space<vmem>>
    %dma_start3A_4 = arith.constant 0 : i32
    %dma_start3A_5 = arith.constant 0 : i32
    %dma_start3A_6 = tpu.memref_slice %arg2[%dma_start3A_4, %dma_start3A_5] : memref<10240x128xf32, #tpu.memory_space<hbm>> -> memref<10240x128xf32, #tpu.memory_space<hbm>>
    tpu.enqueue_indirect_dma source(%dma_start3A_6 : memref<10240x128xf32, #tpu.memory_space<hbm>>) target(%arg9 : memref<40x128xf32, #tpu.memory_space<vmem>>) offsets(%dma_start3A_3 : memref<40xi32, #tpu.memory_space<vmem>>) semaphore(%arg15 : memref<!tpu.dma_semaphore, #tpu.memory_space<semaphore_mem>>)
    %dma_start3A_7 = arith.constant 1 : i32
    %dma_start3A_8 = arith.constant 0 : i32
    %dma_start3A_9 = tpu.memref_slice %arg7[%dma_start3A_7, %dma_start3A_8] : memref<250x40xi32, #tpu.memory_space<vmem>> -> memref<1x40xi32, #tpu.memory_space<vmem>>
    %dma_start3A_10 = tpu.memref_squeeze %dma_start3A_9 : memref<1x40xi32, #tpu.memory_space<vmem>> -> memref<40xi32, #tpu.memory_space<vmem>>
    %dma_start3A_11 = arith.constant 0 : i32
    %dma_start3A_12 = arith.constant 0 : i32
    %dma_start3A_13 = tpu.memref_slice %arg2[%dma_start3A_11, %dma_start3A_12] : memref<10240x128xf32, #tpu.memory_space<hbm>> -> memref<10240x128xf32, #tpu.memory_space<hbm>>
    tpu.enqueue_indirect_dma source(%dma_start3A_13 : memref<10240x128xf32, #tpu.memory_space<hbm>>) target(%arg10 : memref<40x128xf32, #tpu.memory_space<vmem>>) offsets(%dma_start3A_10 : memref<40xi32, #tpu.memory_space<vmem>>) semaphore(%arg16 : memref<!tpu.dma_semaphore, #tpu.memory_space<semaphore_mem>>)
    %dma_start3A_14 = arith.constant 2 : i32
    %dma_start3A_15 = arith.constant 0 : i32
    %dma_start3A_16 = tpu.memref_slice %arg7[%dma_start3A_14, %dma_start3A_15] : memref<250x40xi32, #tpu.memory_space<vmem>> -> memref<1x40xi32, #tpu.memory_space<vmem>>
    %dma_start3A_17 = tpu.memref_squeeze %dma_start3A_16 : memref<1x40xi32, #tpu.memory_space<vmem>> -> memref<40xi32, #tpu.memory_space<vmem>>
    %dma_start3A_18 = arith.constant 0 : i32
    %dma_start3A_19 = arith.constant 0 : i32
    %dma_start3A_20 = tpu.memref_slice %arg2[%dma_start3A_18, %dma_start3A_19] : memref<10240x128xf32, #tpu.memory_space<hbm>> -> memref<10240x128xf32, #tpu.memory_space<hbm>>
    tpu.enqueue_indirect_dma source(%dma_start3A_20 : memref<10240x128xf32, #tpu.memory_space<hbm>>) target(%arg11 : memref<40x128xf32, #tpu.memory_space<vmem>>) offsets(%dma_start3A_17 : memref<40xi32, #tpu.memory_space<vmem>>) semaphore(%arg17 : memref<!tpu.dma_semaphore, #tpu.memory_space<semaphore_mem>>)
    %dma_start3A_21 = arith.constant 3 : i32
    %dma_start3A_22 = arith.constant 0 : i32
    %dma_start3A_23 = tpu.memref_slice %arg7[%dma_start3A_21, %dma_start3A_22] : memref<250x40xi32, #tpu.memory_space<vmem>> -> memref<1x40xi32, #tpu.memory_space<vmem>>
    %dma_start3A_24 = tpu.memref_squeeze %dma_start3A_23 : memref<1x40xi32, #tpu.memory_space<vmem>> -> memref<40xi32, #tpu.memory_space<vmem>>
    %dma_start3A_25 = arith.constant 0 : i32
    %dma_start3A_26 = arith.constant 0 : i32
    %dma_start3A_27 = tpu.memref_slice %arg2[%dma_start3A_25, %dma_start3A_26] : memref<10240x128xf32, #tpu.memory_space<hbm>> -> memref<10240x128xf32, #tpu.memory_space<hbm>>
    tpu.enqueue_indirect_dma source(%dma_start3A_27 : memref<10240x128xf32, #tpu.memory_space<hbm>>) target(%arg12 : memref<40x128xf32, #tpu.memory_space<vmem>>) offsets(%dma_start3A_24 : memref<40xi32, #tpu.memory_space<vmem>>) semaphore(%arg18 : memref<!tpu.dma_semaphore, #tpu.memory_space<semaphore_mem>>)
    %dma_start3A_28 = arith.constant 4 : i32
    %dma_start3A_29 = arith.constant 0 : i32
    %dma_start3A_30 = tpu.memref_slice %arg7[%dma_start3A_28, %dma_start3A_29] : memref<250x40xi32, #tpu.memory_space<vmem>> -> memref<1x40xi32, #tpu.memory_space<vmem>>
    %dma_start3A_31 = tpu.memref_squeeze %dma_start3A_30 : memref<1x40xi32, #tpu.memory_space<vmem>> -> memref<40xi32, #tpu.memory_space<vmem>>
    %dma_start3A_32 = arith.constant 0 : i32
    %dma_start3A_33 = arith.constant 0 : i32
    %dma_start3A_34 = tpu.memref_slice %arg2[%dma_start3A_32, %dma_start3A_33] : memref<10240x128xf32, #tpu.memory_space<hbm>> -> memref<10240x128xf32, #tpu.memory_space<hbm>>
    tpu.enqueue_indirect_dma source(%dma_start3A_34 : memref<10240x128xf32, #tpu.memory_space<hbm>>) target(%arg13 : memref<40x128xf32, #tpu.memory_space<vmem>>) offsets(%dma_start3A_31 : memref<40xi32, #tpu.memory_space<vmem>>) semaphore(%arg19 : memref<!tpu.dma_semaphore, #tpu.memory_space<semaphore_mem>>)
    %scan3A = arith.constant 0 : i32
    %scan3A_35 = arith.constant 50 : i32
    %scan3A_36 = arith.addi %scan3A, %scan3A_35 : i32
    %scan3A_37 = arith.constant 1 : i32
    scf.for %scan3A_40 = %scan3A to %scan3A_36 step %scan3A_37  : i32 {
      %mul3A_41 = arith.constant 5 : i32
      %mul3A_42 = arith.muli %scan3A_40, %mul3A_41 : i32
      %add3A = arith.constant 0 : i32
      %add3A_43 = arith.addi %add3A, %mul3A_42 : i32
      %dma_wait3A = arith.constant 0 : i32
      %dma_wait3A_44 = arith.constant 0 : i32
      %dma_wait3A_45 = tpu.memref_slice %arg7[%dma_wait3A, %dma_wait3A_44] : memref<250x40xi32, #tpu.memory_space<vmem>> -> memref<1x40xi32, #tpu.memory_space<vmem>>
      %dma_wait3A_46 = tpu.memref_squeeze %dma_wait3A_45 : memref<1x40xi32, #tpu.memory_space<vmem>> -> memref<40xi32, #tpu.memory_space<vmem>>
      %dma_wait3A_47 = arith.constant 0 : i32
      %dma_wait3A_48 = arith.constant 0 : i32
      %dma_wait3A_49 = tpu.memref_slice %arg2[%dma_wait3A_47, %dma_wait3A_48] : memref<10240x128xf32, #tpu.memory_space<hbm>> -> memref<10240x128xf32, #tpu.memory_space<hbm>>
      tpu.wait_indirect_dma semaphore(%arg15 : memref<!tpu.dma_semaphore, #tpu.memory_space<semaphore_mem>>) src(%dma_wait3A_49 : memref<10240x128xf32, #tpu.memory_space<hbm>>) dst(%arg9 : memref<40x128xf32, #tpu.memory_space<vmem>>)
      %add3A_50 = arith.constant 0 : i32
      %add3A_51 = arith.addi %add3A_43, %add3A_50 : i32
      "tpu.region"() ({
        %run_scoped3A = tpu.sem_alloc : memref<!tpu.dma_semaphore, #tpu.memory_space<semaphore_mem>>
        %dma_start3A_130 = arith.constant 0 : i32
        %dma_start3A_131 = tpu.memref_slice %arg8[%add3A_51, %dma_start3A_130] : memref<250x40xi32, #tpu.memory_space<vmem>> -> memref<1x40xi32, #tpu.memory_space<vmem>>
        %dma_start3A_132 = tpu.memref_squeeze %dma_start3A_131 : memref<1x40xi32, #tpu.memory_space<vmem>> -> memref<40xi32, #tpu.memory_space<vmem>>
        %dma_start3A_133 = arith.constant 0 : i32
        %dma_start3A_134 = arith.constant 0 : i32
        %dma_start3A_135 = tpu.memref_slice %arg14[%dma_start3A_133, %dma_start3A_134] : memref<10240x128xf32, #tpu.memory_space<vmem_shared>> -> memref<10240x128xf32, #tpu.memory_space<vmem_shared>>
        tpu.enqueue_indirect_dma source(%arg9 : memref<40x128xf32, #tpu.memory_space<vmem>>) target(%dma_start3A_135 : memref<10240x128xf32, #tpu.memory_space<vmem_shared>>) offsets(%dma_start3A_132 : memref<40xi32, #tpu.memory_space<vmem>>) semaphore(%run_scoped3A : memref<!tpu.dma_semaphore, #tpu.memory_space<semaphore_mem>>) {add = true}
        %dma_wait3A_136 = arith.constant 0 : i32
        %dma_wait3A_137 = tpu.memref_slice %arg8[%add3A_51, %dma_wait3A_136] : memref<250x40xi32, #tpu.memory_space<vmem>> -> memref<1x40xi32, #tpu.memory_space<vmem>>
        %dma_wait3A_138 = tpu.memref_squeeze %dma_wait3A_137 : memref<1x40xi32, #tpu.memory_space<vmem>> -> memref<40xi32, #tpu.memory_space<vmem>>
        %dma_wait3A_139 = arith.constant 0 : i32
        %dma_wait3A_140 = arith.constant 0 : i32
        %dma_wait3A_141 = tpu.memref_slice %arg14[%dma_wait3A_139, %dma_wait3A_140] : memref<10240x128xf32, #tpu.memory_space<vmem_shared>> -> memref<10240x128xf32, #tpu.memory_space<vmem_shared>>
        tpu.wait_indirect_dma semaphore(%run_scoped3A : memref<!tpu.dma_semaphore, #tpu.memory_space<semaphore_mem>>) src(%arg9 : memref<40x128xf32, #tpu.memory_space<vmem>>) dst(%dma_wait3A_141 : memref<10240x128xf32, #tpu.memory_space<vmem_shared>>)
        tpu.yield
      }) : () -> ()
      %add3A_52 = arith.constant 0 : i32
      %add3A_53 = arith.addi %add3A_43, %add3A_52 : i32
      %add3A_54 = arith.constant 5 : i32
      %add3A_55 = arith.addi %add3A_53, %add3A_54 : i32
      %lt3A = arith.constant 250 : i32
      %lt3A_56 = arith.cmpi slt, %add3A_55, %lt3A : i32
      %convert_element_type3A = arith.extui %lt3A_56 : i1 to i32
      %cond3A = arith.constant 0 : i32
      %cond3A_57 = arith.cmpi ne, %convert_element_type3A, %cond3A : i32
      scf.if %cond3A_57 {
        %add3A_130 = arith.constant 0 : i32
        %add3A_131 = arith.addi %add3A_43, %add3A_130 : i32
        %add3A_132 = arith.constant 5 : i32
        %add3A_133 = arith.addi %add3A_131, %add3A_132 : i32
        %dma_start3A_134 = arith.constant 0 : i32
        %dma_start3A_135 = tpu.memref_slice %arg7[%add3A_133, %dma_start3A_134] : memref<250x40xi32, #tpu.memory_space<vmem>> -> memref<1x40xi32, #tpu.memory_space<vmem>>
        %dma_start3A_136 = tpu.memref_squeeze %dma_start3A_135 : memref<1x40xi32, #tpu.memory_space<vmem>> -> memref<40xi32, #tpu.memory_space<vmem>>
        %dma_start3A_137 = arith.constant 0 : i32
        %dma_start3A_138 = arith.constant 0 : i32
        %dma_start3A_139 = tpu.memref_slice %arg2[%dma_start3A_137, %dma_start3A_138] : memref<10240x128xf32, #tpu.memory_space<hbm>> -> memref<10240x128xf32, #tpu.memory_space<hbm>>
        tpu.enqueue_indirect_dma source(%dma_start3A_139 : memref<10240x128xf32, #tpu.memory_space<hbm>>) target(%arg9 : memref<40x128xf32, #tpu.memory_space<vmem>>) offsets(%dma_start3A_136 : memref<40xi32, #tpu.memory_space<vmem>>) semaphore(%arg15 : memref<!tpu.dma_semaphore, #tpu.memory_space<semaphore_mem>>)
      } else {
      }
      %dma_wait3A_58 = arith.constant 0 : i32
      %dma_wait3A_59 = arith.constant 0 : i32
      %dma_wait3A_60 = tpu.memref_slice %arg7[%dma_wait3A_58, %dma_wait3A_59] : memref<250x40xi32, #tpu.memory_space<vmem>> -> memref<1x40xi32, #tpu.memory_space<vmem>>
      %dma_wait3A_61 = tpu.memref_squeeze %dma_wait3A_60 : memref<1x40xi32, #tpu.memory_space<vmem>> -> memref<40xi32, #tpu.memory_space<vmem>>
      %dma_wait3A_62 = arith.constant 0 : i32
      %dma_wait3A_63 = arith.constant 0 : i32
      %dma_wait3A_64 = tpu.memref_slice %arg2[%dma_wait3A_62, %dma_wait3A_63] : memref<10240x128xf32, #tpu.memory_space<hbm>> -> memref<10240x128xf32, #tpu.memory_space<hbm>>
      tpu.wait_indirect_dma semaphore(%arg16 : memref<!tpu.dma_semaphore, #tpu.memory_space<semaphore_mem>>) src(%dma_wait3A_64 : memref<10240x128xf32, #tpu.memory_space<hbm>>) dst(%arg10 : memref<40x128xf32, #tpu.memory_space<vmem>>)
      %add3A_65 = arith.constant 1 : i32
      %add3A_66 = arith.addi %add3A_43, %add3A_65 : i32
      "tpu.region"() ({
        %run_scoped3A = tpu.sem_alloc : memref<!tpu.dma_semaphore, #tpu.memory_space<semaphore_mem>>
        %dma_start3A_130 = arith.constant 0 : i32
        %dma_start3A_131 = tpu.memref_slice %arg8[%add3A_66, %dma_start3A_130] : memref<250x40xi32, #tpu.memory_space<vmem>> -> memref<1x40xi32, #tpu.memory_space<vmem>>
        %dma_start3A_132 = tpu.memref_squeeze %dma_start3A_131 : memref<1x40xi32, #tpu.memory_space<vmem>> -> memref<40xi32, #tpu.memory_space<vmem>>
        %dma_start3A_133 = arith.constant 0 : i32
        %dma_start3A_134 = arith.constant 0 : i32
        %dma_start3A_135 = tpu.memref_slice %arg14[%dma_start3A_133, %dma_start3A_134] : memref<10240x128xf32, #tpu.memory_space<vmem_shared>> -> memref<10240x128xf32, #tpu.memory_space<vmem_shared>>
        tpu.enqueue_indirect_dma source(%arg10 : memref<40x128xf32, #tpu.memory_space<vmem>>) target(%dma_start3A_135 : memref<10240x128xf32, #tpu.memory_space<vmem_shared>>) offsets(%dma_start3A_132 : memref<40xi32, #tpu.memory_space<vmem>>) semaphore(%run_scoped3A : memref<!tpu.dma_semaphore, #tpu.memory_space<semaphore_mem>>) {add = true}
        %dma_wait3A_136 = arith.constant 0 : i32
        %dma_wait3A_137 = tpu.memref_slice %arg8[%add3A_66, %dma_wait3A_136] : memref<250x40xi32, #tpu.memory_space<vmem>> -> memref<1x40xi32, #tpu.memory_space<vmem>>
        %dma_wait3A_138 = tpu.memref_squeeze %dma_wait3A_137 : memref<1x40xi32, #tpu.memory_space<vmem>> -> memref<40xi32, #tpu.memory_space<vmem>>
        %dma_wait3A_139 = arith.constant 0 : i32
        %dma_wait3A_140 = arith.constant 0 : i32
        %dma_wait3A_141 = tpu.memref_slice %arg14[%dma_wait3A_139, %dma_wait3A_140] : memref<10240x128xf32, #tpu.memory_space<vmem_shared>> -> memref<10240x128xf32, #tpu.memory_space<vmem_shared>>
        tpu.wait_indirect_dma semaphore(%run_scoped3A : memref<!tpu.dma_semaphore, #tpu.memory_space<semaphore_mem>>) src(%arg10 : memref<40x128xf32, #tpu.memory_space<vmem>>) dst(%dma_wait3A_141 : memref<10240x128xf32, #tpu.memory_space<vmem_shared>>)
        tpu.yield
      }) : () -> ()
      %add3A_67 = arith.constant 1 : i32
      %add3A_68 = arith.addi %add3A_43, %add3A_67 : i32
      %add3A_69 = arith.constant 5 : i32
      %add3A_70 = arith.addi %add3A_68, %add3A_69 : i32
      %lt3A_71 = arith.constant 250 : i32
      %lt3A_72 = arith.cmpi slt, %add3A_70, %lt3A_71 : i32
      %convert_element_type3A_73 = arith.extui %lt3A_72 : i1 to i32
      %cond3A_74 = arith.constant 0 : i32
      %cond3A_75 = arith.cmpi ne, %convert_element_type3A_73, %cond3A_74 : i32
      scf.if %cond3A_75 {
        %add3A_130 = arith.constant 1 : i32
        %add3A_131 = arith.addi %add3A_43, %add3A_130 : i32
        %add3A_132 = arith.constant 5 : i32
        %add3A_133 = arith.addi %add3A_131, %add3A_132 : i32
        %dma_start3A_134 = arith.constant 0 : i32
        %dma_start3A_135 = tpu.memref_slice %arg7[%add3A_133, %dma_start3A_134] : memref<250x40xi32, #tpu.memory_space<vmem>> -> memref<1x40xi32, #tpu.memory_space<vmem>>
        %dma_start3A_136 = tpu.memref_squeeze %dma_start3A_135 : memref<1x40xi32, #tpu.memory_space<vmem>> -> memref<40xi32, #tpu.memory_space<vmem>>
        %dma_start3A_137 = arith.constant 0 : i32
        %dma_start3A_138 = arith.constant 0 : i32
        %dma_start3A_139 = tpu.memref_slice %arg2[%dma_start3A_137, %dma_start3A_138] : memref<10240x128xf32, #tpu.memory_space<hbm>> -> memref<10240x128xf32, #tpu.memory_space<hbm>>
        tpu.enqueue_indirect_dma source(%dma_start3A_139 : memref<10240x128xf32, #tpu.memory_space<hbm>>) target(%arg10 : memref<40x128xf32, #tpu.memory_space<vmem>>) offsets(%dma_start3A_136 : memref<40xi32, #tpu.memory_space<vmem>>) semaphore(%arg16 : memref<!tpu.dma_semaphore, #tpu.memory_space<semaphore_mem>>)
      } else {
      }
      %dma_wait3A_76 = arith.constant 0 : i32
      %dma_wait3A_77 = arith.constant 0 : i32
      %dma_wait3A_78 = tpu.memref_slice %arg7[%dma_wait3A_76, %dma_wait3A_77] : memref<250x40xi32, #tpu.memory_space<vmem>> -> memref<1x40xi32, #tpu.memory_space<vmem>>
      %dma_wait3A_79 = tpu.memref_squeeze %dma_wait3A_78 : memref<1x40xi32, #tpu.memory_space<vmem>> -> memref<40xi32, #tpu.memory_space<vmem>>
      %dma_wait3A_80 = arith.constant 0 : i32
      %dma_wait3A_81 = arith.constant 0 : i32
      %dma_wait3A_82 = tpu.memref_slice %arg2[%dma_wait3A_80, %dma_wait3A_81] : memref<10240x128xf32, #tpu.memory_space<hbm>> -> memref<10240x128xf32, #tpu.memory_space<hbm>>
      tpu.wait_indirect_dma semaphore(%arg17 : memref<!tpu.dma_semaphore, #tpu.memory_space<semaphore_mem>>) src(%dma_wait3A_82 : memref<10240x128xf32, #tpu.memory_space<hbm>>) dst(%arg11 : memref<40x128xf32, #tpu.memory_space<vmem>>)
      %add3A_83 = arith.constant 2 : i32
      %add3A_84 = arith.addi %add3A_43, %add3A_83 : i32
      "tpu.region"() ({
        %run_scoped3A = tpu.sem_alloc : memref<!tpu.dma_semaphore, #tpu.memory_space<semaphore_mem>>
        %dma_start3A_130 = arith.constant 0 : i32
        %dma_start3A_131 = tpu.memref_slice %arg8[%add3A_84, %dma_start3A_130] : memref<250x40xi32, #tpu.memory_space<vmem>> -> memref<1x40xi32, #tpu.memory_space<vmem>>
        %dma_start3A_132 = tpu.memref_squeeze %dma_start3A_131 : memref<1x40xi32, #tpu.memory_space<vmem>> -> memref<40xi32, #tpu.memory_space<vmem>>
        %dma_start3A_133 = arith.constant 0 : i32
        %dma_start3A_134 = arith.constant 0 : i32
        %dma_start3A_135 = tpu.memref_slice %arg14[%dma_start3A_133, %dma_start3A_134] : memref<10240x128xf32, #tpu.memory_space<vmem_shared>> -> memref<10240x128xf32, #tpu.memory_space<vmem_shared>>
        tpu.enqueue_indirect_dma source(%arg11 : memref<40x128xf32, #tpu.memory_space<vmem>>) target(%dma_start3A_135 : memref<10240x128xf32, #tpu.memory_space<vmem_shared>>) offsets(%dma_start3A_132 : memref<40xi32, #tpu.memory_space<vmem>>) semaphore(%run_scoped3A : memref<!tpu.dma_semaphore, #tpu.memory_space<semaphore_mem>>) {add = true}
        %dma_wait3A_136 = arith.constant 0 : i32
        %dma_wait3A_137 = tpu.memref_slice %arg8[%add3A_84, %dma_wait3A_136] : memref<250x40xi32, #tpu.memory_space<vmem>> -> memref<1x40xi32, #tpu.memory_space<vmem>>
        %dma_wait3A_138 = tpu.memref_squeeze %dma_wait3A_137 : memref<1x40xi32, #tpu.memory_space<vmem>> -> memref<40xi32, #tpu.memory_space<vmem>>
        %dma_wait3A_139 = arith.constant 0 : i32
        %dma_wait3A_140 = arith.constant 0 : i32
        %dma_wait3A_141 = tpu.memref_slice %arg14[%dma_wait3A_139, %dma_wait3A_140] : memref<10240x128xf32, #tpu.memory_space<vmem_shared>> -> memref<10240x128xf32, #tpu.memory_space<vmem_shared>>
        tpu.wait_indirect_dma semaphore(%run_scoped3A : memref<!tpu.dma_semaphore, #tpu.memory_space<semaphore_mem>>) src(%arg11 : memref<40x128xf32, #tpu.memory_space<vmem>>) dst(%dma_wait3A_141 : memref<10240x128xf32, #tpu.memory_space<vmem_shared>>)
        tpu.yield
      }) : () -> ()
      %add3A_85 = arith.constant 2 : i32
      %add3A_86 = arith.addi %add3A_43, %add3A_85 : i32
      %add3A_87 = arith.constant 5 : i32
      %add3A_88 = arith.addi %add3A_86, %add3A_87 : i32
      %lt3A_89 = arith.constant 250 : i32
      %lt3A_90 = arith.cmpi slt, %add3A_88, %lt3A_89 : i32
      %convert_element_type3A_91 = arith.extui %lt3A_90 : i1 to i32
      %cond3A_92 = arith.constant 0 : i32
      %cond3A_93 = arith.cmpi ne, %convert_element_type3A_91, %cond3A_92 : i32
      scf.if %cond3A_93 {
        %add3A_130 = arith.constant 2 : i32
        %add3A_131 = arith.addi %add3A_43, %add3A_130 : i32
        %add3A_132 = arith.constant 5 : i32
        %add3A_133 = arith.addi %add3A_131, %add3A_132 : i32
        %dma_start3A_134 = arith.constant 0 : i32
        %dma_start3A_135 = tpu.memref_slice %arg7[%add3A_133, %dma_start3A_134] : memref<250x40xi32, #tpu.memory_space<vmem>> -> memref<1x40xi32, #tpu.memory_space<vmem>>
        %dma_start3A_136 = tpu.memref_squeeze %dma_start3A_135 : memref<1x40xi32, #tpu.memory_space<vmem>> -> memref<40xi32, #tpu.memory_space<vmem>>
        %dma_start3A_137 = arith.constant 0 : i32
        %dma_start3A_138 = arith.constant 0 : i32
        %dma_start3A_139 = tpu.memref_slice %arg2[%dma_start3A_137, %dma_start3A_138] : memref<10240x128xf32, #tpu.memory_space<hbm>> -> memref<10240x128xf32, #tpu.memory_space<hbm>>
        tpu.enqueue_indirect_dma source(%dma_start3A_139 : memref<10240x128xf32, #tpu.memory_space<hbm>>) target(%arg11 : memref<40x128xf32, #tpu.memory_space<vmem>>) offsets(%dma_start3A_136 : memref<40xi32, #tpu.memory_space<vmem>>) semaphore(%arg17 : memref<!tpu.dma_semaphore, #tpu.memory_space<semaphore_mem>>)
      } else {
      }
      %dma_wait3A_94 = arith.constant 0 : i32
      %dma_wait3A_95 = arith.constant 0 : i32
      %dma_wait3A_96 = tpu.memref_slice %arg7[%dma_wait3A_94, %dma_wait3A_95] : memref<250x40xi32, #tpu.memory_space<vmem>> -> memref<1x40xi32, #tpu.memory_space<vmem>>
      %dma_wait3A_97 = tpu.memref_squeeze %dma_wait3A_96 : memref<1x40xi32, #tpu.memory_space<vmem>> -> memref<40xi32, #tpu.memory_space<vmem>>
      %dma_wait3A_98 = arith.constant 0 : i32
      %dma_wait3A_99 = arith.constant 0 : i32
      %dma_wait3A_100 = tpu.memref_slice %arg2[%dma_wait3A_98, %dma_wait3A_99] : memref<10240x128xf32, #tpu.memory_space<hbm>> -> memref<10240x128xf32, #tpu.memory_space<hbm>>
      tpu.wait_indirect_dma semaphore(%arg18 : memref<!tpu.dma_semaphore, #tpu.memory_space<semaphore_mem>>) src(%dma_wait3A_100 : memref<10240x128xf32, #tpu.memory_space<hbm>>) dst(%arg12 : memref<40x128xf32, #tpu.memory_space<vmem>>)
      %add3A_101 = arith.constant 3 : i32
      %add3A_102 = arith.addi %add3A_43, %add3A_101 : i32
      "tpu.region"() ({
        %run_scoped3A = tpu.sem_alloc : memref<!tpu.dma_semaphore, #tpu.memory_space<semaphore_mem>>
        %dma_start3A_130 = arith.constant 0 : i32
        %dma_start3A_131 = tpu.memref_slice %arg8[%add3A_102, %dma_start3A_130] : memref<250x40xi32, #tpu.memory_space<vmem>> -> memref<1x40xi32, #tpu.memory_space<vmem>>
        %dma_start3A_132 = tpu.memref_squeeze %dma_start3A_131 : memref<1x40xi32, #tpu.memory_space<vmem>> -> memref<40xi32, #tpu.memory_space<vmem>>
        %dma_start3A_133 = arith.constant 0 : i32
        %dma_start3A_134 = arith.constant 0 : i32
        %dma_start3A_135 = tpu.memref_slice %arg14[%dma_start3A_133, %dma_start3A_134] : memref<10240x128xf32, #tpu.memory_space<vmem_shared>> -> memref<10240x128xf32, #tpu.memory_space<vmem_shared>>
        tpu.enqueue_indirect_dma source(%arg12 : memref<40x128xf32, #tpu.memory_space<vmem>>) target(%dma_start3A_135 : memref<10240x128xf32, #tpu.memory_space<vmem_shared>>) offsets(%dma_start3A_132 : memref<40xi32, #tpu.memory_space<vmem>>) semaphore(%run_scoped3A : memref<!tpu.dma_semaphore, #tpu.memory_space<semaphore_mem>>) {add = true}
        %dma_wait3A_136 = arith.constant 0 : i32
        %dma_wait3A_137 = tpu.memref_slice %arg8[%add3A_102, %dma_wait3A_136] : memref<250x40xi32, #tpu.memory_space<vmem>> -> memref<1x40xi32, #tpu.memory_space<vmem>>
        %dma_wait3A_138 = tpu.memref_squeeze %dma_wait3A_137 : memref<1x40xi32, #tpu.memory_space<vmem>> -> memref<40xi32, #tpu.memory_space<vmem>>
        %dma_wait3A_139 = arith.constant 0 : i32
        %dma_wait3A_140 = arith.constant 0 : i32
        %dma_wait3A_141 = tpu.memref_slice %arg14[%dma_wait3A_139, %dma_wait3A_140] : memref<10240x128xf32, #tpu.memory_space<vmem_shared>> -> memref<10240x128xf32, #tpu.memory_space<vmem_shared>>
        tpu.wait_indirect_dma semaphore(%run_scoped3A : memref<!tpu.dma_semaphore, #tpu.memory_space<semaphore_mem>>) src(%arg12 : memref<40x128xf32, #tpu.memory_space<vmem>>) dst(%dma_wait3A_141 : memref<10240x128xf32, #tpu.memory_space<vmem_shared>>)
        tpu.yield
      }) : () -> ()
      %add3A_103 = arith.constant 3 : i32
      %add3A_104 = arith.addi %add3A_43, %add3A_103 : i32
      %add3A_105 = arith.constant 5 : i32
      %add3A_106 = arith.addi %add3A_104, %add3A_105 : i32
      %lt3A_107 = arith.constant 250 : i32
      %lt3A_108 = arith.cmpi slt, %add3A_106, %lt3A_107 : i32
      %convert_element_type3A_109 = arith.extui %lt3A_108 : i1 to i32
      %cond3A_110 = arith.constant 0 : i32
      %cond3A_111 = arith.cmpi ne, %convert_element_type3A_109, %cond3A_110 : i32
      scf.if %cond3A_111 {
        %add3A_130 = arith.constant 3 : i32
        %add3A_131 = arith.addi %add3A_43, %add3A_130 : i32
        %add3A_132 = arith.constant 5 : i32
        %add3A_133 = arith.addi %add3A_131, %add3A_132 : i32
        %dma_start3A_134 = arith.constant 0 : i32
        %dma_start3A_135 = tpu.memref_slice %arg7[%add3A_133, %dma_start3A_134] : memref<250x40xi32, #tpu.memory_space<vmem>> -> memref<1x40xi32, #tpu.memory_space<vmem>>
        %dma_start3A_136 = tpu.memref_squeeze %dma_start3A_135 : memref<1x40xi32, #tpu.memory_space<vmem>> -> memref<40xi32, #tpu.memory_space<vmem>>
        %dma_start3A_137 = arith.constant 0 : i32
        %dma_start3A_138 = arith.constant 0 : i32
        %dma_start3A_139 = tpu.memref_slice %arg2[%dma_start3A_137, %dma_start3A_138] : memref<10240x128xf32, #tpu.memory_space<hbm>> -> memref<10240x128xf32, #tpu.memory_space<hbm>>
        tpu.enqueue_indirect_dma source(%dma_start3A_139 : memref<10240x128xf32, #tpu.memory_space<hbm>>) target(%arg12 : memref<40x128xf32, #tpu.memory_space<vmem>>) offsets(%dma_start3A_136 : memref<40xi32, #tpu.memory_space<vmem>>) semaphore(%arg18 : memref<!tpu.dma_semaphore, #tpu.memory_space<semaphore_mem>>)
      } else {
      }
      %dma_wait3A_112 = arith.constant 0 : i32
      %dma_wait3A_113 = arith.constant 0 : i32
      %dma_wait3A_114 = tpu.memref_slice %arg7[%dma_wait3A_112, %dma_wait3A_113] : memref<250x40xi32, #tpu.memory_space<vmem>> -> memref<1x40xi32, #tpu.memory_space<vmem>>
      %dma_wait3A_115 = tpu.memref_squeeze %dma_wait3A_114 : memref<1x40xi32, #tpu.memory_space<vmem>> -> memref<40xi32, #tpu.memory_space<vmem>>
      %dma_wait3A_116 = arith.constant 0 : i32
      %dma_wait3A_117 = arith.constant 0 : i32
      %dma_wait3A_118 = tpu.memref_slice %arg2[%dma_wait3A_116, %dma_wait3A_117] : memref<10240x128xf32, #tpu.memory_space<hbm>> -> memref<10240x128xf32, #tpu.memory_space<hbm>>
      tpu.wait_indirect_dma semaphore(%arg19 : memref<!tpu.dma_semaphore, #tpu.memory_space<semaphore_mem>>) src(%dma_wait3A_118 : memref<10240x128xf32, #tpu.memory_space<hbm>>) dst(%arg13 : memref<40x128xf32, #tpu.memory_space<vmem>>)
      %add3A_119 = arith.constant 4 : i32
      %add3A_120 = arith.addi %add3A_43, %add3A_119 : i32
      "tpu.region"() ({
        %run_scoped3A = tpu.sem_alloc : memref<!tpu.dma_semaphore, #tpu.memory_space<semaphore_mem>>
        %dma_start3A_130 = arith.constant 0 : i32
        %dma_start3A_131 = tpu.memref_slice %arg8[%add3A_120, %dma_start3A_130] : memref<250x40xi32, #tpu.memory_space<vmem>> -> memref<1x40xi32, #tpu.memory_space<vmem>>
        %dma_start3A_132 = tpu.memref_squeeze %dma_start3A_131 : memref<1x40xi32, #tpu.memory_space<vmem>> -> memref<40xi32, #tpu.memory_space<vmem>>
        %dma_start3A_133 = arith.constant 0 : i32
        %dma_start3A_134 = arith.constant 0 : i32
        %dma_start3A_135 = tpu.memref_slice %arg14[%dma_start3A_133, %dma_start3A_134] : memref<10240x128xf32, #tpu.memory_space<vmem_shared>> -> memref<10240x128xf32, #tpu.memory_space<vmem_shared>>
        tpu.enqueue_indirect_dma source(%arg13 : memref<40x128xf32, #tpu.memory_space<vmem>>) target(%dma_start3A_135 : memref<10240x128xf32, #tpu.memory_space<vmem_shared>>) offsets(%dma_start3A_132 : memref<40xi32, #tpu.memory_space<vmem>>) semaphore(%run_scoped3A : memref<!tpu.dma_semaphore, #tpu.memory_space<semaphore_mem>>) {add = true}
        %dma_wait3A_136 = arith.constant 0 : i32
        %dma_wait3A_137 = tpu.memref_slice %arg8[%add3A_120, %dma_wait3A_136] : memref<250x40xi32, #tpu.memory_space<vmem>> -> memref<1x40xi32, #tpu.memory_space<vmem>>
        %dma_wait3A_138 = tpu.memref_squeeze %dma_wait3A_137 : memref<1x40xi32, #tpu.memory_space<vmem>> -> memref<40xi32, #tpu.memory_space<vmem>>
        %dma_wait3A_139 = arith.constant 0 : i32
        %dma_wait3A_140 = arith.constant 0 : i32
        %dma_wait3A_141 = tpu.memref_slice %arg14[%dma_wait3A_139, %dma_wait3A_140] : memref<10240x128xf32, #tpu.memory_space<vmem_shared>> -> memref<10240x128xf32, #tpu.memory_space<vmem_shared>>
        tpu.wait_indirect_dma semaphore(%run_scoped3A : memref<!tpu.dma_semaphore, #tpu.memory_space<semaphore_mem>>) src(%arg13 : memref<40x128xf32, #tpu.memory_space<vmem>>) dst(%dma_wait3A_141 : memref<10240x128xf32, #tpu.memory_space<vmem_shared>>)
        tpu.yield
      }) : () -> ()
      %add3A_121 = arith.constant 4 : i32
      %add3A_122 = arith.addi %add3A_43, %add3A_121 : i32
      %add3A_123 = arith.constant 5 : i32
      %add3A_124 = arith.addi %add3A_122, %add3A_123 : i32
      %lt3A_125 = arith.constant 250 : i32
      %lt3A_126 = arith.cmpi slt, %add3A_124, %lt3A_125 : i32
      %convert_element_type3A_127 = arith.extui %lt3A_126 : i1 to i32
      %cond3A_128 = arith.constant 0 : i32
      %cond3A_129 = arith.cmpi ne, %convert_element_type3A_127, %cond3A_128 : i32
      scf.if %cond3A_129 {
        %add3A_130 = arith.constant 4 : i32
        %add3A_131 = arith.addi %add3A_43, %add3A_130 : i32
        %add3A_132 = arith.constant 5 : i32
        %add3A_133 = arith.addi %add3A_131, %add3A_132 : i32
        %dma_start3A_134 = arith.constant 0 : i32
        %dma_start3A_135 = tpu.memref_slice %arg7[%add3A_133, %dma_start3A_134] : memref<250x40xi32, #tpu.memory_space<vmem>> -> memref<1x40xi32, #tpu.memory_space<vmem>>
        %dma_start3A_136 = tpu.memref_squeeze %dma_start3A_135 : memref<1x40xi32, #tpu.memory_space<vmem>> -> memref<40xi32, #tpu.memory_space<vmem>>
        %dma_start3A_137 = arith.constant 0 : i32
        %dma_start3A_138 = arith.constant 0 : i32
        %dma_start3A_139 = tpu.memref_slice %arg2[%dma_start3A_137, %dma_start3A_138] : memref<10240x128xf32, #tpu.memory_space<hbm>> -> memref<10240x128xf32, #tpu.memory_space<hbm>>
        tpu.enqueue_indirect_dma source(%dma_start3A_139 : memref<10240x128xf32, #tpu.memory_space<hbm>>) target(%arg13 : memref<40x128xf32, #tpu.memory_space<vmem>>) offsets(%dma_start3A_136 : memref<40xi32, #tpu.memory_space<vmem>>) semaphore(%arg19 : memref<!tpu.dma_semaphore, #tpu.memory_space<semaphore_mem>>)
      } else {
      }
    }
    %scan3A_38 = arith.constant 50 : i32
    %barrier3A_39 = arith.constant 0 : index
    tpu.barrier barrier_id(%barrier3A_39)
    "tpu.region"() ({
      %run_scoped3A = tpu.sem_alloc : memref<!tpu.dma_semaphore, #tpu.memory_space<semaphore_mem>>
      %dma_start3A_40 = arith.constant 0 : i32
      %dma_start3A_41 = arith.constant 0 : i32
      %dma_start3A_42 = tpu.memref_slice %arg6[%arg0, %dma_start3A_40, %dma_start3A_41] : memref<2x10240x128xf32, #tpu.memory_space<hbm>> -> memref<1x10240x128xf32, #tpu.memory_space<hbm>>
      %dma_start3A_43 = tpu.memref_squeeze %dma_start3A_42 : memref<1x10240x128xf32, #tpu.memory_space<hbm>> -> memref<10240x128xf32, #tpu.memory_space<hbm>>
      %dma_start3A_44 = arith.constant 0 : i32
      %dma_start3A_45 = tpu.memref_slice %dma_start3A_43[%mul3A_0, %dma_start3A_44] : memref<10240x128xf32, #tpu.memory_space<hbm>> -> memref<640x128xf32, #tpu.memory_space<hbm>>
      %dma_start3A_46 = arith.constant 0 : i32
      %dma_start3A_47 = tpu.memref_slice %arg14[%mul3A_0, %dma_start3A_46] : memref<10240x128xf32, #tpu.memory_space<vmem_shared>> -> memref<640x128xf32, #tpu.memory_space<vmem_shared>>
      tpu.enqueue_dma source(%dma_start3A_47 : memref<640x128xf32, #tpu.memory_space<vmem_shared>>) target(%dma_start3A_45 : memref<640x128xf32, #tpu.memory_space<hbm>>) target_semaphore(%run_scoped3A : memref<!tpu.dma_semaphore, #tpu.memory_space<semaphore_mem>>)
      %dma_wait3A = arith.constant 0 : i32
      %dma_wait3A_48 = arith.constant 0 : i32
      %dma_wait3A_49 = tpu.memref_slice %arg6[%arg0, %dma_wait3A, %dma_wait3A_48] : memref<2x10240x128xf32, #tpu.memory_space<hbm>> -> memref<1x10240x128xf32, #tpu.memory_space<hbm>>
      %dma_wait3A_50 = tpu.memref_squeeze %dma_wait3A_49 : memref<1x10240x128xf32, #tpu.memory_space<hbm>> -> memref<10240x128xf32, #tpu.memory_space<hbm>>
      %dma_wait3A_51 = arith.constant 0 : i32
      %dma_wait3A_52 = tpu.memref_slice %dma_wait3A_50[%mul3A_0, %dma_wait3A_51] : memref<10240x128xf32, #tpu.memory_space<hbm>> -> memref<640x128xf32, #tpu.memory_space<hbm>>
      %dma_wait3A_53 = arith.constant 0 : i32
      %dma_wait3A_54 = tpu.memref_slice %arg14[%mul3A_0, %dma_wait3A_53] : memref<10240x128xf32, #tpu.memory_space<vmem_shared>> -> memref<640x128xf32, #tpu.memory_space<vmem_shared>>
      tpu.wait_dma2 semaphore(%run_scoped3A : memref<!tpu.dma_semaphore, #tpu.memory_space<semaphore_mem>>) src(%dma_wait3A_54 : memref<640x128xf32, #tpu.memory_space<vmem_shared>>) dst(%dma_wait3A_52 : memref<640x128xf32, #tpu.memory_space<hbm>>)
      tpu.yield
    }) : () -> ()
    return
  }
}

#map = affine_map<(d0, d1) -> (0, 0)>
#map1 = affine_map<(d0, d1) -> (0, 0, 0, 0)>
#map2 = affine_map<(d0, d1) -> (0, 0, 0)>
module attributes {stable_mosaic.version = 14 : i64} {
  func.func @_sc_aggregate(%arg0: i32, %arg1: i32, %arg2: memref<10240x128xf32, #tpu.memory_space<hbm>>, %arg3: memref<2x16x250x40xi32, #tpu.memory_space<hbm>>, %arg4: memref<2x16x250x40xi32, #tpu.memory_space<hbm>>, %arg5: memref<10240x128xf32, #tpu.memory_space<hbm>>, %arg6: memref<2x10240x128xf32, #tpu.memory_space<hbm>>, %arg7: memref<250x40xi32, #tpu.memory_space<vmem>>, %arg8: memref<250x40xi32, #tpu.memory_space<vmem>>, %arg9: memref<40x128xf32, #tpu.memory_space<vmem>>, %arg10: memref<40x128xf32, #tpu.memory_space<vmem>>, %arg11: memref<40x128xf32, #tpu.memory_space<vmem>>, %arg12: memref<40x128xf32, #tpu.memory_space<vmem>>, %arg13: memref<40x128xf32, #tpu.memory_space<vmem>>, %arg14: memref<10240x128xf32, #tpu.memory_space<vmem_shared>>, %arg15: memref<!tpu.dma_semaphore, #tpu.memory_space<semaphore_mem>>, %arg16: memref<!tpu.dma_semaphore, #tpu.memory_space<semaphore_mem>>, %arg17: memref<!tpu.dma_semaphore, #tpu.memory_space<semaphore_mem>>, %arg18: memref<!tpu.dma_semaphore, #tpu.memory_space<semaphore_mem>>, %arg19: memref<!tpu.dma_semaphore, #tpu.memory_space<semaphore_mem>>) attributes {dimension_semantics = [#tpu.dimension_semantics<core_parallel>, #tpu.dimension_semantics<subcore_parallel>], iteration_bounds = array<i64: 2, 16>, scalar_prefetch = 0 : i64, scratch_operands = 13 : i64, tpu.core_type = #tpu.core_type<sc_vector_subcore>, window_params = [{transform_indices = #map}, {transform_indices = #map1}, {transform_indices = #map1}, {transform_indices = #map}, {transform_indices = #map2}]} {
    "tpu.region"() ({
      %run_scoped3A = tpu.sem_alloc : memref<!tpu.dma_semaphore, #tpu.memory_space<semaphore_mem>>
      %dma_start3A_40 = arith.constant 0 : i32
      %dma_start3A_41 = arith.constant 0 : i32
      %dma_start3A_42 = arith.constant 0 : i32
      %dma_start3A_43 = tpu.memref_slice %arg3[%arg0, %dma_start3A_40, %dma_start3A_41, %dma_start3A_42] : memref<2x16x250x40xi32, #tpu.memory_space<hbm>> -> memref<1x16x250x40xi32, #tpu.memory_space<hbm>>
      %dma_start3A_44 = tpu.memref_squeeze %dma_start3A_43 : memref<1x16x250x40xi32, #tpu.memory_space<hbm>> -> memref<16x250x40xi32, #tpu.memory_space<hbm>>
      %dma_start3A_45 = arith.constant 0 : i32
      %dma_start3A_46 = arith.constant 0 : i32
      %dma_start3A_47 = tpu.memref_slice %dma_start3A_44[%arg1, %dma_start3A_45, %dma_start3A_46] : memref<16x250x40xi32, #tpu.memory_space<hbm>> -> memref<1x250x40xi32, #tpu.memory_space<hbm>>
      %dma_start3A_48 = tpu.memref_squeeze %dma_start3A_47 : memref<1x250x40xi32, #tpu.memory_space<hbm>> -> memref<250x40xi32, #tpu.memory_space<hbm>>
      %dma_start3A_49 = arith.constant 0 : i32
      %dma_start3A_50 = arith.constant 0 : i32
      %dma_start3A_51 = arith.constant 0 : i32
      %dma_start3A_52 = tpu.memref_slice %arg3[%arg0, %dma_start3A_49, %dma_start3A_50, %dma_start3A_51] : memref<2x16x250x40xi32, #tpu.memory_space<hbm>> -> memref<1x16x250x40xi32, #tpu.memory_space<hbm>>
      %dma_start3A_53 = tpu.memref_squeeze %dma_start3A_52 : memref<1x16x250x40xi32, #tpu.memory_space<hbm>> -> memref<16x250x40xi32, #tpu.memory_space<hbm>>
      %dma_start3A_54 = arith.constant 0 : i32
      %dma_start3A_55 = arith.constant 0 : i32
      %dma_start3A_56 = tpu.memref_slice %dma_start3A_53[%arg1, %dma_start3A_54, %dma_start3A_55] : memref<16x250x40xi32, #tpu.memory_space<hbm>> -> memref<1x250x40xi32, #tpu.memory_space<hbm>>
      %dma_start3A_57 = tpu.memref_squeeze %dma_start3A_56 : memref<1x250x40xi32, #tpu.memory_space<hbm>> -> memref<250x40xi32, #tpu.memory_space<hbm>>
      tpu.enqueue_dma source(%dma_start3A_57 : memref<250x40xi32, #tpu.memory_space<hbm>>) target(%arg7 : memref<250x40xi32, #tpu.memory_space<vmem>>) target_semaphore(%run_scoped3A : memref<!tpu.dma_semaphore, #tpu.memory_space<semaphore_mem>>)
      %dma_wait3A = arith.constant 0 : i32
      %dma_wait3A_58 = arith.constant 0 : i32
      %dma_wait3A_59 = arith.constant 0 : i32
      %dma_wait3A_60 = tpu.memref_slice %arg3[%arg0, %dma_wait3A, %dma_wait3A_58, %dma_wait3A_59] : memref<2x16x250x40xi32, #tpu.memory_space<hbm>> -> memref<1x16x250x40xi32, #tpu.memory_space<hbm>>
      %dma_wait3A_61 = tpu.memref_squeeze %dma_wait3A_60 : memref<1x16x250x40xi32, #tpu.memory_space<hbm>> -> memref<16x250x40xi32, #tpu.memory_space<hbm>>
      %dma_wait3A_62 = arith.constant 0 : i32
      %dma_wait3A_63 = arith.constant 0 : i32
      %dma_wait3A_64 = tpu.memref_slice %dma_wait3A_61[%arg1, %dma_wait3A_62, %dma_wait3A_63] : memref<16x250x40xi32, #tpu.memory_space<hbm>> -> memref<1x250x40xi32, #tpu.memory_space<hbm>>
      %dma_wait3A_65 = tpu.memref_squeeze %dma_wait3A_64 : memref<1x250x40xi32, #tpu.memory_space<hbm>> -> memref<250x40xi32, #tpu.memory_space<hbm>>
      %dma_wait3A_66 = arith.constant 0 : i32
      %dma_wait3A_67 = arith.constant 0 : i32
      %dma_wait3A_68 = arith.constant 0 : i32
      %dma_wait3A_69 = tpu.memref_slice %arg3[%arg0, %dma_wait3A_66, %dma_wait3A_67, %dma_wait3A_68] : memref<2x16x250x40xi32, #tpu.memory_space<hbm>> -> memref<1x16x250x40xi32, #tpu.memory_space<hbm>>
      %dma_wait3A_70 = tpu.memref_squeeze %dma_wait3A_69 : memref<1x16x250x40xi32, #tpu.memory_space<hbm>> -> memref<16x250x40xi32, #tpu.memory_space<hbm>>
      %dma_wait3A_71 = arith.constant 0 : i32
      %dma_wait3A_72 = arith.constant 0 : i32
      %dma_wait3A_73 = tpu.memref_slice %dma_wait3A_70[%arg1, %dma_wait3A_71, %dma_wait3A_72] : memref<16x250x40xi32, #tpu.memory_space<hbm>> -> memref<1x250x40xi32, #tpu.memory_space<hbm>>
      %dma_wait3A_74 = tpu.memref_squeeze %dma_wait3A_73 : memref<1x250x40xi32, #tpu.memory_space<hbm>> -> memref<250x40xi32, #tpu.memory_space<hbm>>
      tpu.wait_dma2 semaphore(%run_scoped3A : memref<!tpu.dma_semaphore, #tpu.memory_space<semaphore_mem>>) src(%dma_wait3A_74 : memref<250x40xi32, #tpu.memory_space<hbm>>) dst(%arg7 : memref<250x40xi32, #tpu.memory_space<vmem>>)
      tpu.yield
    }) : () -> ()
    "tpu.region"() ({
      %run_scoped3A = tpu.sem_alloc : memref<!tpu.dma_semaphore, #tpu.memory_space<semaphore_mem>>
      %dma_start3A_40 = arith.constant 0 : i32
      %dma_start3A_41 = arith.constant 0 : i32
      %dma_start3A_42 = arith.constant 0 : i32
      %dma_start3A_43 = tpu.memref_slice %arg4[%arg0, %dma_start3A_40, %dma_start3A_41, %dma_start3A_42] : memref<2x16x250x40xi32, #tpu.memory_space<hbm>> -> memref<1x16x250x40xi32, #tpu.memory_space<hbm>>
      %dma_start3A_44 = tpu.memref_squeeze %dma_start3A_43 : memref<1x16x250x40xi32, #tpu.memory_space<hbm>> -> memref<16x250x40xi32, #tpu.memory_space<hbm>>
      %dma_start3A_45 = arith.constant 0 : i32
      %dma_start3A_46 = arith.constant 0 : i32
      %dma_start3A_47 = tpu.memref_slice %dma_start3A_44[%arg1, %dma_start3A_45, %dma_start3A_46] : memref<16x250x40xi32, #tpu.memory_space<hbm>> -> memref<1x250x40xi32, #tpu.memory_space<hbm>>
      %dma_start3A_48 = tpu.memref_squeeze %dma_start3A_47 : memref<1x250x40xi32, #tpu.memory_space<hbm>> -> memref<250x40xi32, #tpu.memory_space<hbm>>
      %dma_start3A_49 = arith.constant 0 : i32
      %dma_start3A_50 = arith.constant 0 : i32
      %dma_start3A_51 = arith.constant 0 : i32
      %dma_start3A_52 = tpu.memref_slice %arg4[%arg0, %dma_start3A_49, %dma_start3A_50, %dma_start3A_51] : memref<2x16x250x40xi32, #tpu.memory_space<hbm>> -> memref<1x16x250x40xi32, #tpu.memory_space<hbm>>
      %dma_start3A_53 = tpu.memref_squeeze %dma_start3A_52 : memref<1x16x250x40xi32, #tpu.memory_space<hbm>> -> memref<16x250x40xi32, #tpu.memory_space<hbm>>
      %dma_start3A_54 = arith.constant 0 : i32
      %dma_start3A_55 = arith.constant 0 : i32
      %dma_start3A_56 = tpu.memref_slice %dma_start3A_53[%arg1, %dma_start3A_54, %dma_start3A_55] : memref<16x250x40xi32, #tpu.memory_space<hbm>> -> memref<1x250x40xi32, #tpu.memory_space<hbm>>
      %dma_start3A_57 = tpu.memref_squeeze %dma_start3A_56 : memref<1x250x40xi32, #tpu.memory_space<hbm>> -> memref<250x40xi32, #tpu.memory_space<hbm>>
      tpu.enqueue_dma source(%dma_start3A_57 : memref<250x40xi32, #tpu.memory_space<hbm>>) target(%arg8 : memref<250x40xi32, #tpu.memory_space<vmem>>) target_semaphore(%run_scoped3A : memref<!tpu.dma_semaphore, #tpu.memory_space<semaphore_mem>>)
      %dma_wait3A = arith.constant 0 : i32
      %dma_wait3A_58 = arith.constant 0 : i32
      %dma_wait3A_59 = arith.constant 0 : i32
      %dma_wait3A_60 = tpu.memref_slice %arg4[%arg0, %dma_wait3A, %dma_wait3A_58, %dma_wait3A_59] : memref<2x16x250x40xi32, #tpu.memory_space<hbm>> -> memref<1x16x250x40xi32, #tpu.memory_space<hbm>>
      %dma_wait3A_61 = tpu.memref_squeeze %dma_wait3A_60 : memref<1x16x250x40xi32, #tpu.memory_space<hbm>> -> memref<16x250x40xi32, #tpu.memory_space<hbm>>
      %dma_wait3A_62 = arith.constant 0 : i32
      %dma_wait3A_63 = arith.constant 0 : i32
      %dma_wait3A_64 = tpu.memref_slice %dma_wait3A_61[%arg1, %dma_wait3A_62, %dma_wait3A_63] : memref<16x250x40xi32, #tpu.memory_space<hbm>> -> memref<1x250x40xi32, #tpu.memory_space<hbm>>
      %dma_wait3A_65 = tpu.memref_squeeze %dma_wait3A_64 : memref<1x250x40xi32, #tpu.memory_space<hbm>> -> memref<250x40xi32, #tpu.memory_space<hbm>>
      %dma_wait3A_66 = arith.constant 0 : i32
      %dma_wait3A_67 = arith.constant 0 : i32
      %dma_wait3A_68 = arith.constant 0 : i32
      %dma_wait3A_69 = tpu.memref_slice %arg4[%arg0, %dma_wait3A_66, %dma_wait3A_67, %dma_wait3A_68] : memref<2x16x250x40xi32, #tpu.memory_space<hbm>> -> memref<1x16x250x40xi32, #tpu.memory_space<hbm>>
      %dma_wait3A_70 = tpu.memref_squeeze %dma_wait3A_69 : memref<1x16x250x40xi32, #tpu.memory_space<hbm>> -> memref<16x250x40xi32, #tpu.memory_space<hbm>>
      %dma_wait3A_71 = arith.constant 0 : i32
      %dma_wait3A_72 = arith.constant 0 : i32
      %dma_wait3A_73 = tpu.memref_slice %dma_wait3A_70[%arg1, %dma_wait3A_71, %dma_wait3A_72] : memref<16x250x40xi32, #tpu.memory_space<hbm>> -> memref<1x250x40xi32, #tpu.memory_space<hbm>>
      %dma_wait3A_74 = tpu.memref_squeeze %dma_wait3A_73 : memref<1x250x40xi32, #tpu.memory_space<hbm>> -> memref<250x40xi32, #tpu.memory_space<hbm>>
      tpu.wait_dma2 semaphore(%run_scoped3A : memref<!tpu.dma_semaphore, #tpu.memory_space<semaphore_mem>>) src(%dma_wait3A_74 : memref<250x40xi32, #tpu.memory_space<hbm>>) dst(%arg8 : memref<250x40xi32, #tpu.memory_space<vmem>>)
      tpu.yield
    }) : () -> ()
    %mul3A = arith.constant 640 : i32
    %mul3A_0 = arith.muli %arg1, %mul3A : i32
    "tpu.region"() ({
      %run_scoped3A = tpu.sem_alloc : memref<!tpu.dma_semaphore, #tpu.memory_space<semaphore_mem>>
      %dma_start3A_40 = arith.constant 0 : i32
      %dma_start3A_41 = tpu.memref_slice %arg14[%mul3A_0, %dma_start3A_40] : memref<10240x128xf32, #tpu.memory_space<vmem_shared>> -> memref<640x128xf32, #tpu.memory_space<vmem_shared>>
      %dma_start3A_42 = arith.constant 0 : i32
      %dma_start3A_43 = tpu.memref_slice %arg5[%mul3A_0, %dma_start3A_42] : memref<10240x128xf32, #tpu.memory_space<hbm>> -> memref<640x128xf32, #tpu.memory_space<hbm>>
      tpu.enqueue_dma source(%dma_start3A_43 : memref<640x128xf32, #tpu.memory_space<hbm>>) target(%dma_start3A_41 : memref<640x128xf32, #tpu.memory_space<vmem_shared>>) target_semaphore(%run_scoped3A : memref<!tpu.dma_semaphore, #tpu.memory_space<semaphore_mem>>)
      %dma_wait3A = arith.constant 0 : i32
      %dma_wait3A_44 = tpu.memref_slice %arg14[%mul3A_0, %dma_wait3A] : memref<10240x128xf32, #tpu.memory_space<vmem_shared>> -> memref<640x128xf32, #tpu.memory_space<vmem_shared>>
      %dma_wait3A_45 = arith.constant 0 : i32
      %dma_wait3A_46 = tpu.memref_slice %arg5[%mul3A_0, %dma_wait3A_45] : memref<10240x128xf32, #tpu.memory_space<hbm>> -> memref<640x128xf32, #tpu.memory_space<hbm>>
      tpu.wait_dma2 semaphore(%run_scoped3A : memref<!tpu.dma_semaphore, #tpu.memory_space<semaphore_mem>>) src(%dma_wait3A_46 : memref<640x128xf32, #tpu.memory_space<hbm>>) dst(%dma_wait3A_44 : memref<640x128xf32, #tpu.memory_space<vmem_shared>>)
      tpu.yield
    }) : () -> ()
    %barrier3A = arith.constant 0 : index
    tpu.barrier barrier_id(%barrier3A)
    %dma_start3A = arith.constant 0 : i32
    %dma_start3A_1 = arith.constant 0 : i32
    %dma_start3A_2 = tpu.memref_slice %arg7[%dma_start3A, %dma_start3A_1] : memref<250x40xi32, #tpu.memory_space<vmem>> -> memref<1x40xi32, #tpu.memory_space<vmem>>
    %dma_start3A_3 = tpu.memref_squeeze %dma_start3A_2 : memref<1x40xi32, #tpu.memory_space<vmem>> -> memref<40xi32, #tpu.memory_space<vmem>>
    %dma_start3A_4 = arith.constant 0 : i32
    %dma_start3A_5 = arith.constant 0 : i32
    %dma_start3A_6 = tpu.memref_slice %arg2[%dma_start3A_4, %dma_start3A_5] : memref<10240x128xf32, #tpu.memory_space<hbm>> -> memref<10240x128xf32, #tpu.memory_space<hbm>>
    tpu.enqueue_indirect_dma source(%dma_start3A_6 : memref<10240x128xf32, #tpu.memory_space<hbm>>) target(%arg9 : memref<40x128xf32, #tpu.memory_space<vmem>>) offsets(%dma_start3A_3 : memref<40xi32, #tpu.memory_space<vmem>>) semaphore(%arg15 : memref<!tpu.dma_semaphore, #tpu.memory_space<semaphore_mem>>)
    %dma_start3A_7 = arith.constant 1 : i32
    %dma_start3A_8 = arith.constant 0 : i32
    %dma_start3A_9 = tpu.memref_slice %arg7[%dma_start3A_7, %dma_start3A_8] : memref<250x40xi32, #tpu.memory_space<vmem>> -> memref<1x40xi32, #tpu.memory_space<vmem>>
    %dma_start3A_10 = tpu.memref_squeeze %dma_start3A_9 : memref<1x40xi32, #tpu.memory_space<vmem>> -> memref<40xi32, #tpu.memory_space<vmem>>
    %dma_start3A_11 = arith.constant 0 : i32
    %dma_start3A_12 = arith.constant 0 : i32
    %dma_start3A_13 = tpu.memref_slice %arg2[%dma_start3A_11, %dma_start3A_12] : memref<10240x128xf32, #tpu.memory_space<hbm>> -> memref<10240x128xf32, #tpu.memory_space<hbm>>
    tpu.enqueue_indirect_dma source(%dma_start3A_13 : memref<10240x128xf32, #tpu.memory_space<hbm>>) target(%arg10 : memref<40x128xf32, #tpu.memory_space<vmem>>) offsets(%dma_start3A_10 : memref<40xi32, #tpu.memory_space<vmem>>) semaphore(%arg16 : memref<!tpu.dma_semaphore, #tpu.memory_space<semaphore_mem>>)
    %dma_start3A_14 = arith.constant 2 : i32
    %dma_start3A_15 = arith.constant 0 : i32
    %dma_start3A_16 = tpu.memref_slice %arg7[%dma_start3A_14, %dma_start3A_15] : memref<250x40xi32, #tpu.memory_space<vmem>> -> memref<1x40xi32, #tpu.memory_space<vmem>>
    %dma_start3A_17 = tpu.memref_squeeze %dma_start3A_16 : memref<1x40xi32, #tpu.memory_space<vmem>> -> memref<40xi32, #tpu.memory_space<vmem>>
    %dma_start3A_18 = arith.constant 0 : i32
    %dma_start3A_19 = arith.constant 0 : i32
    %dma_start3A_20 = tpu.memref_slice %arg2[%dma_start3A_18, %dma_start3A_19] : memref<10240x128xf32, #tpu.memory_space<hbm>> -> memref<10240x128xf32, #tpu.memory_space<hbm>>
    tpu.enqueue_indirect_dma source(%dma_start3A_20 : memref<10240x128xf32, #tpu.memory_space<hbm>>) target(%arg11 : memref<40x128xf32, #tpu.memory_space<vmem>>) offsets(%dma_start3A_17 : memref<40xi32, #tpu.memory_space<vmem>>) semaphore(%arg17 : memref<!tpu.dma_semaphore, #tpu.memory_space<semaphore_mem>>)
    %dma_start3A_21 = arith.constant 3 : i32
    %dma_start3A_22 = arith.constant 0 : i32
    %dma_start3A_23 = tpu.memref_slice %arg7[%dma_start3A_21, %dma_start3A_22] : memref<250x40xi32, #tpu.memory_space<vmem>> -> memref<1x40xi32, #tpu.memory_space<vmem>>
    %dma_start3A_24 = tpu.memref_squeeze %dma_start3A_23 : memref<1x40xi32, #tpu.memory_space<vmem>> -> memref<40xi32, #tpu.memory_space<vmem>>
    %dma_start3A_25 = arith.constant 0 : i32
    %dma_start3A_26 = arith.constant 0 : i32
    %dma_start3A_27 = tpu.memref_slice %arg2[%dma_start3A_25, %dma_start3A_26] : memref<10240x128xf32, #tpu.memory_space<hbm>> -> memref<10240x128xf32, #tpu.memory_space<hbm>>
    tpu.enqueue_indirect_dma source(%dma_start3A_27 : memref<10240x128xf32, #tpu.memory_space<hbm>>) target(%arg12 : memref<40x128xf32, #tpu.memory_space<vmem>>) offsets(%dma_start3A_24 : memref<40xi32, #tpu.memory_space<vmem>>) semaphore(%arg18 : memref<!tpu.dma_semaphore, #tpu.memory_space<semaphore_mem>>)
    %dma_start3A_28 = arith.constant 4 : i32
    %dma_start3A_29 = arith.constant 0 : i32
    %dma_start3A_30 = tpu.memref_slice %arg7[%dma_start3A_28, %dma_start3A_29] : memref<250x40xi32, #tpu.memory_space<vmem>> -> memref<1x40xi32, #tpu.memory_space<vmem>>
    %dma_start3A_31 = tpu.memref_squeeze %dma_start3A_30 : memref<1x40xi32, #tpu.memory_space<vmem>> -> memref<40xi32, #tpu.memory_space<vmem>>
    %dma_start3A_32 = arith.constant 0 : i32
    %dma_start3A_33 = arith.constant 0 : i32
    %dma_start3A_34 = tpu.memref_slice %arg2[%dma_start3A_32, %dma_start3A_33] : memref<10240x128xf32, #tpu.memory_space<hbm>> -> memref<10240x128xf32, #tpu.memory_space<hbm>>
    tpu.enqueue_indirect_dma source(%dma_start3A_34 : memref<10240x128xf32, #tpu.memory_space<hbm>>) target(%arg13 : memref<40x128xf32, #tpu.memory_space<vmem>>) offsets(%dma_start3A_31 : memref<40xi32, #tpu.memory_space<vmem>>) semaphore(%arg19 : memref<!tpu.dma_semaphore, #tpu.memory_space<semaphore_mem>>)
    %scan3A = arith.constant 0 : i32
    %scan3A_35 = arith.constant 50 : i32
    %scan3A_36 = arith.addi %scan3A, %scan3A_35 : i32
    %scan3A_37 = arith.constant 1 : i32
    scf.for %scan3A_40 = %scan3A to %scan3A_36 step %scan3A_37  : i32 {
      %mul3A_41 = arith.constant 5 : i32
      %mul3A_42 = arith.muli %scan3A_40, %mul3A_41 : i32
      %add3A = arith.constant 0 : i32
      %add3A_43 = arith.addi %add3A, %mul3A_42 : i32
      %dma_wait3A = arith.constant 0 : i32
      %dma_wait3A_44 = arith.constant 0 : i32
      %dma_wait3A_45 = tpu.memref_slice %arg7[%dma_wait3A, %dma_wait3A_44] : memref<250x40xi32, #tpu.memory_space<vmem>> -> memref<1x40xi32, #tpu.memory_space<vmem>>
      %dma_wait3A_46 = tpu.memref_squeeze %dma_wait3A_45 : memref<1x40xi32, #tpu.memory_space<vmem>> -> memref<40xi32, #tpu.memory_space<vmem>>
      %dma_wait3A_47 = arith.constant 0 : i32
      %dma_wait3A_48 = arith.constant 0 : i32
      %dma_wait3A_49 = tpu.memref_slice %arg2[%dma_wait3A_47, %dma_wait3A_48] : memref<10240x128xf32, #tpu.memory_space<hbm>> -> memref<10240x128xf32, #tpu.memory_space<hbm>>
      tpu.wait_indirect_dma semaphore(%arg15 : memref<!tpu.dma_semaphore, #tpu.memory_space<semaphore_mem>>) src(%dma_wait3A_49 : memref<10240x128xf32, #tpu.memory_space<hbm>>) dst(%arg9 : memref<40x128xf32, #tpu.memory_space<vmem>>)
      %add3A_50 = arith.constant 0 : i32
      %add3A_51 = arith.addi %add3A_43, %add3A_50 : i32
      "tpu.region"() ({
        %run_scoped3A = tpu.sem_alloc : memref<!tpu.dma_semaphore, #tpu.memory_space<semaphore_mem>>
        %dma_start3A_130 = arith.constant 0 : i32
        %dma_start3A_131 = tpu.memref_slice %arg8[%add3A_51, %dma_start3A_130] : memref<250x40xi32, #tpu.memory_space<vmem>> -> memref<1x40xi32, #tpu.memory_space<vmem>>
        %dma_start3A_132 = tpu.memref_squeeze %dma_start3A_131 : memref<1x40xi32, #tpu.memory_space<vmem>> -> memref<40xi32, #tpu.memory_space<vmem>>
        %dma_start3A_133 = arith.constant 0 : i32
        %dma_start3A_134 = arith.constant 0 : i32
        %dma_start3A_135 = tpu.memref_slice %arg14[%dma_start3A_133, %dma_start3A_134] : memref<10240x128xf32, #tpu.memory_space<vmem_shared>> -> memref<10240x128xf32, #tpu.memory_space<vmem_shared>>
        tpu.enqueue_indirect_dma source(%arg9 : memref<40x128xf32, #tpu.memory_space<vmem>>) target(%dma_start3A_135 : memref<10240x128xf32, #tpu.memory_space<vmem_shared>>) offsets(%dma_start3A_132 : memref<40xi32, #tpu.memory_space<vmem>>) semaphore(%run_scoped3A : memref<!tpu.dma_semaphore, #tpu.memory_space<semaphore_mem>>) {add = true}
        %dma_wait3A_136 = arith.constant 0 : i32
        %dma_wait3A_137 = tpu.memref_slice %arg8[%add3A_51, %dma_wait3A_136] : memref<250x40xi32, #tpu.memory_space<vmem>> -> memref<1x40xi32, #tpu.memory_space<vmem>>
        %dma_wait3A_138 = tpu.memref_squeeze %dma_wait3A_137 : memref<1x40xi32, #tpu.memory_space<vmem>> -> memref<40xi32, #tpu.memory_space<vmem>>
        %dma_wait3A_139 = arith.constant 0 : i32
        %dma_wait3A_140 = arith.constant 0 : i32
        %dma_wait3A_141 = tpu.memref_slice %arg14[%dma_wait3A_139, %dma_wait3A_140] : memref<10240x128xf32, #tpu.memory_space<vmem_shared>> -> memref<10240x128xf32, #tpu.memory_space<vmem_shared>>
        tpu.wait_indirect_dma semaphore(%run_scoped3A : memref<!tpu.dma_semaphore, #tpu.memory_space<semaphore_mem>>) src(%arg9 : memref<40x128xf32, #tpu.memory_space<vmem>>) dst(%dma_wait3A_141 : memref<10240x128xf32, #tpu.memory_space<vmem_shared>>)
        tpu.yield
      }) : () -> ()
      %add3A_52 = arith.constant 0 : i32
      %add3A_53 = arith.addi %add3A_43, %add3A_52 : i32
      %add3A_54 = arith.constant 5 : i32
      %add3A_55 = arith.addi %add3A_53, %add3A_54 : i32
      %lt3A = arith.constant 250 : i32
      %lt3A_56 = arith.cmpi slt, %add3A_55, %lt3A : i32
      %convert_element_type3A = arith.extui %lt3A_56 : i1 to i32
      %cond3A = arith.constant 0 : i32
      %cond3A_57 = arith.cmpi ne, %convert_element_type3A, %cond3A : i32
      scf.if %cond3A_57 {
        %add3A_130 = arith.constant 0 : i32
        %add3A_131 = arith.addi %add3A_43, %add3A_130 : i32
        %add3A_132 = arith.constant 5 : i32
        %add3A_133 = arith.addi %add3A_131, %add3A_132 : i32
        %dma_start3A_134 = arith.constant 0 : i32
        %dma_start3A_135 = tpu.memref_slice %arg7[%add3A_133, %dma_start3A_134] : memref<250x40xi32, #tpu.memory_space<vmem>> -> memref<1x40xi32, #tpu.memory_space<vmem>>
        %dma_start3A_136 = tpu.memref_squeeze %dma_start3A_135 : memref<1x40xi32, #tpu.memory_space<vmem>> -> memref<40xi32, #tpu.memory_space<vmem>>
        %dma_start3A_137 = arith.constant 0 : i32
        %dma_start3A_138 = arith.constant 0 : i32
        %dma_start3A_139 = tpu.memref_slice %arg2[%dma_start3A_137, %dma_start3A_138] : memref<10240x128xf32, #tpu.memory_space<hbm>> -> memref<10240x128xf32, #tpu.memory_space<hbm>>
        tpu.enqueue_indirect_dma source(%dma_start3A_139 : memref<10240x128xf32, #tpu.memory_space<hbm>>) target(%arg9 : memref<40x128xf32, #tpu.memory_space<vmem>>) offsets(%dma_start3A_136 : memref<40xi32, #tpu.memory_space<vmem>>) semaphore(%arg15 : memref<!tpu.dma_semaphore, #tpu.memory_space<semaphore_mem>>)
      } else {
      }
      %dma_wait3A_58 = arith.constant 0 : i32
      %dma_wait3A_59 = arith.constant 0 : i32
      %dma_wait3A_60 = tpu.memref_slice %arg7[%dma_wait3A_58, %dma_wait3A_59] : memref<250x40xi32, #tpu.memory_space<vmem>> -> memref<1x40xi32, #tpu.memory_space<vmem>>
      %dma_wait3A_61 = tpu.memref_squeeze %dma_wait3A_60 : memref<1x40xi32, #tpu.memory_space<vmem>> -> memref<40xi32, #tpu.memory_space<vmem>>
      %dma_wait3A_62 = arith.constant 0 : i32
      %dma_wait3A_63 = arith.constant 0 : i32
      %dma_wait3A_64 = tpu.memref_slice %arg2[%dma_wait3A_62, %dma_wait3A_63] : memref<10240x128xf32, #tpu.memory_space<hbm>> -> memref<10240x128xf32, #tpu.memory_space<hbm>>
      tpu.wait_indirect_dma semaphore(%arg16 : memref<!tpu.dma_semaphore, #tpu.memory_space<semaphore_mem>>) src(%dma_wait3A_64 : memref<10240x128xf32, #tpu.memory_space<hbm>>) dst(%arg10 : memref<40x128xf32, #tpu.memory_space<vmem>>)
      %add3A_65 = arith.constant 1 : i32
      %add3A_66 = arith.addi %add3A_43, %add3A_65 : i32
      "tpu.region"() ({
        %run_scoped3A = tpu.sem_alloc : memref<!tpu.dma_semaphore, #tpu.memory_space<semaphore_mem>>
        %dma_start3A_130 = arith.constant 0 : i32
        %dma_start3A_131 = tpu.memref_slice %arg8[%add3A_66, %dma_start3A_130] : memref<250x40xi32, #tpu.memory_space<vmem>> -> memref<1x40xi32, #tpu.memory_space<vmem>>
        %dma_start3A_132 = tpu.memref_squeeze %dma_start3A_131 : memref<1x40xi32, #tpu.memory_space<vmem>> -> memref<40xi32, #tpu.memory_space<vmem>>
        %dma_start3A_133 = arith.constant 0 : i32
        %dma_start3A_134 = arith.constant 0 : i32
        %dma_start3A_135 = tpu.memref_slice %arg14[%dma_start3A_133, %dma_start3A_134] : memref<10240x128xf32, #tpu.memory_space<vmem_shared>> -> memref<10240x128xf32, #tpu.memory_space<vmem_shared>>
        tpu.enqueue_indirect_dma source(%arg10 : memref<40x128xf32, #tpu.memory_space<vmem>>) target(%dma_start3A_135 : memref<10240x128xf32, #tpu.memory_space<vmem_shared>>) offsets(%dma_start3A_132 : memref<40xi32, #tpu.memory_space<vmem>>) semaphore(%run_scoped3A : memref<!tpu.dma_semaphore, #tpu.memory_space<semaphore_mem>>) {add = true}
        %dma_wait3A_136 = arith.constant 0 : i32
        %dma_wait3A_137 = tpu.memref_slice %arg8[%add3A_66, %dma_wait3A_136] : memref<250x40xi32, #tpu.memory_space<vmem>> -> memref<1x40xi32, #tpu.memory_space<vmem>>
        %dma_wait3A_138 = tpu.memref_squeeze %dma_wait3A_137 : memref<1x40xi32, #tpu.memory_space<vmem>> -> memref<40xi32, #tpu.memory_space<vmem>>
        %dma_wait3A_139 = arith.constant 0 : i32
        %dma_wait3A_140 = arith.constant 0 : i32
        %dma_wait3A_141 = tpu.memref_slice %arg14[%dma_wait3A_139, %dma_wait3A_140] : memref<10240x128xf32, #tpu.memory_space<vmem_shared>> -> memref<10240x128xf32, #tpu.memory_space<vmem_shared>>
        tpu.wait_indirect_dma semaphore(%run_scoped3A : memref<!tpu.dma_semaphore, #tpu.memory_space<semaphore_mem>>) src(%arg10 : memref<40x128xf32, #tpu.memory_space<vmem>>) dst(%dma_wait3A_141 : memref<10240x128xf32, #tpu.memory_space<vmem_shared>>)
        tpu.yield
      }) : () -> ()
      %add3A_67 = arith.constant 1 : i32
      %add3A_68 = arith.addi %add3A_43, %add3A_67 : i32
      %add3A_69 = arith.constant 5 : i32
      %add3A_70 = arith.addi %add3A_68, %add3A_69 : i32
      %lt3A_71 = arith.constant 250 : i32
      %lt3A_72 = arith.cmpi slt, %add3A_70, %lt3A_71 : i32
      %convert_element_type3A_73 = arith.extui %lt3A_72 : i1 to i32
      %cond3A_74 = arith.constant 0 : i32
      %cond3A_75 = arith.cmpi ne, %convert_element_type3A_73, %cond3A_74 : i32
      scf.if %cond3A_75 {
        %add3A_130 = arith.constant 1 : i32
        %add3A_131 = arith.addi %add3A_43, %add3A_130 : i32
        %add3A_132 = arith.constant 5 : i32
        %add3A_133 = arith.addi %add3A_131, %add3A_132 : i32
        %dma_start3A_134 = arith.constant 0 : i32
        %dma_start3A_135 = tpu.memref_slice %arg7[%add3A_133, %dma_start3A_134] : memref<250x40xi32, #tpu.memory_space<vmem>> -> memref<1x40xi32, #tpu.memory_space<vmem>>
        %dma_start3A_136 = tpu.memref_squeeze %dma_start3A_135 : memref<1x40xi32, #tpu.memory_space<vmem>> -> memref<40xi32, #tpu.memory_space<vmem>>
        %dma_start3A_137 = arith.constant 0 : i32
        %dma_start3A_138 = arith.constant 0 : i32
        %dma_start3A_139 = tpu.memref_slice %arg2[%dma_start3A_137, %dma_start3A_138] : memref<10240x128xf32, #tpu.memory_space<hbm>> -> memref<10240x128xf32, #tpu.memory_space<hbm>>
        tpu.enqueue_indirect_dma source(%dma_start3A_139 : memref<10240x128xf32, #tpu.memory_space<hbm>>) target(%arg10 : memref<40x128xf32, #tpu.memory_space<vmem>>) offsets(%dma_start3A_136 : memref<40xi32, #tpu.memory_space<vmem>>) semaphore(%arg16 : memref<!tpu.dma_semaphore, #tpu.memory_space<semaphore_mem>>)
      } else {
      }
      %dma_wait3A_76 = arith.constant 0 : i32
      %dma_wait3A_77 = arith.constant 0 : i32
      %dma_wait3A_78 = tpu.memref_slice %arg7[%dma_wait3A_76, %dma_wait3A_77] : memref<250x40xi32, #tpu.memory_space<vmem>> -> memref<1x40xi32, #tpu.memory_space<vmem>>
      %dma_wait3A_79 = tpu.memref_squeeze %dma_wait3A_78 : memref<1x40xi32, #tpu.memory_space<vmem>> -> memref<40xi32, #tpu.memory_space<vmem>>
      %dma_wait3A_80 = arith.constant 0 : i32
      %dma_wait3A_81 = arith.constant 0 : i32
      %dma_wait3A_82 = tpu.memref_slice %arg2[%dma_wait3A_80, %dma_wait3A_81] : memref<10240x128xf32, #tpu.memory_space<hbm>> -> memref<10240x128xf32, #tpu.memory_space<hbm>>
      tpu.wait_indirect_dma semaphore(%arg17 : memref<!tpu.dma_semaphore, #tpu.memory_space<semaphore_mem>>) src(%dma_wait3A_82 : memref<10240x128xf32, #tpu.memory_space<hbm>>) dst(%arg11 : memref<40x128xf32, #tpu.memory_space<vmem>>)
      %add3A_83 = arith.constant 2 : i32
      %add3A_84 = arith.addi %add3A_43, %add3A_83 : i32
      "tpu.region"() ({
        %run_scoped3A = tpu.sem_alloc : memref<!tpu.dma_semaphore, #tpu.memory_space<semaphore_mem>>
        %dma_start3A_130 = arith.constant 0 : i32
        %dma_start3A_131 = tpu.memref_slice %arg8[%add3A_84, %dma_start3A_130] : memref<250x40xi32, #tpu.memory_space<vmem>> -> memref<1x40xi32, #tpu.memory_space<vmem>>
        %dma_start3A_132 = tpu.memref_squeeze %dma_start3A_131 : memref<1x40xi32, #tpu.memory_space<vmem>> -> memref<40xi32, #tpu.memory_space<vmem>>
        %dma_start3A_133 = arith.constant 0 : i32
        %dma_start3A_134 = arith.constant 0 : i32
        %dma_start3A_135 = tpu.memref_slice %arg14[%dma_start3A_133, %dma_start3A_134] : memref<10240x128xf32, #tpu.memory_space<vmem_shared>> -> memref<10240x128xf32, #tpu.memory_space<vmem_shared>>
        tpu.enqueue_indirect_dma source(%arg11 : memref<40x128xf32, #tpu.memory_space<vmem>>) target(%dma_start3A_135 : memref<10240x128xf32, #tpu.memory_space<vmem_shared>>) offsets(%dma_start3A_132 : memref<40xi32, #tpu.memory_space<vmem>>) semaphore(%run_scoped3A : memref<!tpu.dma_semaphore, #tpu.memory_space<semaphore_mem>>) {add = true}
        %dma_wait3A_136 = arith.constant 0 : i32
        %dma_wait3A_137 = tpu.memref_slice %arg8[%add3A_84, %dma_wait3A_136] : memref<250x40xi32, #tpu.memory_space<vmem>> -> memref<1x40xi32, #tpu.memory_space<vmem>>
        %dma_wait3A_138 = tpu.memref_squeeze %dma_wait3A_137 : memref<1x40xi32, #tpu.memory_space<vmem>> -> memref<40xi32, #tpu.memory_space<vmem>>
        %dma_wait3A_139 = arith.constant 0 : i32
        %dma_wait3A_140 = arith.constant 0 : i32
        %dma_wait3A_141 = tpu.memref_slice %arg14[%dma_wait3A_139, %dma_wait3A_140] : memref<10240x128xf32, #tpu.memory_space<vmem_shared>> -> memref<10240x128xf32, #tpu.memory_space<vmem_shared>>
        tpu.wait_indirect_dma semaphore(%run_scoped3A : memref<!tpu.dma_semaphore, #tpu.memory_space<semaphore_mem>>) src(%arg11 : memref<40x128xf32, #tpu.memory_space<vmem>>) dst(%dma_wait3A_141 : memref<10240x128xf32, #tpu.memory_space<vmem_shared>>)
        tpu.yield
      }) : () -> ()
      %add3A_85 = arith.constant 2 : i32
      %add3A_86 = arith.addi %add3A_43, %add3A_85 : i32
      %add3A_87 = arith.constant 5 : i32
      %add3A_88 = arith.addi %add3A_86, %add3A_87 : i32
      %lt3A_89 = arith.constant 250 : i32
      %lt3A_90 = arith.cmpi slt, %add3A_88, %lt3A_89 : i32
      %convert_element_type3A_91 = arith.extui %lt3A_90 : i1 to i32
      %cond3A_92 = arith.constant 0 : i32
      %cond3A_93 = arith.cmpi ne, %convert_element_type3A_91, %cond3A_92 : i32
      scf.if %cond3A_93 {
        %add3A_130 = arith.constant 2 : i32
        %add3A_131 = arith.addi %add3A_43, %add3A_130 : i32
        %add3A_132 = arith.constant 5 : i32
        %add3A_133 = arith.addi %add3A_131, %add3A_132 : i32
        %dma_start3A_134 = arith.constant 0 : i32
        %dma_start3A_135 = tpu.memref_slice %arg7[%add3A_133, %dma_start3A_134] : memref<250x40xi32, #tpu.memory_space<vmem>> -> memref<1x40xi32, #tpu.memory_space<vmem>>
        %dma_start3A_136 = tpu.memref_squeeze %dma_start3A_135 : memref<1x40xi32, #tpu.memory_space<vmem>> -> memref<40xi32, #tpu.memory_space<vmem>>
        %dma_start3A_137 = arith.constant 0 : i32
        %dma_start3A_138 = arith.constant 0 : i32
        %dma_start3A_139 = tpu.memref_slice %arg2[%dma_start3A_137, %dma_start3A_138] : memref<10240x128xf32, #tpu.memory_space<hbm>> -> memref<10240x128xf32, #tpu.memory_space<hbm>>
        tpu.enqueue_indirect_dma source(%dma_start3A_139 : memref<10240x128xf32, #tpu.memory_space<hbm>>) target(%arg11 : memref<40x128xf32, #tpu.memory_space<vmem>>) offsets(%dma_start3A_136 : memref<40xi32, #tpu.memory_space<vmem>>) semaphore(%arg17 : memref<!tpu.dma_semaphore, #tpu.memory_space<semaphore_mem>>)
      } else {
      }
      %dma_wait3A_94 = arith.constant 0 : i32
      %dma_wait3A_95 = arith.constant 0 : i32
      %dma_wait3A_96 = tpu.memref_slice %arg7[%dma_wait3A_94, %dma_wait3A_95] : memref<250x40xi32, #tpu.memory_space<vmem>> -> memref<1x40xi32, #tpu.memory_space<vmem>>
      %dma_wait3A_97 = tpu.memref_squeeze %dma_wait3A_96 : memref<1x40xi32, #tpu.memory_space<vmem>> -> memref<40xi32, #tpu.memory_space<vmem>>
      %dma_wait3A_98 = arith.constant 0 : i32
      %dma_wait3A_99 = arith.constant 0 : i32
      %dma_wait3A_100 = tpu.memref_slice %arg2[%dma_wait3A_98, %dma_wait3A_99] : memref<10240x128xf32, #tpu.memory_space<hbm>> -> memref<10240x128xf32, #tpu.memory_space<hbm>>
      tpu.wait_indirect_dma semaphore(%arg18 : memref<!tpu.dma_semaphore, #tpu.memory_space<semaphore_mem>>) src(%dma_wait3A_100 : memref<10240x128xf32, #tpu.memory_space<hbm>>) dst(%arg12 : memref<40x128xf32, #tpu.memory_space<vmem>>)
      %add3A_101 = arith.constant 3 : i32
      %add3A_102 = arith.addi %add3A_43, %add3A_101 : i32
      "tpu.region"() ({
        %run_scoped3A = tpu.sem_alloc : memref<!tpu.dma_semaphore, #tpu.memory_space<semaphore_mem>>
        %dma_start3A_130 = arith.constant 0 : i32
        %dma_start3A_131 = tpu.memref_slice %arg8[%add3A_102, %dma_start3A_130] : memref<250x40xi32, #tpu.memory_space<vmem>> -> memref<1x40xi32, #tpu.memory_space<vmem>>
        %dma_start3A_132 = tpu.memref_squeeze %dma_start3A_131 : memref<1x40xi32, #tpu.memory_space<vmem>> -> memref<40xi32, #tpu.memory_space<vmem>>
        %dma_start3A_133 = arith.constant 0 : i32
        %dma_start3A_134 = arith.constant 0 : i32
        %dma_start3A_135 = tpu.memref_slice %arg14[%dma_start3A_133, %dma_start3A_134] : memref<10240x128xf32, #tpu.memory_space<vmem_shared>> -> memref<10240x128xf32, #tpu.memory_space<vmem_shared>>
        tpu.enqueue_indirect_dma source(%arg12 : memref<40x128xf32, #tpu.memory_space<vmem>>) target(%dma_start3A_135 : memref<10240x128xf32, #tpu.memory_space<vmem_shared>>) offsets(%dma_start3A_132 : memref<40xi32, #tpu.memory_space<vmem>>) semaphore(%run_scoped3A : memref<!tpu.dma_semaphore, #tpu.memory_space<semaphore_mem>>) {add = true}
        %dma_wait3A_136 = arith.constant 0 : i32
        %dma_wait3A_137 = tpu.memref_slice %arg8[%add3A_102, %dma_wait3A_136] : memref<250x40xi32, #tpu.memory_space<vmem>> -> memref<1x40xi32, #tpu.memory_space<vmem>>
        %dma_wait3A_138 = tpu.memref_squeeze %dma_wait3A_137 : memref<1x40xi32, #tpu.memory_space<vmem>> -> memref<40xi32, #tpu.memory_space<vmem>>
        %dma_wait3A_139 = arith.constant 0 : i32
        %dma_wait3A_140 = arith.constant 0 : i32
        %dma_wait3A_141 = tpu.memref_slice %arg14[%dma_wait3A_139, %dma_wait3A_140] : memref<10240x128xf32, #tpu.memory_space<vmem_shared>> -> memref<10240x128xf32, #tpu.memory_space<vmem_shared>>
        tpu.wait_indirect_dma semaphore(%run_scoped3A : memref<!tpu.dma_semaphore, #tpu.memory_space<semaphore_mem>>) src(%arg12 : memref<40x128xf32, #tpu.memory_space<vmem>>) dst(%dma_wait3A_141 : memref<10240x128xf32, #tpu.memory_space<vmem_shared>>)
        tpu.yield
      }) : () -> ()
      %add3A_103 = arith.constant 3 : i32
      %add3A_104 = arith.addi %add3A_43, %add3A_103 : i32
      %add3A_105 = arith.constant 5 : i32
      %add3A_106 = arith.addi %add3A_104, %add3A_105 : i32
      %lt3A_107 = arith.constant 250 : i32
      %lt3A_108 = arith.cmpi slt, %add3A_106, %lt3A_107 : i32
      %convert_element_type3A_109 = arith.extui %lt3A_108 : i1 to i32
      %cond3A_110 = arith.constant 0 : i32
      %cond3A_111 = arith.cmpi ne, %convert_element_type3A_109, %cond3A_110 : i32
      scf.if %cond3A_111 {
        %add3A_130 = arith.constant 3 : i32
        %add3A_131 = arith.addi %add3A_43, %add3A_130 : i32
        %add3A_132 = arith.constant 5 : i32
        %add3A_133 = arith.addi %add3A_131, %add3A_132 : i32
        %dma_start3A_134 = arith.constant 0 : i32
        %dma_start3A_135 = tpu.memref_slice %arg7[%add3A_133, %dma_start3A_134] : memref<250x40xi32, #tpu.memory_space<vmem>> -> memref<1x40xi32, #tpu.memory_space<vmem>>
        %dma_start3A_136 = tpu.memref_squeeze %dma_start3A_135 : memref<1x40xi32, #tpu.memory_space<vmem>> -> memref<40xi32, #tpu.memory_space<vmem>>
        %dma_start3A_137 = arith.constant 0 : i32
        %dma_start3A_138 = arith.constant 0 : i32
        %dma_start3A_139 = tpu.memref_slice %arg2[%dma_start3A_137, %dma_start3A_138] : memref<10240x128xf32, #tpu.memory_space<hbm>> -> memref<10240x128xf32, #tpu.memory_space<hbm>>
        tpu.enqueue_indirect_dma source(%dma_start3A_139 : memref<10240x128xf32, #tpu.memory_space<hbm>>) target(%arg12 : memref<40x128xf32, #tpu.memory_space<vmem>>) offsets(%dma_start3A_136 : memref<40xi32, #tpu.memory_space<vmem>>) semaphore(%arg18 : memref<!tpu.dma_semaphore, #tpu.memory_space<semaphore_mem>>)
      } else {
      }
      %dma_wait3A_112 = arith.constant 0 : i32
      %dma_wait3A_113 = arith.constant 0 : i32
      %dma_wait3A_114 = tpu.memref_slice %arg7[%dma_wait3A_112, %dma_wait3A_113] : memref<250x40xi32, #tpu.memory_space<vmem>> -> memref<1x40xi32, #tpu.memory_space<vmem>>
      %dma_wait3A_115 = tpu.memref_squeeze %dma_wait3A_114 : memref<1x40xi32, #tpu.memory_space<vmem>> -> memref<40xi32, #tpu.memory_space<vmem>>
      %dma_wait3A_116 = arith.constant 0 : i32
      %dma_wait3A_117 = arith.constant 0 : i32
      %dma_wait3A_118 = tpu.memref_slice %arg2[%dma_wait3A_116, %dma_wait3A_117] : memref<10240x128xf32, #tpu.memory_space<hbm>> -> memref<10240x128xf32, #tpu.memory_space<hbm>>
      tpu.wait_indirect_dma semaphore(%arg19 : memref<!tpu.dma_semaphore, #tpu.memory_space<semaphore_mem>>) src(%dma_wait3A_118 : memref<10240x128xf32, #tpu.memory_space<hbm>>) dst(%arg13 : memref<40x128xf32, #tpu.memory_space<vmem>>)
      %add3A_119 = arith.constant 4 : i32
      %add3A_120 = arith.addi %add3A_43, %add3A_119 : i32
      "tpu.region"() ({
        %run_scoped3A = tpu.sem_alloc : memref<!tpu.dma_semaphore, #tpu.memory_space<semaphore_mem>>
        %dma_start3A_130 = arith.constant 0 : i32
        %dma_start3A_131 = tpu.memref_slice %arg8[%add3A_120, %dma_start3A_130] : memref<250x40xi32, #tpu.memory_space<vmem>> -> memref<1x40xi32, #tpu.memory_space<vmem>>
        %dma_start3A_132 = tpu.memref_squeeze %dma_start3A_131 : memref<1x40xi32, #tpu.memory_space<vmem>> -> memref<40xi32, #tpu.memory_space<vmem>>
        %dma_start3A_133 = arith.constant 0 : i32
        %dma_start3A_134 = arith.constant 0 : i32
        %dma_start3A_135 = tpu.memref_slice %arg14[%dma_start3A_133, %dma_start3A_134] : memref<10240x128xf32, #tpu.memory_space<vmem_shared>> -> memref<10240x128xf32, #tpu.memory_space<vmem_shared>>
        tpu.enqueue_indirect_dma source(%arg13 : memref<40x128xf32, #tpu.memory_space<vmem>>) target(%dma_start3A_135 : memref<10240x128xf32, #tpu.memory_space<vmem_shared>>) offsets(%dma_start3A_132 : memref<40xi32, #tpu.memory_space<vmem>>) semaphore(%run_scoped3A : memref<!tpu.dma_semaphore, #tpu.memory_space<semaphore_mem>>) {add = true}
        %dma_wait3A_136 = arith.constant 0 : i32
        %dma_wait3A_137 = tpu.memref_slice %arg8[%add3A_120, %dma_wait3A_136] : memref<250x40xi32, #tpu.memory_space<vmem>> -> memref<1x40xi32, #tpu.memory_space<vmem>>
        %dma_wait3A_138 = tpu.memref_squeeze %dma_wait3A_137 : memref<1x40xi32, #tpu.memory_space<vmem>> -> memref<40xi32, #tpu.memory_space<vmem>>
        %dma_wait3A_139 = arith.constant 0 : i32
        %dma_wait3A_140 = arith.constant 0 : i32
        %dma_wait3A_141 = tpu.memref_slice %arg14[%dma_wait3A_139, %dma_wait3A_140] : memref<10240x128xf32, #tpu.memory_space<vmem_shared>> -> memref<10240x128xf32, #tpu.memory_space<vmem_shared>>
        tpu.wait_indirect_dma semaphore(%run_scoped3A : memref<!tpu.dma_semaphore, #tpu.memory_space<semaphore_mem>>) src(%arg13 : memref<40x128xf32, #tpu.memory_space<vmem>>) dst(%dma_wait3A_141 : memref<10240x128xf32, #tpu.memory_space<vmem_shared>>)
        tpu.yield
      }) : () -> ()
      %add3A_121 = arith.constant 4 : i32
      %add3A_122 = arith.addi %add3A_43, %add3A_121 : i32
      %add3A_123 = arith.constant 5 : i32
      %add3A_124 = arith.addi %add3A_122, %add3A_123 : i32
      %lt3A_125 = arith.constant 250 : i32
      %lt3A_126 = arith.cmpi slt, %add3A_124, %lt3A_125 : i32
      %convert_element_type3A_127 = arith.extui %lt3A_126 : i1 to i32
      %cond3A_128 = arith.constant 0 : i32
      %cond3A_129 = arith.cmpi ne, %convert_element_type3A_127, %cond3A_128 : i32
      scf.if %cond3A_129 {
        %add3A_130 = arith.constant 4 : i32
        %add3A_131 = arith.addi %add3A_43, %add3A_130 : i32
        %add3A_132 = arith.constant 5 : i32
        %add3A_133 = arith.addi %add3A_131, %add3A_132 : i32
        %dma_start3A_134 = arith.constant 0 : i32
        %dma_start3A_135 = tpu.memref_slice %arg7[%add3A_133, %dma_start3A_134] : memref<250x40xi32, #tpu.memory_space<vmem>> -> memref<1x40xi32, #tpu.memory_space<vmem>>
        %dma_start3A_136 = tpu.memref_squeeze %dma_start3A_135 : memref<1x40xi32, #tpu.memory_space<vmem>> -> memref<40xi32, #tpu.memory_space<vmem>>
        %dma_start3A_137 = arith.constant 0 : i32
        %dma_start3A_138 = arith.constant 0 : i32
        %dma_start3A_139 = tpu.memref_slice %arg2[%dma_start3A_137, %dma_start3A_138] : memref<10240x128xf32, #tpu.memory_space<hbm>> -> memref<10240x128xf32, #tpu.memory_space<hbm>>
        tpu.enqueue_indirect_dma source(%dma_start3A_139 : memref<10240x128xf32, #tpu.memory_space<hbm>>) target(%arg13 : memref<40x128xf32, #tpu.memory_space<vmem>>) offsets(%dma_start3A_136 : memref<40xi32, #tpu.memory_space<vmem>>) semaphore(%arg19 : memref<!tpu.dma_semaphore, #tpu.memory_space<semaphore_mem>>)
      } else {
      }
    }
    %scan3A_38 = arith.constant 50 : i32
    %barrier3A_39 = arith.constant 0 : index
    tpu.barrier barrier_id(%barrier3A_39)
    "tpu.region"() ({
      %run_scoped3A = tpu.sem_alloc : memref<!tpu.dma_semaphore, #tpu.memory_space<semaphore_mem>>
      %dma_start3A_40 = arith.constant 0 : i32
      %dma_start3A_41 = arith.constant 0 : i32
      %dma_start3A_42 = tpu.memref_slice %arg6[%arg0, %dma_start3A_40, %dma_start3A_41] : memref<2x10240x128xf32, #tpu.memory_space<hbm>> -> memref<1x10240x128xf32, #tpu.memory_space<hbm>>
      %dma_start3A_43 = tpu.memref_squeeze %dma_start3A_42 : memref<1x10240x128xf32, #tpu.memory_space<hbm>> -> memref<10240x128xf32, #tpu.memory_space<hbm>>
      %dma_start3A_44 = arith.constant 0 : i32
      %dma_start3A_45 = tpu.memref_slice %dma_start3A_43[%mul3A_0, %dma_start3A_44] : memref<10240x128xf32, #tpu.memory_space<hbm>> -> memref<640x128xf32, #tpu.memory_space<hbm>>
      %dma_start3A_46 = arith.constant 0 : i32
      %dma_start3A_47 = tpu.memref_slice %arg14[%mul3A_0, %dma_start3A_46] : memref<10240x128xf32, #tpu.memory_space<vmem_shared>> -> memref<640x128xf32, #tpu.memory_space<vmem_shared>>
      tpu.enqueue_dma source(%dma_start3A_47 : memref<640x128xf32, #tpu.memory_space<vmem_shared>>) target(%dma_start3A_45 : memref<640x128xf32, #tpu.memory_space<hbm>>) target_semaphore(%run_scoped3A : memref<!tpu.dma_semaphore, #tpu.memory_space<semaphore_mem>>)
      %dma_wait3A = arith.constant 0 : i32
      %dma_wait3A_48 = arith.constant 0 : i32
      %dma_wait3A_49 = tpu.memref_slice %arg6[%arg0, %dma_wait3A, %dma_wait3A_48] : memref<2x10240x128xf32, #tpu.memory_space<hbm>> -> memref<1x10240x128xf32, #tpu.memory_space<hbm>>
      %dma_wait3A_50 = tpu.memref_squeeze %dma_wait3A_49 : memref<1x10240x128xf32, #tpu.memory_space<hbm>> -> memref<10240x128xf32, #tpu.memory_space<hbm>>
      %dma_wait3A_51 = arith.constant 0 : i32
      %dma_wait3A_52 = tpu.memref_slice %dma_wait3A_50[%mul3A_0, %dma_wait3A_51] : memref<10240x128xf32, #tpu.memory_space<hbm>> -> memref<640x128xf32, #tpu.memory_space<hbm>>
      %dma_wait3A_53 = arith.constant 0 : i32
      %dma_wait3A_54 = tpu.memref_slice %arg14[%mul3A_0, %dma_wait3A_53] : memref<10240x128xf32, #tpu.memory_space<vmem_shared>> -> memref<640x128xf32, #tpu.memory_space<vmem_shared>>
      tpu.wait_dma2 semaphore(%run_scoped3A : memref<!tpu.dma_semaphore, #tpu.memory_space<semaphore_mem>>) src(%dma_wait3A_54 : memref<640x128xf32, #tpu.memory_space<vmem_shared>>) dst(%dma_wait3A_52 : memref<640x128xf32, #tpu.memory_space<hbm>>)
      tpu.yield
    }) : () -> ()
    return
  }
}

#map = affine_map<(d0, d1) -> (0, 0, 0)>
#map1 = affine_map<(d0, d1) -> (0, 0)>
module attributes {stable_mosaic.version = 14 : i64} {
  func.func @_sc_degrees(%arg0: i32, %arg1: i32, %arg2: memref<16x100x200xi32, #tpu.memory_space<hbm>>, %arg3: memref<16x100x200xi32, #tpu.memory_space<hbm>>, %arg4: memref<200x16xf32, #tpu.memory_space<hbm>>, %arg5: memref<10240x16xf32, #tpu.memory_space<hbm>>, %arg6: memref<10240x16xf32, #tpu.memory_space<hbm>>, %arg7: memref<10240x16xf32, #tpu.memory_space<hbm>>, %arg8: memref<100x200xi32, #tpu.memory_space<vmem>>, %arg9: memref<200x16xf32, #tpu.memory_space<vmem>>, %arg10: memref<10240x16xf32, #tpu.memory_space<vmem_shared>>) attributes {dimension_semantics = [#tpu.dimension_semantics<core_parallel>, #tpu.dimension_semantics<subcore_parallel>], iteration_bounds = array<i64: 2, 16>, scalar_prefetch = 0 : i64, scratch_operands = 3 : i64, tpu.core_type = #tpu.core_type<sc_vector_subcore>, window_params = [{transform_indices = #map}, {transform_indices = #map}, {transform_indices = #map1}, {transform_indices = #map1}, {transform_indices = #map1}, {transform_indices = #map1}]} {
    %eq3A = arith.constant 0 : i32
    %eq3A_0 = arith.cmpi eq, %arg0, %eq3A : i32
    %convert_element_type3A = arith.extui %eq3A_0 : i1 to i32
    %cond3A = arith.constant 0 : i32
    %cond3A_1 = arith.cmpi ne, %convert_element_type3A, %cond3A : i32
    scf.if %cond3A_1 {
      "tpu.region"() ({
        %run_scoped3A = tpu.sem_alloc : memref<!tpu.dma_semaphore, #tpu.memory_space<semaphore_mem>>
        %dma_start3A = arith.constant 0 : i32
        %dma_start3A_23 = arith.constant 0 : i32
        %dma_start3A_24 = tpu.memref_slice %arg2[%arg1, %dma_start3A, %dma_start3A_23] : memref<16x100x200xi32, #tpu.memory_space<hbm>> -> memref<1x100x200xi32, #tpu.memory_space<hbm>>
        %dma_start3A_25 = tpu.memref_squeeze %dma_start3A_24 : memref<1x100x200xi32, #tpu.memory_space<hbm>> -> memref<100x200xi32, #tpu.memory_space<hbm>>
        %dma_start3A_26 = arith.constant 0 : i32
        %dma_start3A_27 = arith.constant 0 : i32
        %dma_start3A_28 = tpu.memref_slice %arg2[%arg1, %dma_start3A_26, %dma_start3A_27] : memref<16x100x200xi32, #tpu.memory_space<hbm>> -> memref<1x100x200xi32, #tpu.memory_space<hbm>>
        %dma_start3A_29 = tpu.memref_squeeze %dma_start3A_28 : memref<1x100x200xi32, #tpu.memory_space<hbm>> -> memref<100x200xi32, #tpu.memory_space<hbm>>
        tpu.enqueue_dma source(%dma_start3A_29 : memref<100x200xi32, #tpu.memory_space<hbm>>) target(%arg8 : memref<100x200xi32, #tpu.memory_space<vmem>>) target_semaphore(%run_scoped3A : memref<!tpu.dma_semaphore, #tpu.memory_space<semaphore_mem>>)
        %dma_wait3A = arith.constant 0 : i32
        %dma_wait3A_30 = arith.constant 0 : i32
        %dma_wait3A_31 = tpu.memref_slice %arg2[%arg1, %dma_wait3A, %dma_wait3A_30] : memref<16x100x200xi32, #tpu.memory_space<hbm>> -> memref<1x100x200xi32, #tpu.memory_space<hbm>>
        %dma_wait3A_32 = tpu.memref_squeeze %dma_wait3A_31 : memref<1x100x200xi32, #tpu.memory_space<hbm>> -> memref<100x200xi32, #tpu.memory_space<hbm>>
        %dma_wait3A_33 = arith.constant 0 : i32
        %dma_wait3A_34 = arith.constant 0 : i32
        %dma_wait3A_35 = tpu.memref_slice %arg2[%arg1, %dma_wait3A_33, %dma_wait3A_34] : memref<16x100x200xi32, #tpu.memory_space<hbm>> -> memref<1x100x200xi32, #tpu.memory_space<hbm>>
        %dma_wait3A_36 = tpu.memref_squeeze %dma_wait3A_35 : memref<1x100x200xi32, #tpu.memory_space<hbm>> -> memref<100x200xi32, #tpu.memory_space<hbm>>
        tpu.wait_dma2 semaphore(%run_scoped3A : memref<!tpu.dma_semaphore, #tpu.memory_space<semaphore_mem>>) src(%dma_wait3A_36 : memref<100x200xi32, #tpu.memory_space<hbm>>) dst(%arg8 : memref<100x200xi32, #tpu.memory_space<vmem>>)
        tpu.yield
      }) : () -> ()
    } else {
    }
    %eq3A_2 = arith.constant 1 : i32
    %eq3A_3 = arith.cmpi eq, %arg0, %eq3A_2 : i32
    %convert_element_type3A_4 = arith.extui %eq3A_3 : i1 to i32
    %cond3A_5 = arith.constant 0 : i32
    %cond3A_6 = arith.cmpi ne, %convert_element_type3A_4, %cond3A_5 : i32
    scf.if %cond3A_6 {
      "tpu.region"() ({
        %run_scoped3A = tpu.sem_alloc : memref<!tpu.dma_semaphore, #tpu.memory_space<semaphore_mem>>
        %dma_start3A = arith.constant 0 : i32
        %dma_start3A_23 = arith.constant 0 : i32
        %dma_start3A_24 = tpu.memref_slice %arg3[%arg1, %dma_start3A, %dma_start3A_23] : memref<16x100x200xi32, #tpu.memory_space<hbm>> -> memref<1x100x200xi32, #tpu.memory_space<hbm>>
        %dma_start3A_25 = tpu.memref_squeeze %dma_start3A_24 : memref<1x100x200xi32, #tpu.memory_space<hbm>> -> memref<100x200xi32, #tpu.memory_space<hbm>>
        %dma_start3A_26 = arith.constant 0 : i32
        %dma_start3A_27 = arith.constant 0 : i32
        %dma_start3A_28 = tpu.memref_slice %arg3[%arg1, %dma_start3A_26, %dma_start3A_27] : memref<16x100x200xi32, #tpu.memory_space<hbm>> -> memref<1x100x200xi32, #tpu.memory_space<hbm>>
        %dma_start3A_29 = tpu.memref_squeeze %dma_start3A_28 : memref<1x100x200xi32, #tpu.memory_space<hbm>> -> memref<100x200xi32, #tpu.memory_space<hbm>>
        tpu.enqueue_dma source(%dma_start3A_29 : memref<100x200xi32, #tpu.memory_space<hbm>>) target(%arg8 : memref<100x200xi32, #tpu.memory_space<vmem>>) target_semaphore(%run_scoped3A : memref<!tpu.dma_semaphore, #tpu.memory_space<semaphore_mem>>)
        %dma_wait3A = arith.constant 0 : i32
        %dma_wait3A_30 = arith.constant 0 : i32
        %dma_wait3A_31 = tpu.memref_slice %arg3[%arg1, %dma_wait3A, %dma_wait3A_30] : memref<16x100x200xi32, #tpu.memory_space<hbm>> -> memref<1x100x200xi32, #tpu.memory_space<hbm>>
        %dma_wait3A_32 = tpu.memref_squeeze %dma_wait3A_31 : memref<1x100x200xi32, #tpu.memory_space<hbm>> -> memref<100x200xi32, #tpu.memory_space<hbm>>
        %dma_wait3A_33 = arith.constant 0 : i32
        %dma_wait3A_34 = arith.constant 0 : i32
        %dma_wait3A_35 = tpu.memref_slice %arg3[%arg1, %dma_wait3A_33, %dma_wait3A_34] : memref<16x100x200xi32, #tpu.memory_space<hbm>> -> memref<1x100x200xi32, #tpu.memory_space<hbm>>
        %dma_wait3A_36 = tpu.memref_squeeze %dma_wait3A_35 : memref<1x100x200xi32, #tpu.memory_space<hbm>> -> memref<100x200xi32, #tpu.memory_space<hbm>>
        tpu.wait_dma2 semaphore(%run_scoped3A : memref<!tpu.dma_semaphore, #tpu.memory_space<semaphore_mem>>) src(%dma_wait3A_36 : memref<100x200xi32, #tpu.memory_space<hbm>>) dst(%arg8 : memref<100x200xi32, #tpu.memory_space<vmem>>)
        tpu.yield
      }) : () -> ()
    } else {
    }
    "tpu.region"() ({
      %run_scoped3A = tpu.sem_alloc : memref<!tpu.dma_semaphore, #tpu.memory_space<semaphore_mem>>
      tpu.enqueue_dma source(%arg4 : memref<200x16xf32, #tpu.memory_space<hbm>>) target(%arg9 : memref<200x16xf32, #tpu.memory_space<vmem>>) target_semaphore(%run_scoped3A : memref<!tpu.dma_semaphore, #tpu.memory_space<semaphore_mem>>)
      tpu.wait_dma2 semaphore(%run_scoped3A : memref<!tpu.dma_semaphore, #tpu.memory_space<semaphore_mem>>) src(%arg4 : memref<200x16xf32, #tpu.memory_space<hbm>>) dst(%arg9 : memref<200x16xf32, #tpu.memory_space<vmem>>)
      tpu.yield
    }) : () -> ()
    %mul3A = arith.constant 640 : i32
    %mul3A_7 = arith.muli %arg1, %mul3A : i32
    "tpu.region"() ({
      %run_scoped3A = tpu.sem_alloc : memref<!tpu.dma_semaphore, #tpu.memory_space<semaphore_mem>>
      %dma_start3A = arith.constant 0 : i32
      %dma_start3A_23 = tpu.memref_slice %arg10[%mul3A_7, %dma_start3A] : memref<10240x16xf32, #tpu.memory_space<vmem_shared>> -> memref<640x16xf32, #tpu.memory_space<vmem_shared>>
      %dma_start3A_24 = arith.constant 0 : i32
      %dma_start3A_25 = tpu.memref_slice %arg5[%mul3A_7, %dma_start3A_24] : memref<10240x16xf32, #tpu.memory_space<hbm>> -> memref<640x16xf32, #tpu.memory_space<hbm>>
      tpu.enqueue_dma source(%dma_start3A_25 : memref<640x16xf32, #tpu.memory_space<hbm>>) target(%dma_start3A_23 : memref<640x16xf32, #tpu.memory_space<vmem_shared>>) target_semaphore(%run_scoped3A : memref<!tpu.dma_semaphore, #tpu.memory_space<semaphore_mem>>)
      %dma_wait3A = arith.constant 0 : i32
      %dma_wait3A_26 = tpu.memref_slice %arg10[%mul3A_7, %dma_wait3A] : memref<10240x16xf32, #tpu.memory_space<vmem_shared>> -> memref<640x16xf32, #tpu.memory_space<vmem_shared>>
      %dma_wait3A_27 = arith.constant 0 : i32
      %dma_wait3A_28 = tpu.memref_slice %arg5[%mul3A_7, %dma_wait3A_27] : memref<10240x16xf32, #tpu.memory_space<hbm>> -> memref<640x16xf32, #tpu.memory_space<hbm>>
      tpu.wait_dma2 semaphore(%run_scoped3A : memref<!tpu.dma_semaphore, #tpu.memory_space<semaphore_mem>>) src(%dma_wait3A_28 : memref<640x16xf32, #tpu.memory_space<hbm>>) dst(%dma_wait3A_26 : memref<640x16xf32, #tpu.memory_space<vmem_shared>>)
      tpu.yield
    }) : () -> ()
    %barrier3A = arith.constant 0 : index
    tpu.barrier barrier_id(%barrier3A)
    %scan3A = arith.constant 0 : i32
    %scan3A_8 = arith.constant 100 : i32
    %scan3A_9 = arith.addi %scan3A, %scan3A_8 : i32
    %scan3A_10 = arith.constant 1 : i32
    scf.for %scan3A_23 = %scan3A to %scan3A_9 step %scan3A_10  : i32 {
      %mul3A_24 = arith.constant 1 : i32
      %mul3A_25 = arith.muli %scan3A_23, %mul3A_24 : i32
      %add3A = arith.constant 0 : i32
      %add3A_26 = arith.addi %add3A, %mul3A_25 : i32
      "tpu.region"() ({
        %run_scoped3A = tpu.sem_alloc : memref<!tpu.dma_semaphore, #tpu.memory_space<semaphore_mem>>
        %dma_start3A = arith.constant 0 : i32
        %dma_start3A_27 = tpu.memref_slice %arg8[%add3A_26, %dma_start3A] : memref<100x200xi32, #tpu.memory_space<vmem>> -> memref<1x200xi32, #tpu.memory_space<vmem>>
        %dma_start3A_28 = tpu.memref_squeeze %dma_start3A_27 : memref<1x200xi32, #tpu.memory_space<vmem>> -> memref<200xi32, #tpu.memory_space<vmem>>
        %dma_start3A_29 = arith.constant 0 : i32
        %dma_start3A_30 = arith.constant 0 : i32
        %dma_start3A_31 = tpu.memref_slice %arg10[%dma_start3A_29, %dma_start3A_30] : memref<10240x16xf32, #tpu.memory_space<vmem_shared>> -> memref<10240x16xf32, #tpu.memory_space<vmem_shared>>
        tpu.enqueue_indirect_dma source(%arg9 : memref<200x16xf32, #tpu.memory_space<vmem>>) target(%dma_start3A_31 : memref<10240x16xf32, #tpu.memory_space<vmem_shared>>) offsets(%dma_start3A_28 : memref<200xi32, #tpu.memory_space<vmem>>) semaphore(%run_scoped3A : memref<!tpu.dma_semaphore, #tpu.memory_space<semaphore_mem>>) {add = true}
        %dma_wait3A = arith.constant 0 : i32
        %dma_wait3A_32 = tpu.memref_slice %arg8[%add3A_26, %dma_wait3A] : memref<100x200xi32, #tpu.memory_space<vmem>> -> memref<1x200xi32, #tpu.memory_space<vmem>>
        %dma_wait3A_33 = tpu.memref_squeeze %dma_wait3A_32 : memref<1x200xi32, #tpu.memory_space<vmem>> -> memref<200xi32, #tpu.memory_space<vmem>>
        %dma_wait3A_34 = arith.constant 0 : i32
        %dma_wait3A_35 = arith.constant 0 : i32
        %dma_wait3A_36 = tpu.memref_slice %arg10[%dma_wait3A_34, %dma_wait3A_35] : memref<10240x16xf32, #tpu.memory_space<vmem_shared>> -> memref<10240x16xf32, #tpu.memory_space<vmem_shared>>
        tpu.wait_indirect_dma semaphore(%run_scoped3A : memref<!tpu.dma_semaphore, #tpu.memory_space<semaphore_mem>>) src(%arg9 : memref<200x16xf32, #tpu.memory_space<vmem>>) dst(%dma_wait3A_36 : memref<10240x16xf32, #tpu.memory_space<vmem_shared>>)
        tpu.yield
      }) : () -> ()
    }
    %scan3A_11 = arith.constant 100 : i32
    %barrier3A_12 = arith.constant 0 : index
    tpu.barrier barrier_id(%barrier3A_12)
    %eq3A_13 = arith.constant 0 : i32
    %eq3A_14 = arith.cmpi eq, %arg0, %eq3A_13 : i32
    %convert_element_type3A_15 = arith.extui %eq3A_14 : i1 to i32
    %cond3A_16 = arith.constant 0 : i32
    %cond3A_17 = arith.cmpi ne, %convert_element_type3A_15, %cond3A_16 : i32
    scf.if %cond3A_17 {
      "tpu.region"() ({
        %run_scoped3A = tpu.sem_alloc : memref<!tpu.dma_semaphore, #tpu.memory_space<semaphore_mem>>
        %dma_start3A = arith.constant 0 : i32
        %dma_start3A_23 = tpu.memref_slice %arg6[%mul3A_7, %dma_start3A] : memref<10240x16xf32, #tpu.memory_space<hbm>> -> memref<640x16xf32, #tpu.memory_space<hbm>>
        %dma_start3A_24 = arith.constant 0 : i32
        %dma_start3A_25 = tpu.memref_slice %arg10[%mul3A_7, %dma_start3A_24] : memref<10240x16xf32, #tpu.memory_space<vmem_shared>> -> memref<640x16xf32, #tpu.memory_space<vmem_shared>>
        tpu.enqueue_dma source(%dma_start3A_25 : memref<640x16xf32, #tpu.memory_space<vmem_shared>>) target(%dma_start3A_23 : memref<640x16xf32, #tpu.memory_space<hbm>>) target_semaphore(%run_scoped3A : memref<!tpu.dma_semaphore, #tpu.memory_space<semaphore_mem>>)
        %dma_wait3A = arith.constant 0 : i32
        %dma_wait3A_26 = tpu.memref_slice %arg6[%mul3A_7, %dma_wait3A] : memref<10240x16xf32, #tpu.memory_space<hbm>> -> memref<640x16xf32, #tpu.memory_space<hbm>>
        %dma_wait3A_27 = arith.constant 0 : i32
        %dma_wait3A_28 = tpu.memref_slice %arg10[%mul3A_7, %dma_wait3A_27] : memref<10240x16xf32, #tpu.memory_space<vmem_shared>> -> memref<640x16xf32, #tpu.memory_space<vmem_shared>>
        tpu.wait_dma2 semaphore(%run_scoped3A : memref<!tpu.dma_semaphore, #tpu.memory_space<semaphore_mem>>) src(%dma_wait3A_28 : memref<640x16xf32, #tpu.memory_space<vmem_shared>>) dst(%dma_wait3A_26 : memref<640x16xf32, #tpu.memory_space<hbm>>)
        tpu.yield
      }) : () -> ()
    } else {
    }
    %eq3A_18 = arith.constant 1 : i32
    %eq3A_19 = arith.cmpi eq, %arg0, %eq3A_18 : i32
    %convert_element_type3A_20 = arith.extui %eq3A_19 : i1 to i32
    %cond3A_21 = arith.constant 0 : i32
    %cond3A_22 = arith.cmpi ne, %convert_element_type3A_20, %cond3A_21 : i32
    scf.if %cond3A_22 {
      "tpu.region"() ({
        %run_scoped3A = tpu.sem_alloc : memref<!tpu.dma_semaphore, #tpu.memory_space<semaphore_mem>>
        %dma_start3A = arith.constant 0 : i32
        %dma_start3A_23 = tpu.memref_slice %arg7[%mul3A_7, %dma_start3A] : memref<10240x16xf32, #tpu.memory_space<hbm>> -> memref<640x16xf32, #tpu.memory_space<hbm>>
        %dma_start3A_24 = arith.constant 0 : i32
        %dma_start3A_25 = tpu.memref_slice %arg10[%mul3A_7, %dma_start3A_24] : memref<10240x16xf32, #tpu.memory_space<vmem_shared>> -> memref<640x16xf32, #tpu.memory_space<vmem_shared>>
        tpu.enqueue_dma source(%dma_start3A_25 : memref<640x16xf32, #tpu.memory_space<vmem_shared>>) target(%dma_start3A_23 : memref<640x16xf32, #tpu.memory_space<hbm>>) target_semaphore(%run_scoped3A : memref<!tpu.dma_semaphore, #tpu.memory_space<semaphore_mem>>)
        %dma_wait3A = arith.constant 0 : i32
        %dma_wait3A_26 = tpu.memref_slice %arg7[%mul3A_7, %dma_wait3A] : memref<10240x16xf32, #tpu.memory_space<hbm>> -> memref<640x16xf32, #tpu.memory_space<hbm>>
        %dma_wait3A_27 = arith.constant 0 : i32
        %dma_wait3A_28 = tpu.memref_slice %arg10[%mul3A_7, %dma_wait3A_27] : memref<10240x16xf32, #tpu.memory_space<vmem_shared>> -> memref<640x16xf32, #tpu.memory_space<vmem_shared>>
        tpu.wait_dma2 semaphore(%run_scoped3A : memref<!tpu.dma_semaphore, #tpu.memory_space<semaphore_mem>>) src(%dma_wait3A_28 : memref<640x16xf32, #tpu.memory_space<vmem_shared>>) dst(%dma_wait3A_26 : memref<640x16xf32, #tpu.memory_space<hbm>>)
        tpu.yield
      }) : () -> ()
    } else {
    }
    return
  }
}

#map = affine_map<(d0, d1) -> (0, 0)>
#map1 = affine_map<(d0, d1) -> (0, 0, 0, 0)>
#map2 = affine_map<(d0, d1) -> (0, 0, 0)>
module attributes {stable_mosaic.version = 14 : i64} {
  func.func @_sc_aggregate(%arg0: i32, %arg1: i32, %arg2: memref<10240x128xf32, #tpu.memory_space<hbm>>, %arg3: memref<2x16x250x40xi32, #tpu.memory_space<hbm>>, %arg4: memref<2x16x250x40xi32, #tpu.memory_space<hbm>>, %arg5: memref<10240x128xf32, #tpu.memory_space<hbm>>, %arg6: memref<2x10240x128xf32, #tpu.memory_space<hbm>>, %arg7: memref<250x40xi32, #tpu.memory_space<vmem>>, %arg8: memref<250x40xi32, #tpu.memory_space<vmem>>, %arg9: memref<40x128xf32, #tpu.memory_space<vmem>>, %arg10: memref<40x128xf32, #tpu.memory_space<vmem>>, %arg11: memref<40x128xf32, #tpu.memory_space<vmem>>, %arg12: memref<40x128xf32, #tpu.memory_space<vmem>>, %arg13: memref<40x128xf32, #tpu.memory_space<vmem>>, %arg14: memref<10240x128xf32, #tpu.memory_space<vmem_shared>>, %arg15: memref<!tpu.dma_semaphore, #tpu.memory_space<semaphore_mem>>, %arg16: memref<!tpu.dma_semaphore, #tpu.memory_space<semaphore_mem>>, %arg17: memref<!tpu.dma_semaphore, #tpu.memory_space<semaphore_mem>>, %arg18: memref<!tpu.dma_semaphore, #tpu.memory_space<semaphore_mem>>, %arg19: memref<!tpu.dma_semaphore, #tpu.memory_space<semaphore_mem>>) attributes {dimension_semantics = [#tpu.dimension_semantics<core_parallel>, #tpu.dimension_semantics<subcore_parallel>], iteration_bounds = array<i64: 2, 16>, scalar_prefetch = 0 : i64, scratch_operands = 13 : i64, tpu.core_type = #tpu.core_type<sc_vector_subcore>, window_params = [{transform_indices = #map}, {transform_indices = #map1}, {transform_indices = #map1}, {transform_indices = #map}, {transform_indices = #map2}]} {
    "tpu.region"() ({
      %run_scoped3A = tpu.sem_alloc : memref<!tpu.dma_semaphore, #tpu.memory_space<semaphore_mem>>
      %dma_start3A_40 = arith.constant 0 : i32
      %dma_start3A_41 = arith.constant 0 : i32
      %dma_start3A_42 = arith.constant 0 : i32
      %dma_start3A_43 = tpu.memref_slice %arg3[%arg0, %dma_start3A_40, %dma_start3A_41, %dma_start3A_42] : memref<2x16x250x40xi32, #tpu.memory_space<hbm>> -> memref<1x16x250x40xi32, #tpu.memory_space<hbm>>
      %dma_start3A_44 = tpu.memref_squeeze %dma_start3A_43 : memref<1x16x250x40xi32, #tpu.memory_space<hbm>> -> memref<16x250x40xi32, #tpu.memory_space<hbm>>
      %dma_start3A_45 = arith.constant 0 : i32
      %dma_start3A_46 = arith.constant 0 : i32
      %dma_start3A_47 = tpu.memref_slice %dma_start3A_44[%arg1, %dma_start3A_45, %dma_start3A_46] : memref<16x250x40xi32, #tpu.memory_space<hbm>> -> memref<1x250x40xi32, #tpu.memory_space<hbm>>
      %dma_start3A_48 = tpu.memref_squeeze %dma_start3A_47 : memref<1x250x40xi32, #tpu.memory_space<hbm>> -> memref<250x40xi32, #tpu.memory_space<hbm>>
      %dma_start3A_49 = arith.constant 0 : i32
      %dma_start3A_50 = arith.constant 0 : i32
      %dma_start3A_51 = arith.constant 0 : i32
      %dma_start3A_52 = tpu.memref_slice %arg3[%arg0, %dma_start3A_49, %dma_start3A_50, %dma_start3A_51] : memref<2x16x250x40xi32, #tpu.memory_space<hbm>> -> memref<1x16x250x40xi32, #tpu.memory_space<hbm>>
      %dma_start3A_53 = tpu.memref_squeeze %dma_start3A_52 : memref<1x16x250x40xi32, #tpu.memory_space<hbm>> -> memref<16x250x40xi32, #tpu.memory_space<hbm>>
      %dma_start3A_54 = arith.constant 0 : i32
      %dma_start3A_55 = arith.constant 0 : i32
      %dma_start3A_56 = tpu.memref_slice %dma_start3A_53[%arg1, %dma_start3A_54, %dma_start3A_55] : memref<16x250x40xi32, #tpu.memory_space<hbm>> -> memref<1x250x40xi32, #tpu.memory_space<hbm>>
      %dma_start3A_57 = tpu.memref_squeeze %dma_start3A_56 : memref<1x250x40xi32, #tpu.memory_space<hbm>> -> memref<250x40xi32, #tpu.memory_space<hbm>>
      tpu.enqueue_dma source(%dma_start3A_57 : memref<250x40xi32, #tpu.memory_space<hbm>>) target(%arg7 : memref<250x40xi32, #tpu.memory_space<vmem>>) target_semaphore(%run_scoped3A : memref<!tpu.dma_semaphore, #tpu.memory_space<semaphore_mem>>)
      %dma_wait3A = arith.constant 0 : i32
      %dma_wait3A_58 = arith.constant 0 : i32
      %dma_wait3A_59 = arith.constant 0 : i32
      %dma_wait3A_60 = tpu.memref_slice %arg3[%arg0, %dma_wait3A, %dma_wait3A_58, %dma_wait3A_59] : memref<2x16x250x40xi32, #tpu.memory_space<hbm>> -> memref<1x16x250x40xi32, #tpu.memory_space<hbm>>
      %dma_wait3A_61 = tpu.memref_squeeze %dma_wait3A_60 : memref<1x16x250x40xi32, #tpu.memory_space<hbm>> -> memref<16x250x40xi32, #tpu.memory_space<hbm>>
      %dma_wait3A_62 = arith.constant 0 : i32
      %dma_wait3A_63 = arith.constant 0 : i32
      %dma_wait3A_64 = tpu.memref_slice %dma_wait3A_61[%arg1, %dma_wait3A_62, %dma_wait3A_63] : memref<16x250x40xi32, #tpu.memory_space<hbm>> -> memref<1x250x40xi32, #tpu.memory_space<hbm>>
      %dma_wait3A_65 = tpu.memref_squeeze %dma_wait3A_64 : memref<1x250x40xi32, #tpu.memory_space<hbm>> -> memref<250x40xi32, #tpu.memory_space<hbm>>
      %dma_wait3A_66 = arith.constant 0 : i32
      %dma_wait3A_67 = arith.constant 0 : i32
      %dma_wait3A_68 = arith.constant 0 : i32
      %dma_wait3A_69 = tpu.memref_slice %arg3[%arg0, %dma_wait3A_66, %dma_wait3A_67, %dma_wait3A_68] : memref<2x16x250x40xi32, #tpu.memory_space<hbm>> -> memref<1x16x250x40xi32, #tpu.memory_space<hbm>>
      %dma_wait3A_70 = tpu.memref_squeeze %dma_wait3A_69 : memref<1x16x250x40xi32, #tpu.memory_space<hbm>> -> memref<16x250x40xi32, #tpu.memory_space<hbm>>
      %dma_wait3A_71 = arith.constant 0 : i32
      %dma_wait3A_72 = arith.constant 0 : i32
      %dma_wait3A_73 = tpu.memref_slice %dma_wait3A_70[%arg1, %dma_wait3A_71, %dma_wait3A_72] : memref<16x250x40xi32, #tpu.memory_space<hbm>> -> memref<1x250x40xi32, #tpu.memory_space<hbm>>
      %dma_wait3A_74 = tpu.memref_squeeze %dma_wait3A_73 : memref<1x250x40xi32, #tpu.memory_space<hbm>> -> memref<250x40xi32, #tpu.memory_space<hbm>>
      tpu.wait_dma2 semaphore(%run_scoped3A : memref<!tpu.dma_semaphore, #tpu.memory_space<semaphore_mem>>) src(%dma_wait3A_74 : memref<250x40xi32, #tpu.memory_space<hbm>>) dst(%arg7 : memref<250x40xi32, #tpu.memory_space<vmem>>)
      tpu.yield
    }) : () -> ()
    "tpu.region"() ({
      %run_scoped3A = tpu.sem_alloc : memref<!tpu.dma_semaphore, #tpu.memory_space<semaphore_mem>>
      %dma_start3A_40 = arith.constant 0 : i32
      %dma_start3A_41 = arith.constant 0 : i32
      %dma_start3A_42 = arith.constant 0 : i32
      %dma_start3A_43 = tpu.memref_slice %arg4[%arg0, %dma_start3A_40, %dma_start3A_41, %dma_start3A_42] : memref<2x16x250x40xi32, #tpu.memory_space<hbm>> -> memref<1x16x250x40xi32, #tpu.memory_space<hbm>>
      %dma_start3A_44 = tpu.memref_squeeze %dma_start3A_43 : memref<1x16x250x40xi32, #tpu.memory_space<hbm>> -> memref<16x250x40xi32, #tpu.memory_space<hbm>>
      %dma_start3A_45 = arith.constant 0 : i32
      %dma_start3A_46 = arith.constant 0 : i32
      %dma_start3A_47 = tpu.memref_slice %dma_start3A_44[%arg1, %dma_start3A_45, %dma_start3A_46] : memref<16x250x40xi32, #tpu.memory_space<hbm>> -> memref<1x250x40xi32, #tpu.memory_space<hbm>>
      %dma_start3A_48 = tpu.memref_squeeze %dma_start3A_47 : memref<1x250x40xi32, #tpu.memory_space<hbm>> -> memref<250x40xi32, #tpu.memory_space<hbm>>
      %dma_start3A_49 = arith.constant 0 : i32
      %dma_start3A_50 = arith.constant 0 : i32
      %dma_start3A_51 = arith.constant 0 : i32
      %dma_start3A_52 = tpu.memref_slice %arg4[%arg0, %dma_start3A_49, %dma_start3A_50, %dma_start3A_51] : memref<2x16x250x40xi32, #tpu.memory_space<hbm>> -> memref<1x16x250x40xi32, #tpu.memory_space<hbm>>
      %dma_start3A_53 = tpu.memref_squeeze %dma_start3A_52 : memref<1x16x250x40xi32, #tpu.memory_space<hbm>> -> memref<16x250x40xi32, #tpu.memory_space<hbm>>
      %dma_start3A_54 = arith.constant 0 : i32
      %dma_start3A_55 = arith.constant 0 : i32
      %dma_start3A_56 = tpu.memref_slice %dma_start3A_53[%arg1, %dma_start3A_54, %dma_start3A_55] : memref<16x250x40xi32, #tpu.memory_space<hbm>> -> memref<1x250x40xi32, #tpu.memory_space<hbm>>
      %dma_start3A_57 = tpu.memref_squeeze %dma_start3A_56 : memref<1x250x40xi32, #tpu.memory_space<hbm>> -> memref<250x40xi32, #tpu.memory_space<hbm>>
      tpu.enqueue_dma source(%dma_start3A_57 : memref<250x40xi32, #tpu.memory_space<hbm>>) target(%arg8 : memref<250x40xi32, #tpu.memory_space<vmem>>) target_semaphore(%run_scoped3A : memref<!tpu.dma_semaphore, #tpu.memory_space<semaphore_mem>>)
      %dma_wait3A = arith.constant 0 : i32
      %dma_wait3A_58 = arith.constant 0 : i32
      %dma_wait3A_59 = arith.constant 0 : i32
      %dma_wait3A_60 = tpu.memref_slice %arg4[%arg0, %dma_wait3A, %dma_wait3A_58, %dma_wait3A_59] : memref<2x16x250x40xi32, #tpu.memory_space<hbm>> -> memref<1x16x250x40xi32, #tpu.memory_space<hbm>>
      %dma_wait3A_61 = tpu.memref_squeeze %dma_wait3A_60 : memref<1x16x250x40xi32, #tpu.memory_space<hbm>> -> memref<16x250x40xi32, #tpu.memory_space<hbm>>
      %dma_wait3A_62 = arith.constant 0 : i32
      %dma_wait3A_63 = arith.constant 0 : i32
      %dma_wait3A_64 = tpu.memref_slice %dma_wait3A_61[%arg1, %dma_wait3A_62, %dma_wait3A_63] : memref<16x250x40xi32, #tpu.memory_space<hbm>> -> memref<1x250x40xi32, #tpu.memory_space<hbm>>
      %dma_wait3A_65 = tpu.memref_squeeze %dma_wait3A_64 : memref<1x250x40xi32, #tpu.memory_space<hbm>> -> memref<250x40xi32, #tpu.memory_space<hbm>>
      %dma_wait3A_66 = arith.constant 0 : i32
      %dma_wait3A_67 = arith.constant 0 : i32
      %dma_wait3A_68 = arith.constant 0 : i32
      %dma_wait3A_69 = tpu.memref_slice %arg4[%arg0, %dma_wait3A_66, %dma_wait3A_67, %dma_wait3A_68] : memref<2x16x250x40xi32, #tpu.memory_space<hbm>> -> memref<1x16x250x40xi32, #tpu.memory_space<hbm>>
      %dma_wait3A_70 = tpu.memref_squeeze %dma_wait3A_69 : memref<1x16x250x40xi32, #tpu.memory_space<hbm>> -> memref<16x250x40xi32, #tpu.memory_space<hbm>>
      %dma_wait3A_71 = arith.constant 0 : i32
      %dma_wait3A_72 = arith.constant 0 : i32
      %dma_wait3A_73 = tpu.memref_slice %dma_wait3A_70[%arg1, %dma_wait3A_71, %dma_wait3A_72] : memref<16x250x40xi32, #tpu.memory_space<hbm>> -> memref<1x250x40xi32, #tpu.memory_space<hbm>>
      %dma_wait3A_74 = tpu.memref_squeeze %dma_wait3A_73 : memref<1x250x40xi32, #tpu.memory_space<hbm>> -> memref<250x40xi32, #tpu.memory_space<hbm>>
      tpu.wait_dma2 semaphore(%run_scoped3A : memref<!tpu.dma_semaphore, #tpu.memory_space<semaphore_mem>>) src(%dma_wait3A_74 : memref<250x40xi32, #tpu.memory_space<hbm>>) dst(%arg8 : memref<250x40xi32, #tpu.memory_space<vmem>>)
      tpu.yield
    }) : () -> ()
    %mul3A = arith.constant 640 : i32
    %mul3A_0 = arith.muli %arg1, %mul3A : i32
    "tpu.region"() ({
      %run_scoped3A = tpu.sem_alloc : memref<!tpu.dma_semaphore, #tpu.memory_space<semaphore_mem>>
      %dma_start3A_40 = arith.constant 0 : i32
      %dma_start3A_41 = tpu.memref_slice %arg14[%mul3A_0, %dma_start3A_40] : memref<10240x128xf32, #tpu.memory_space<vmem_shared>> -> memref<640x128xf32, #tpu.memory_space<vmem_shared>>
      %dma_start3A_42 = arith.constant 0 : i32
      %dma_start3A_43 = tpu.memref_slice %arg5[%mul3A_0, %dma_start3A_42] : memref<10240x128xf32, #tpu.memory_space<hbm>> -> memref<640x128xf32, #tpu.memory_space<hbm>>
      tpu.enqueue_dma source(%dma_start3A_43 : memref<640x128xf32, #tpu.memory_space<hbm>>) target(%dma_start3A_41 : memref<640x128xf32, #tpu.memory_space<vmem_shared>>) target_semaphore(%run_scoped3A : memref<!tpu.dma_semaphore, #tpu.memory_space<semaphore_mem>>)
      %dma_wait3A = arith.constant 0 : i32
      %dma_wait3A_44 = tpu.memref_slice %arg14[%mul3A_0, %dma_wait3A] : memref<10240x128xf32, #tpu.memory_space<vmem_shared>> -> memref<640x128xf32, #tpu.memory_space<vmem_shared>>
      %dma_wait3A_45 = arith.constant 0 : i32
      %dma_wait3A_46 = tpu.memref_slice %arg5[%mul3A_0, %dma_wait3A_45] : memref<10240x128xf32, #tpu.memory_space<hbm>> -> memref<640x128xf32, #tpu.memory_space<hbm>>
      tpu.wait_dma2 semaphore(%run_scoped3A : memref<!tpu.dma_semaphore, #tpu.memory_space<semaphore_mem>>) src(%dma_wait3A_46 : memref<640x128xf32, #tpu.memory_space<hbm>>) dst(%dma_wait3A_44 : memref<640x128xf32, #tpu.memory_space<vmem_shared>>)
      tpu.yield
    }) : () -> ()
    %barrier3A = arith.constant 0 : index
    tpu.barrier barrier_id(%barrier3A)
    %dma_start3A = arith.constant 0 : i32
    %dma_start3A_1 = arith.constant 0 : i32
    %dma_start3A_2 = tpu.memref_slice %arg7[%dma_start3A, %dma_start3A_1] : memref<250x40xi32, #tpu.memory_space<vmem>> -> memref<1x40xi32, #tpu.memory_space<vmem>>
    %dma_start3A_3 = tpu.memref_squeeze %dma_start3A_2 : memref<1x40xi32, #tpu.memory_space<vmem>> -> memref<40xi32, #tpu.memory_space<vmem>>
    %dma_start3A_4 = arith.constant 0 : i32
    %dma_start3A_5 = arith.constant 0 : i32
    %dma_start3A_6 = tpu.memref_slice %arg2[%dma_start3A_4, %dma_start3A_5] : memref<10240x128xf32, #tpu.memory_space<hbm>> -> memref<10240x128xf32, #tpu.memory_space<hbm>>
    tpu.enqueue_indirect_dma source(%dma_start3A_6 : memref<10240x128xf32, #tpu.memory_space<hbm>>) target(%arg9 : memref<40x128xf32, #tpu.memory_space<vmem>>) offsets(%dma_start3A_3 : memref<40xi32, #tpu.memory_space<vmem>>) semaphore(%arg15 : memref<!tpu.dma_semaphore, #tpu.memory_space<semaphore_mem>>)
    %dma_start3A_7 = arith.constant 1 : i32
    %dma_start3A_8 = arith.constant 0 : i32
    %dma_start3A_9 = tpu.memref_slice %arg7[%dma_start3A_7, %dma_start3A_8] : memref<250x40xi32, #tpu.memory_space<vmem>> -> memref<1x40xi32, #tpu.memory_space<vmem>>
    %dma_start3A_10 = tpu.memref_squeeze %dma_start3A_9 : memref<1x40xi32, #tpu.memory_space<vmem>> -> memref<40xi32, #tpu.memory_space<vmem>>
    %dma_start3A_11 = arith.constant 0 : i32
    %dma_start3A_12 = arith.constant 0 : i32
    %dma_start3A_13 = tpu.memref_slice %arg2[%dma_start3A_11, %dma_start3A_12] : memref<10240x128xf32, #tpu.memory_space<hbm>> -> memref<10240x128xf32, #tpu.memory_space<hbm>>
    tpu.enqueue_indirect_dma source(%dma_start3A_13 : memref<10240x128xf32, #tpu.memory_space<hbm>>) target(%arg10 : memref<40x128xf32, #tpu.memory_space<vmem>>) offsets(%dma_start3A_10 : memref<40xi32, #tpu.memory_space<vmem>>) semaphore(%arg16 : memref<!tpu.dma_semaphore, #tpu.memory_space<semaphore_mem>>)
    %dma_start3A_14 = arith.constant 2 : i32
    %dma_start3A_15 = arith.constant 0 : i32
    %dma_start3A_16 = tpu.memref_slice %arg7[%dma_start3A_14, %dma_start3A_15] : memref<250x40xi32, #tpu.memory_space<vmem>> -> memref<1x40xi32, #tpu.memory_space<vmem>>
    %dma_start3A_17 = tpu.memref_squeeze %dma_start3A_16 : memref<1x40xi32, #tpu.memory_space<vmem>> -> memref<40xi32, #tpu.memory_space<vmem>>
    %dma_start3A_18 = arith.constant 0 : i32
    %dma_start3A_19 = arith.constant 0 : i32
    %dma_start3A_20 = tpu.memref_slice %arg2[%dma_start3A_18, %dma_start3A_19] : memref<10240x128xf32, #tpu.memory_space<hbm>> -> memref<10240x128xf32, #tpu.memory_space<hbm>>
    tpu.enqueue_indirect_dma source(%dma_start3A_20 : memref<10240x128xf32, #tpu.memory_space<hbm>>) target(%arg11 : memref<40x128xf32, #tpu.memory_space<vmem>>) offsets(%dma_start3A_17 : memref<40xi32, #tpu.memory_space<vmem>>) semaphore(%arg17 : memref<!tpu.dma_semaphore, #tpu.memory_space<semaphore_mem>>)
    %dma_start3A_21 = arith.constant 3 : i32
    %dma_start3A_22 = arith.constant 0 : i32
    %dma_start3A_23 = tpu.memref_slice %arg7[%dma_start3A_21, %dma_start3A_22] : memref<250x40xi32, #tpu.memory_space<vmem>> -> memref<1x40xi32, #tpu.memory_space<vmem>>
    %dma_start3A_24 = tpu.memref_squeeze %dma_start3A_23 : memref<1x40xi32, #tpu.memory_space<vmem>> -> memref<40xi32, #tpu.memory_space<vmem>>
    %dma_start3A_25 = arith.constant 0 : i32
    %dma_start3A_26 = arith.constant 0 : i32
    %dma_start3A_27 = tpu.memref_slice %arg2[%dma_start3A_25, %dma_start3A_26] : memref<10240x128xf32, #tpu.memory_space<hbm>> -> memref<10240x128xf32, #tpu.memory_space<hbm>>
    tpu.enqueue_indirect_dma source(%dma_start3A_27 : memref<10240x128xf32, #tpu.memory_space<hbm>>) target(%arg12 : memref<40x128xf32, #tpu.memory_space<vmem>>) offsets(%dma_start3A_24 : memref<40xi32, #tpu.memory_space<vmem>>) semaphore(%arg18 : memref<!tpu.dma_semaphore, #tpu.memory_space<semaphore_mem>>)
    %dma_start3A_28 = arith.constant 4 : i32
    %dma_start3A_29 = arith.constant 0 : i32
    %dma_start3A_30 = tpu.memref_slice %arg7[%dma_start3A_28, %dma_start3A_29] : memref<250x40xi32, #tpu.memory_space<vmem>> -> memref<1x40xi32, #tpu.memory_space<vmem>>
    %dma_start3A_31 = tpu.memref_squeeze %dma_start3A_30 : memref<1x40xi32, #tpu.memory_space<vmem>> -> memref<40xi32, #tpu.memory_space<vmem>>
    %dma_start3A_32 = arith.constant 0 : i32
    %dma_start3A_33 = arith.constant 0 : i32
    %dma_start3A_34 = tpu.memref_slice %arg2[%dma_start3A_32, %dma_start3A_33] : memref<10240x128xf32, #tpu.memory_space<hbm>> -> memref<10240x128xf32, #tpu.memory_space<hbm>>
    tpu.enqueue_indirect_dma source(%dma_start3A_34 : memref<10240x128xf32, #tpu.memory_space<hbm>>) target(%arg13 : memref<40x128xf32, #tpu.memory_space<vmem>>) offsets(%dma_start3A_31 : memref<40xi32, #tpu.memory_space<vmem>>) semaphore(%arg19 : memref<!tpu.dma_semaphore, #tpu.memory_space<semaphore_mem>>)
    %scan3A = arith.constant 0 : i32
    %scan3A_35 = arith.constant 50 : i32
    %scan3A_36 = arith.addi %scan3A, %scan3A_35 : i32
    %scan3A_37 = arith.constant 1 : i32
    scf.for %scan3A_40 = %scan3A to %scan3A_36 step %scan3A_37  : i32 {
      %mul3A_41 = arith.constant 5 : i32
      %mul3A_42 = arith.muli %scan3A_40, %mul3A_41 : i32
      %add3A = arith.constant 0 : i32
      %add3A_43 = arith.addi %add3A, %mul3A_42 : i32
      %dma_wait3A = arith.constant 0 : i32
      %dma_wait3A_44 = arith.constant 0 : i32
      %dma_wait3A_45 = tpu.memref_slice %arg7[%dma_wait3A, %dma_wait3A_44] : memref<250x40xi32, #tpu.memory_space<vmem>> -> memref<1x40xi32, #tpu.memory_space<vmem>>
      %dma_wait3A_46 = tpu.memref_squeeze %dma_wait3A_45 : memref<1x40xi32, #tpu.memory_space<vmem>> -> memref<40xi32, #tpu.memory_space<vmem>>
      %dma_wait3A_47 = arith.constant 0 : i32
      %dma_wait3A_48 = arith.constant 0 : i32
      %dma_wait3A_49 = tpu.memref_slice %arg2[%dma_wait3A_47, %dma_wait3A_48] : memref<10240x128xf32, #tpu.memory_space<hbm>> -> memref<10240x128xf32, #tpu.memory_space<hbm>>
      tpu.wait_indirect_dma semaphore(%arg15 : memref<!tpu.dma_semaphore, #tpu.memory_space<semaphore_mem>>) src(%dma_wait3A_49 : memref<10240x128xf32, #tpu.memory_space<hbm>>) dst(%arg9 : memref<40x128xf32, #tpu.memory_space<vmem>>)
      %add3A_50 = arith.constant 0 : i32
      %add3A_51 = arith.addi %add3A_43, %add3A_50 : i32
      "tpu.region"() ({
        %run_scoped3A = tpu.sem_alloc : memref<!tpu.dma_semaphore, #tpu.memory_space<semaphore_mem>>
        %dma_start3A_130 = arith.constant 0 : i32
        %dma_start3A_131 = tpu.memref_slice %arg8[%add3A_51, %dma_start3A_130] : memref<250x40xi32, #tpu.memory_space<vmem>> -> memref<1x40xi32, #tpu.memory_space<vmem>>
        %dma_start3A_132 = tpu.memref_squeeze %dma_start3A_131 : memref<1x40xi32, #tpu.memory_space<vmem>> -> memref<40xi32, #tpu.memory_space<vmem>>
        %dma_start3A_133 = arith.constant 0 : i32
        %dma_start3A_134 = arith.constant 0 : i32
        %dma_start3A_135 = tpu.memref_slice %arg14[%dma_start3A_133, %dma_start3A_134] : memref<10240x128xf32, #tpu.memory_space<vmem_shared>> -> memref<10240x128xf32, #tpu.memory_space<vmem_shared>>
        tpu.enqueue_indirect_dma source(%arg9 : memref<40x128xf32, #tpu.memory_space<vmem>>) target(%dma_start3A_135 : memref<10240x128xf32, #tpu.memory_space<vmem_shared>>) offsets(%dma_start3A_132 : memref<40xi32, #tpu.memory_space<vmem>>) semaphore(%run_scoped3A : memref<!tpu.dma_semaphore, #tpu.memory_space<semaphore_mem>>) {add = true}
        %dma_wait3A_136 = arith.constant 0 : i32
        %dma_wait3A_137 = tpu.memref_slice %arg8[%add3A_51, %dma_wait3A_136] : memref<250x40xi32, #tpu.memory_space<vmem>> -> memref<1x40xi32, #tpu.memory_space<vmem>>
        %dma_wait3A_138 = tpu.memref_squeeze %dma_wait3A_137 : memref<1x40xi32, #tpu.memory_space<vmem>> -> memref<40xi32, #tpu.memory_space<vmem>>
        %dma_wait3A_139 = arith.constant 0 : i32
        %dma_wait3A_140 = arith.constant 0 : i32
        %dma_wait3A_141 = tpu.memref_slice %arg14[%dma_wait3A_139, %dma_wait3A_140] : memref<10240x128xf32, #tpu.memory_space<vmem_shared>> -> memref<10240x128xf32, #tpu.memory_space<vmem_shared>>
        tpu.wait_indirect_dma semaphore(%run_scoped3A : memref<!tpu.dma_semaphore, #tpu.memory_space<semaphore_mem>>) src(%arg9 : memref<40x128xf32, #tpu.memory_space<vmem>>) dst(%dma_wait3A_141 : memref<10240x128xf32, #tpu.memory_space<vmem_shared>>)
        tpu.yield
      }) : () -> ()
      %add3A_52 = arith.constant 0 : i32
      %add3A_53 = arith.addi %add3A_43, %add3A_52 : i32
      %add3A_54 = arith.constant 5 : i32
      %add3A_55 = arith.addi %add3A_53, %add3A_54 : i32
      %lt3A = arith.constant 250 : i32
      %lt3A_56 = arith.cmpi slt, %add3A_55, %lt3A : i32
      %convert_element_type3A = arith.extui %lt3A_56 : i1 to i32
      %cond3A = arith.constant 0 : i32
      %cond3A_57 = arith.cmpi ne, %convert_element_type3A, %cond3A : i32
      scf.if %cond3A_57 {
        %add3A_130 = arith.constant 0 : i32
        %add3A_131 = arith.addi %add3A_43, %add3A_130 : i32
        %add3A_132 = arith.constant 5 : i32
        %add3A_133 = arith.addi %add3A_131, %add3A_132 : i32
        %dma_start3A_134 = arith.constant 0 : i32
        %dma_start3A_135 = tpu.memref_slice %arg7[%add3A_133, %dma_start3A_134] : memref<250x40xi32, #tpu.memory_space<vmem>> -> memref<1x40xi32, #tpu.memory_space<vmem>>
        %dma_start3A_136 = tpu.memref_squeeze %dma_start3A_135 : memref<1x40xi32, #tpu.memory_space<vmem>> -> memref<40xi32, #tpu.memory_space<vmem>>
        %dma_start3A_137 = arith.constant 0 : i32
        %dma_start3A_138 = arith.constant 0 : i32
        %dma_start3A_139 = tpu.memref_slice %arg2[%dma_start3A_137, %dma_start3A_138] : memref<10240x128xf32, #tpu.memory_space<hbm>> -> memref<10240x128xf32, #tpu.memory_space<hbm>>
        tpu.enqueue_indirect_dma source(%dma_start3A_139 : memref<10240x128xf32, #tpu.memory_space<hbm>>) target(%arg9 : memref<40x128xf32, #tpu.memory_space<vmem>>) offsets(%dma_start3A_136 : memref<40xi32, #tpu.memory_space<vmem>>) semaphore(%arg15 : memref<!tpu.dma_semaphore, #tpu.memory_space<semaphore_mem>>)
      } else {
      }
      %dma_wait3A_58 = arith.constant 0 : i32
      %dma_wait3A_59 = arith.constant 0 : i32
      %dma_wait3A_60 = tpu.memref_slice %arg7[%dma_wait3A_58, %dma_wait3A_59] : memref<250x40xi32, #tpu.memory_space<vmem>> -> memref<1x40xi32, #tpu.memory_space<vmem>>
      %dma_wait3A_61 = tpu.memref_squeeze %dma_wait3A_60 : memref<1x40xi32, #tpu.memory_space<vmem>> -> memref<40xi32, #tpu.memory_space<vmem>>
      %dma_wait3A_62 = arith.constant 0 : i32
      %dma_wait3A_63 = arith.constant 0 : i32
      %dma_wait3A_64 = tpu.memref_slice %arg2[%dma_wait3A_62, %dma_wait3A_63] : memref<10240x128xf32, #tpu.memory_space<hbm>> -> memref<10240x128xf32, #tpu.memory_space<hbm>>
      tpu.wait_indirect_dma semaphore(%arg16 : memref<!tpu.dma_semaphore, #tpu.memory_space<semaphore_mem>>) src(%dma_wait3A_64 : memref<10240x128xf32, #tpu.memory_space<hbm>>) dst(%arg10 : memref<40x128xf32, #tpu.memory_space<vmem>>)
      %add3A_65 = arith.constant 1 : i32
      %add3A_66 = arith.addi %add3A_43, %add3A_65 : i32
      "tpu.region"() ({
        %run_scoped3A = tpu.sem_alloc : memref<!tpu.dma_semaphore, #tpu.memory_space<semaphore_mem>>
        %dma_start3A_130 = arith.constant 0 : i32
        %dma_start3A_131 = tpu.memref_slice %arg8[%add3A_66, %dma_start3A_130] : memref<250x40xi32, #tpu.memory_space<vmem>> -> memref<1x40xi32, #tpu.memory_space<vmem>>
        %dma_start3A_132 = tpu.memref_squeeze %dma_start3A_131 : memref<1x40xi32, #tpu.memory_space<vmem>> -> memref<40xi32, #tpu.memory_space<vmem>>
        %dma_start3A_133 = arith.constant 0 : i32
        %dma_start3A_134 = arith.constant 0 : i32
        %dma_start3A_135 = tpu.memref_slice %arg14[%dma_start3A_133, %dma_start3A_134] : memref<10240x128xf32, #tpu.memory_space<vmem_shared>> -> memref<10240x128xf32, #tpu.memory_space<vmem_shared>>
        tpu.enqueue_indirect_dma source(%arg10 : memref<40x128xf32, #tpu.memory_space<vmem>>) target(%dma_start3A_135 : memref<10240x128xf32, #tpu.memory_space<vmem_shared>>) offsets(%dma_start3A_132 : memref<40xi32, #tpu.memory_space<vmem>>) semaphore(%run_scoped3A : memref<!tpu.dma_semaphore, #tpu.memory_space<semaphore_mem>>) {add = true}
        %dma_wait3A_136 = arith.constant 0 : i32
        %dma_wait3A_137 = tpu.memref_slice %arg8[%add3A_66, %dma_wait3A_136] : memref<250x40xi32, #tpu.memory_space<vmem>> -> memref<1x40xi32, #tpu.memory_space<vmem>>
        %dma_wait3A_138 = tpu.memref_squeeze %dma_wait3A_137 : memref<1x40xi32, #tpu.memory_space<vmem>> -> memref<40xi32, #tpu.memory_space<vmem>>
        %dma_wait3A_139 = arith.constant 0 : i32
        %dma_wait3A_140 = arith.constant 0 : i32
        %dma_wait3A_141 = tpu.memref_slice %arg14[%dma_wait3A_139, %dma_wait3A_140] : memref<10240x128xf32, #tpu.memory_space<vmem_shared>> -> memref<10240x128xf32, #tpu.memory_space<vmem_shared>>
        tpu.wait_indirect_dma semaphore(%run_scoped3A : memref<!tpu.dma_semaphore, #tpu.memory_space<semaphore_mem>>) src(%arg10 : memref<40x128xf32, #tpu.memory_space<vmem>>) dst(%dma_wait3A_141 : memref<10240x128xf32, #tpu.memory_space<vmem_shared>>)
        tpu.yield
      }) : () -> ()
      %add3A_67 = arith.constant 1 : i32
      %add3A_68 = arith.addi %add3A_43, %add3A_67 : i32
      %add3A_69 = arith.constant 5 : i32
      %add3A_70 = arith.addi %add3A_68, %add3A_69 : i32
      %lt3A_71 = arith.constant 250 : i32
      %lt3A_72 = arith.cmpi slt, %add3A_70, %lt3A_71 : i32
      %convert_element_type3A_73 = arith.extui %lt3A_72 : i1 to i32
      %cond3A_74 = arith.constant 0 : i32
      %cond3A_75 = arith.cmpi ne, %convert_element_type3A_73, %cond3A_74 : i32
      scf.if %cond3A_75 {
        %add3A_130 = arith.constant 1 : i32
        %add3A_131 = arith.addi %add3A_43, %add3A_130 : i32
        %add3A_132 = arith.constant 5 : i32
        %add3A_133 = arith.addi %add3A_131, %add3A_132 : i32
        %dma_start3A_134 = arith.constant 0 : i32
        %dma_start3A_135 = tpu.memref_slice %arg7[%add3A_133, %dma_start3A_134] : memref<250x40xi32, #tpu.memory_space<vmem>> -> memref<1x40xi32, #tpu.memory_space<vmem>>
        %dma_start3A_136 = tpu.memref_squeeze %dma_start3A_135 : memref<1x40xi32, #tpu.memory_space<vmem>> -> memref<40xi32, #tpu.memory_space<vmem>>
        %dma_start3A_137 = arith.constant 0 : i32
        %dma_start3A_138 = arith.constant 0 : i32
        %dma_start3A_139 = tpu.memref_slice %arg2[%dma_start3A_137, %dma_start3A_138] : memref<10240x128xf32, #tpu.memory_space<hbm>> -> memref<10240x128xf32, #tpu.memory_space<hbm>>
        tpu.enqueue_indirect_dma source(%dma_start3A_139 : memref<10240x128xf32, #tpu.memory_space<hbm>>) target(%arg10 : memref<40x128xf32, #tpu.memory_space<vmem>>) offsets(%dma_start3A_136 : memref<40xi32, #tpu.memory_space<vmem>>) semaphore(%arg16 : memref<!tpu.dma_semaphore, #tpu.memory_space<semaphore_mem>>)
      } else {
      }
      %dma_wait3A_76 = arith.constant 0 : i32
      %dma_wait3A_77 = arith.constant 0 : i32
      %dma_wait3A_78 = tpu.memref_slice %arg7[%dma_wait3A_76, %dma_wait3A_77] : memref<250x40xi32, #tpu.memory_space<vmem>> -> memref<1x40xi32, #tpu.memory_space<vmem>>
      %dma_wait3A_79 = tpu.memref_squeeze %dma_wait3A_78 : memref<1x40xi32, #tpu.memory_space<vmem>> -> memref<40xi32, #tpu.memory_space<vmem>>
      %dma_wait3A_80 = arith.constant 0 : i32
      %dma_wait3A_81 = arith.constant 0 : i32
      %dma_wait3A_82 = tpu.memref_slice %arg2[%dma_wait3A_80, %dma_wait3A_81] : memref<10240x128xf32, #tpu.memory_space<hbm>> -> memref<10240x128xf32, #tpu.memory_space<hbm>>
      tpu.wait_indirect_dma semaphore(%arg17 : memref<!tpu.dma_semaphore, #tpu.memory_space<semaphore_mem>>) src(%dma_wait3A_82 : memref<10240x128xf32, #tpu.memory_space<hbm>>) dst(%arg11 : memref<40x128xf32, #tpu.memory_space<vmem>>)
      %add3A_83 = arith.constant 2 : i32
      %add3A_84 = arith.addi %add3A_43, %add3A_83 : i32
      "tpu.region"() ({
        %run_scoped3A = tpu.sem_alloc : memref<!tpu.dma_semaphore, #tpu.memory_space<semaphore_mem>>
        %dma_start3A_130 = arith.constant 0 : i32
        %dma_start3A_131 = tpu.memref_slice %arg8[%add3A_84, %dma_start3A_130] : memref<250x40xi32, #tpu.memory_space<vmem>> -> memref<1x40xi32, #tpu.memory_space<vmem>>
        %dma_start3A_132 = tpu.memref_squeeze %dma_start3A_131 : memref<1x40xi32, #tpu.memory_space<vmem>> -> memref<40xi32, #tpu.memory_space<vmem>>
        %dma_start3A_133 = arith.constant 0 : i32
        %dma_start3A_134 = arith.constant 0 : i32
        %dma_start3A_135 = tpu.memref_slice %arg14[%dma_start3A_133, %dma_start3A_134] : memref<10240x128xf32, #tpu.memory_space<vmem_shared>> -> memref<10240x128xf32, #tpu.memory_space<vmem_shared>>
        tpu.enqueue_indirect_dma source(%arg11 : memref<40x128xf32, #tpu.memory_space<vmem>>) target(%dma_start3A_135 : memref<10240x128xf32, #tpu.memory_space<vmem_shared>>) offsets(%dma_start3A_132 : memref<40xi32, #tpu.memory_space<vmem>>) semaphore(%run_scoped3A : memref<!tpu.dma_semaphore, #tpu.memory_space<semaphore_mem>>) {add = true}
        %dma_wait3A_136 = arith.constant 0 : i32
        %dma_wait3A_137 = tpu.memref_slice %arg8[%add3A_84, %dma_wait3A_136] : memref<250x40xi32, #tpu.memory_space<vmem>> -> memref<1x40xi32, #tpu.memory_space<vmem>>
        %dma_wait3A_138 = tpu.memref_squeeze %dma_wait3A_137 : memref<1x40xi32, #tpu.memory_space<vmem>> -> memref<40xi32, #tpu.memory_space<vmem>>
        %dma_wait3A_139 = arith.constant 0 : i32
        %dma_wait3A_140 = arith.constant 0 : i32
        %dma_wait3A_141 = tpu.memref_slice %arg14[%dma_wait3A_139, %dma_wait3A_140] : memref<10240x128xf32, #tpu.memory_space<vmem_shared>> -> memref<10240x128xf32, #tpu.memory_space<vmem_shared>>
        tpu.wait_indirect_dma semaphore(%run_scoped3A : memref<!tpu.dma_semaphore, #tpu.memory_space<semaphore_mem>>) src(%arg11 : memref<40x128xf32, #tpu.memory_space<vmem>>) dst(%dma_wait3A_141 : memref<10240x128xf32, #tpu.memory_space<vmem_shared>>)
        tpu.yield
      }) : () -> ()
      %add3A_85 = arith.constant 2 : i32
      %add3A_86 = arith.addi %add3A_43, %add3A_85 : i32
      %add3A_87 = arith.constant 5 : i32
      %add3A_88 = arith.addi %add3A_86, %add3A_87 : i32
      %lt3A_89 = arith.constant 250 : i32
      %lt3A_90 = arith.cmpi slt, %add3A_88, %lt3A_89 : i32
      %convert_element_type3A_91 = arith.extui %lt3A_90 : i1 to i32
      %cond3A_92 = arith.constant 0 : i32
      %cond3A_93 = arith.cmpi ne, %convert_element_type3A_91, %cond3A_92 : i32
      scf.if %cond3A_93 {
        %add3A_130 = arith.constant 2 : i32
        %add3A_131 = arith.addi %add3A_43, %add3A_130 : i32
        %add3A_132 = arith.constant 5 : i32
        %add3A_133 = arith.addi %add3A_131, %add3A_132 : i32
        %dma_start3A_134 = arith.constant 0 : i32
        %dma_start3A_135 = tpu.memref_slice %arg7[%add3A_133, %dma_start3A_134] : memref<250x40xi32, #tpu.memory_space<vmem>> -> memref<1x40xi32, #tpu.memory_space<vmem>>
        %dma_start3A_136 = tpu.memref_squeeze %dma_start3A_135 : memref<1x40xi32, #tpu.memory_space<vmem>> -> memref<40xi32, #tpu.memory_space<vmem>>
        %dma_start3A_137 = arith.constant 0 : i32
        %dma_start3A_138 = arith.constant 0 : i32
        %dma_start3A_139 = tpu.memref_slice %arg2[%dma_start3A_137, %dma_start3A_138] : memref<10240x128xf32, #tpu.memory_space<hbm>> -> memref<10240x128xf32, #tpu.memory_space<hbm>>
        tpu.enqueue_indirect_dma source(%dma_start3A_139 : memref<10240x128xf32, #tpu.memory_space<hbm>>) target(%arg11 : memref<40x128xf32, #tpu.memory_space<vmem>>) offsets(%dma_start3A_136 : memref<40xi32, #tpu.memory_space<vmem>>) semaphore(%arg17 : memref<!tpu.dma_semaphore, #tpu.memory_space<semaphore_mem>>)
      } else {
      }
      %dma_wait3A_94 = arith.constant 0 : i32
      %dma_wait3A_95 = arith.constant 0 : i32
      %dma_wait3A_96 = tpu.memref_slice %arg7[%dma_wait3A_94, %dma_wait3A_95] : memref<250x40xi32, #tpu.memory_space<vmem>> -> memref<1x40xi32, #tpu.memory_space<vmem>>
      %dma_wait3A_97 = tpu.memref_squeeze %dma_wait3A_96 : memref<1x40xi32, #tpu.memory_space<vmem>> -> memref<40xi32, #tpu.memory_space<vmem>>
      %dma_wait3A_98 = arith.constant 0 : i32
      %dma_wait3A_99 = arith.constant 0 : i32
      %dma_wait3A_100 = tpu.memref_slice %arg2[%dma_wait3A_98, %dma_wait3A_99] : memref<10240x128xf32, #tpu.memory_space<hbm>> -> memref<10240x128xf32, #tpu.memory_space<hbm>>
      tpu.wait_indirect_dma semaphore(%arg18 : memref<!tpu.dma_semaphore, #tpu.memory_space<semaphore_mem>>) src(%dma_wait3A_100 : memref<10240x128xf32, #tpu.memory_space<hbm>>) dst(%arg12 : memref<40x128xf32, #tpu.memory_space<vmem>>)
      %add3A_101 = arith.constant 3 : i32
      %add3A_102 = arith.addi %add3A_43, %add3A_101 : i32
      "tpu.region"() ({
        %run_scoped3A = tpu.sem_alloc : memref<!tpu.dma_semaphore, #tpu.memory_space<semaphore_mem>>
        %dma_start3A_130 = arith.constant 0 : i32
        %dma_start3A_131 = tpu.memref_slice %arg8[%add3A_102, %dma_start3A_130] : memref<250x40xi32, #tpu.memory_space<vmem>> -> memref<1x40xi32, #tpu.memory_space<vmem>>
        %dma_start3A_132 = tpu.memref_squeeze %dma_start3A_131 : memref<1x40xi32, #tpu.memory_space<vmem>> -> memref<40xi32, #tpu.memory_space<vmem>>
        %dma_start3A_133 = arith.constant 0 : i32
        %dma_start3A_134 = arith.constant 0 : i32
        %dma_start3A_135 = tpu.memref_slice %arg14[%dma_start3A_133, %dma_start3A_134] : memref<10240x128xf32, #tpu.memory_space<vmem_shared>> -> memref<10240x128xf32, #tpu.memory_space<vmem_shared>>
        tpu.enqueue_indirect_dma source(%arg12 : memref<40x128xf32, #tpu.memory_space<vmem>>) target(%dma_start3A_135 : memref<10240x128xf32, #tpu.memory_space<vmem_shared>>) offsets(%dma_start3A_132 : memref<40xi32, #tpu.memory_space<vmem>>) semaphore(%run_scoped3A : memref<!tpu.dma_semaphore, #tpu.memory_space<semaphore_mem>>) {add = true}
        %dma_wait3A_136 = arith.constant 0 : i32
        %dma_wait3A_137 = tpu.memref_slice %arg8[%add3A_102, %dma_wait3A_136] : memref<250x40xi32, #tpu.memory_space<vmem>> -> memref<1x40xi32, #tpu.memory_space<vmem>>
        %dma_wait3A_138 = tpu.memref_squeeze %dma_wait3A_137 : memref<1x40xi32, #tpu.memory_space<vmem>> -> memref<40xi32, #tpu.memory_space<vmem>>
        %dma_wait3A_139 = arith.constant 0 : i32
        %dma_wait3A_140 = arith.constant 0 : i32
        %dma_wait3A_141 = tpu.memref_slice %arg14[%dma_wait3A_139, %dma_wait3A_140] : memref<10240x128xf32, #tpu.memory_space<vmem_shared>> -> memref<10240x128xf32, #tpu.memory_space<vmem_shared>>
        tpu.wait_indirect_dma semaphore(%run_scoped3A : memref<!tpu.dma_semaphore, #tpu.memory_space<semaphore_mem>>) src(%arg12 : memref<40x128xf32, #tpu.memory_space<vmem>>) dst(%dma_wait3A_141 : memref<10240x128xf32, #tpu.memory_space<vmem_shared>>)
        tpu.yield
      }) : () -> ()
      %add3A_103 = arith.constant 3 : i32
      %add3A_104 = arith.addi %add3A_43, %add3A_103 : i32
      %add3A_105 = arith.constant 5 : i32
      %add3A_106 = arith.addi %add3A_104, %add3A_105 : i32
      %lt3A_107 = arith.constant 250 : i32
      %lt3A_108 = arith.cmpi slt, %add3A_106, %lt3A_107 : i32
      %convert_element_type3A_109 = arith.extui %lt3A_108 : i1 to i32
      %cond3A_110 = arith.constant 0 : i32
      %cond3A_111 = arith.cmpi ne, %convert_element_type3A_109, %cond3A_110 : i32
      scf.if %cond3A_111 {
        %add3A_130 = arith.constant 3 : i32
        %add3A_131 = arith.addi %add3A_43, %add3A_130 : i32
        %add3A_132 = arith.constant 5 : i32
        %add3A_133 = arith.addi %add3A_131, %add3A_132 : i32
        %dma_start3A_134 = arith.constant 0 : i32
        %dma_start3A_135 = tpu.memref_slice %arg7[%add3A_133, %dma_start3A_134] : memref<250x40xi32, #tpu.memory_space<vmem>> -> memref<1x40xi32, #tpu.memory_space<vmem>>
        %dma_start3A_136 = tpu.memref_squeeze %dma_start3A_135 : memref<1x40xi32, #tpu.memory_space<vmem>> -> memref<40xi32, #tpu.memory_space<vmem>>
        %dma_start3A_137 = arith.constant 0 : i32
        %dma_start3A_138 = arith.constant 0 : i32
        %dma_start3A_139 = tpu.memref_slice %arg2[%dma_start3A_137, %dma_start3A_138] : memref<10240x128xf32, #tpu.memory_space<hbm>> -> memref<10240x128xf32, #tpu.memory_space<hbm>>
        tpu.enqueue_indirect_dma source(%dma_start3A_139 : memref<10240x128xf32, #tpu.memory_space<hbm>>) target(%arg12 : memref<40x128xf32, #tpu.memory_space<vmem>>) offsets(%dma_start3A_136 : memref<40xi32, #tpu.memory_space<vmem>>) semaphore(%arg18 : memref<!tpu.dma_semaphore, #tpu.memory_space<semaphore_mem>>)
      } else {
      }
      %dma_wait3A_112 = arith.constant 0 : i32
      %dma_wait3A_113 = arith.constant 0 : i32
      %dma_wait3A_114 = tpu.memref_slice %arg7[%dma_wait3A_112, %dma_wait3A_113] : memref<250x40xi32, #tpu.memory_space<vmem>> -> memref<1x40xi32, #tpu.memory_space<vmem>>
      %dma_wait3A_115 = tpu.memref_squeeze %dma_wait3A_114 : memref<1x40xi32, #tpu.memory_space<vmem>> -> memref<40xi32, #tpu.memory_space<vmem>>
      %dma_wait3A_116 = arith.constant 0 : i32
      %dma_wait3A_117 = arith.constant 0 : i32
      %dma_wait3A_118 = tpu.memref_slice %arg2[%dma_wait3A_116, %dma_wait3A_117] : memref<10240x128xf32, #tpu.memory_space<hbm>> -> memref<10240x128xf32, #tpu.memory_space<hbm>>
      tpu.wait_indirect_dma semaphore(%arg19 : memref<!tpu.dma_semaphore, #tpu.memory_space<semaphore_mem>>) src(%dma_wait3A_118 : memref<10240x128xf32, #tpu.memory_space<hbm>>) dst(%arg13 : memref<40x128xf32, #tpu.memory_space<vmem>>)
      %add3A_119 = arith.constant 4 : i32
      %add3A_120 = arith.addi %add3A_43, %add3A_119 : i32
      "tpu.region"() ({
        %run_scoped3A = tpu.sem_alloc : memref<!tpu.dma_semaphore, #tpu.memory_space<semaphore_mem>>
        %dma_start3A_130 = arith.constant 0 : i32
        %dma_start3A_131 = tpu.memref_slice %arg8[%add3A_120, %dma_start3A_130] : memref<250x40xi32, #tpu.memory_space<vmem>> -> memref<1x40xi32, #tpu.memory_space<vmem>>
        %dma_start3A_132 = tpu.memref_squeeze %dma_start3A_131 : memref<1x40xi32, #tpu.memory_space<vmem>> -> memref<40xi32, #tpu.memory_space<vmem>>
        %dma_start3A_133 = arith.constant 0 : i32
        %dma_start3A_134 = arith.constant 0 : i32
        %dma_start3A_135 = tpu.memref_slice %arg14[%dma_start3A_133, %dma_start3A_134] : memref<10240x128xf32, #tpu.memory_space<vmem_shared>> -> memref<10240x128xf32, #tpu.memory_space<vmem_shared>>
        tpu.enqueue_indirect_dma source(%arg13 : memref<40x128xf32, #tpu.memory_space<vmem>>) target(%dma_start3A_135 : memref<10240x128xf32, #tpu.memory_space<vmem_shared>>) offsets(%dma_start3A_132 : memref<40xi32, #tpu.memory_space<vmem>>) semaphore(%run_scoped3A : memref<!tpu.dma_semaphore, #tpu.memory_space<semaphore_mem>>) {add = true}
        %dma_wait3A_136 = arith.constant 0 : i32
        %dma_wait3A_137 = tpu.memref_slice %arg8[%add3A_120, %dma_wait3A_136] : memref<250x40xi32, #tpu.memory_space<vmem>> -> memref<1x40xi32, #tpu.memory_space<vmem>>
        %dma_wait3A_138 = tpu.memref_squeeze %dma_wait3A_137 : memref<1x40xi32, #tpu.memory_space<vmem>> -> memref<40xi32, #tpu.memory_space<vmem>>
        %dma_wait3A_139 = arith.constant 0 : i32
        %dma_wait3A_140 = arith.constant 0 : i32
        %dma_wait3A_141 = tpu.memref_slice %arg14[%dma_wait3A_139, %dma_wait3A_140] : memref<10240x128xf32, #tpu.memory_space<vmem_shared>> -> memref<10240x128xf32, #tpu.memory_space<vmem_shared>>
        tpu.wait_indirect_dma semaphore(%run_scoped3A : memref<!tpu.dma_semaphore, #tpu.memory_space<semaphore_mem>>) src(%arg13 : memref<40x128xf32, #tpu.memory_space<vmem>>) dst(%dma_wait3A_141 : memref<10240x128xf32, #tpu.memory_space<vmem_shared>>)
        tpu.yield
      }) : () -> ()
      %add3A_121 = arith.constant 4 : i32
      %add3A_122 = arith.addi %add3A_43, %add3A_121 : i32
      %add3A_123 = arith.constant 5 : i32
      %add3A_124 = arith.addi %add3A_122, %add3A_123 : i32
      %lt3A_125 = arith.constant 250 : i32
      %lt3A_126 = arith.cmpi slt, %add3A_124, %lt3A_125 : i32
      %convert_element_type3A_127 = arith.extui %lt3A_126 : i1 to i32
      %cond3A_128 = arith.constant 0 : i32
      %cond3A_129 = arith.cmpi ne, %convert_element_type3A_127, %cond3A_128 : i32
      scf.if %cond3A_129 {
        %add3A_130 = arith.constant 4 : i32
        %add3A_131 = arith.addi %add3A_43, %add3A_130 : i32
        %add3A_132 = arith.constant 5 : i32
        %add3A_133 = arith.addi %add3A_131, %add3A_132 : i32
        %dma_start3A_134 = arith.constant 0 : i32
        %dma_start3A_135 = tpu.memref_slice %arg7[%add3A_133, %dma_start3A_134] : memref<250x40xi32, #tpu.memory_space<vmem>> -> memref<1x40xi32, #tpu.memory_space<vmem>>
        %dma_start3A_136 = tpu.memref_squeeze %dma_start3A_135 : memref<1x40xi32, #tpu.memory_space<vmem>> -> memref<40xi32, #tpu.memory_space<vmem>>
        %dma_start3A_137 = arith.constant 0 : i32
        %dma_start3A_138 = arith.constant 0 : i32
        %dma_start3A_139 = tpu.memref_slice %arg2[%dma_start3A_137, %dma_start3A_138] : memref<10240x128xf32, #tpu.memory_space<hbm>> -> memref<10240x128xf32, #tpu.memory_space<hbm>>
        tpu.enqueue_indirect_dma source(%dma_start3A_139 : memref<10240x128xf32, #tpu.memory_space<hbm>>) target(%arg13 : memref<40x128xf32, #tpu.memory_space<vmem>>) offsets(%dma_start3A_136 : memref<40xi32, #tpu.memory_space<vmem>>) semaphore(%arg19 : memref<!tpu.dma_semaphore, #tpu.memory_space<semaphore_mem>>)
      } else {
      }
    }
    %scan3A_38 = arith.constant 50 : i32
    %barrier3A_39 = arith.constant 0 : index
    tpu.barrier barrier_id(%barrier3A_39)
    "tpu.region"() ({
      %run_scoped3A = tpu.sem_alloc : memref<!tpu.dma_semaphore, #tpu.memory_space<semaphore_mem>>
      %dma_start3A_40 = arith.constant 0 : i32
      %dma_start3A_41 = arith.constant 0 : i32
      %dma_start3A_42 = tpu.memref_slice %arg6[%arg0, %dma_start3A_40, %dma_start3A_41] : memref<2x10240x128xf32, #tpu.memory_space<hbm>> -> memref<1x10240x128xf32, #tpu.memory_space<hbm>>
      %dma_start3A_43 = tpu.memref_squeeze %dma_start3A_42 : memref<1x10240x128xf32, #tpu.memory_space<hbm>> -> memref<10240x128xf32, #tpu.memory_space<hbm>>
      %dma_start3A_44 = arith.constant 0 : i32
      %dma_start3A_45 = tpu.memref_slice %dma_start3A_43[%mul3A_0, %dma_start3A_44] : memref<10240x128xf32, #tpu.memory_space<hbm>> -> memref<640x128xf32, #tpu.memory_space<hbm>>
      %dma_start3A_46 = arith.constant 0 : i32
      %dma_start3A_47 = tpu.memref_slice %arg14[%mul3A_0, %dma_start3A_46] : memref<10240x128xf32, #tpu.memory_space<vmem_shared>> -> memref<640x128xf32, #tpu.memory_space<vmem_shared>>
      tpu.enqueue_dma source(%dma_start3A_47 : memref<640x128xf32, #tpu.memory_space<vmem_shared>>) target(%dma_start3A_45 : memref<640x128xf32, #tpu.memory_space<hbm>>) target_semaphore(%run_scoped3A : memref<!tpu.dma_semaphore, #tpu.memory_space<semaphore_mem>>)
      %dma_wait3A = arith.constant 0 : i32
      %dma_wait3A_48 = arith.constant 0 : i32
      %dma_wait3A_49 = tpu.memref_slice %arg6[%arg0, %dma_wait3A, %dma_wait3A_48] : memref<2x10240x128xf32, #tpu.memory_space<hbm>> -> memref<1x10240x128xf32, #tpu.memory_space<hbm>>
      %dma_wait3A_50 = tpu.memref_squeeze %dma_wait3A_49 : memref<1x10240x128xf32, #tpu.memory_space<hbm>> -> memref<10240x128xf32, #tpu.memory_space<hbm>>
      %dma_wait3A_51 = arith.constant 0 : i32
      %dma_wait3A_52 = tpu.memref_slice %dma_wait3A_50[%mul3A_0, %dma_wait3A_51] : memref<10240x128xf32, #tpu.memory_space<hbm>> -> memref<640x128xf32, #tpu.memory_space<hbm>>
      %dma_wait3A_53 = arith.constant 0 : i32
      %dma_wait3A_54 = tpu.memref_slice %arg14[%mul3A_0, %dma_wait3A_53] : memref<10240x128xf32, #tpu.memory_space<vmem_shared>> -> memref<640x128xf32, #tpu.memory_space<vmem_shared>>
      tpu.wait_dma2 semaphore(%run_scoped3A : memref<!tpu.dma_semaphore, #tpu.memory_space<semaphore_mem>>) src(%dma_wait3A_54 : memref<640x128xf32, #tpu.memory_space<vmem_shared>>) dst(%dma_wait3A_52 : memref<640x128xf32, #tpu.memory_space<hbm>>)
      tpu.yield
    }) : () -> ()
    return
  }
}

module attributes {stable_mosaic.version = 14 : i64} {
  func.func @_l1_body(%arg0: memref<10240x128xf32, #tpu.memory_space<vmem>>, %arg1: memref<128x128xf32, #tpu.memory_space<vmem>>, %arg2: memref<10240x16xf32, #tpu.memory_space<vmem>>, %arg3: memref<10240x128xf32, #tpu.memory_space<vmem>>) attributes {dimension_semantics = [], scalar_prefetch = 0 : i64, scratch_operands = 0 : i64, tpu.core_type = #tpu.core_type<tc>} {
    %get3A = arith.constant 0 : index
    %get3A_0 = arith.constant 0 : index
    %get3A_1 = vector.load %arg0[%get3A, %get3A_0] : memref<10240x128xf32, #tpu.memory_space<vmem>>, vector<10240x128xf32>
    %get3A_2 = arith.constant 0 : index
    %get3A_3 = arith.constant 0 : index
    %get3A_4 = vector.load %arg1[%get3A_2, %get3A_3] : memref<128x128xf32, #tpu.memory_space<vmem>>, vector<128x128xf32>
    %dot_general3A = arith.constant dense<0.000000e+00> : vector<10240x128xf32>
    %dot_general3A_5 = tpu.matmul %get3A_1, %get3A_4, %dot_general3A {dimension_numbers = #tpu.dot_dimension_numbers<[1], [0], [0], [1], [0, 0, 1, 1], [], []>, transpose_lhs_hint = false} : vector<10240x128xf32>, vector<128x128xf32>, vector<10240x128xf32> -> vector<10240x128xf32>
    %get3A_6 = arith.constant 0 : index
    %get3A_7 = arith.constant 0 : index
    %get3A_8 = vector.load %arg2[%get3A_6, %get3A_7] : memref<10240x16xf32, #tpu.memory_space<vmem>>, vector<10240x1xf32>
    %max3A = arith.constant 1.000000e+00 : f32
    %max3A_9 = vector.broadcast %max3A : f32 to vector<10240x1xf32>
    %max3A_10 = arith.maximumf %get3A_8, %max3A_9 : vector<10240x1xf32>
    %rsqrt3A = math.rsqrt %max3A_10 : vector<10240x1xf32>
    %mul3A = vector.broadcast %rsqrt3A : vector<10240x1xf32> to vector<10240x128xf32>
    %mul3A_11 = arith.mulf %dot_general3A_5, %mul3A : vector<10240x128xf32>
    %swap3A = arith.constant 0 : index
    %swap3A_12 = arith.constant 0 : index
    %swap3A_13 = vector.load %arg3[%swap3A, %swap3A_12] : memref<10240x128xf32, #tpu.memory_space<vmem>>, vector<10240x128xf32>
    tpu.vector_store %arg3[%swap3A, %swap3A_12], %mul3A_11 {strides = array<i32>} : memref<10240x128xf32, #tpu.memory_space<vmem>>, vector<10240x128xf32>,
    return
  }
}

module attributes {stable_mosaic.version = 14 : i64} {
  func.func @_mid_body(%arg0: memref<2x10240x128xf32, #tpu.memory_space<vmem>>, %arg1: memref<10240x16xf32, #tpu.memory_space<vmem>>, %arg2: memref<10240x16xf32, #tpu.memory_space<vmem>>, %arg3: memref<1x128xf32, #tpu.memory_space<vmem>>, %arg4: memref<128x128xf32, #tpu.memory_space<vmem>>, %arg5: memref<10240x128xf32, #tpu.memory_space<vmem>>) attributes {dimension_semantics = [], scalar_prefetch = 0 : i64, scratch_operands = 0 : i64, tpu.core_type = #tpu.core_type<tc>} {
    %get3A = arith.constant 0 : index
    %get3A_0 = arith.constant 0 : index
    %get3A_1 = arith.constant 0 : index
    %get3A_2 = vector.load %arg0[%get3A, %get3A_0, %get3A_1] : memref<2x10240x128xf32, #tpu.memory_space<vmem>>, vector<1x10240x128xf32>
    %get3A_3 = vector.shape_cast %get3A_2 : vector<1x10240x128xf32> to vector<10240x128xf32>
    %get3A_4 = arith.constant 1 : index
    %get3A_5 = arith.constant 0 : index
    %get3A_6 = arith.constant 0 : index
    %get3A_7 = vector.load %arg0[%get3A_4, %get3A_5, %get3A_6] : memref<2x10240x128xf32, #tpu.memory_space<vmem>>, vector<1x10240x128xf32>
    %get3A_8 = vector.shape_cast %get3A_7 : vector<1x10240x128xf32> to vector<10240x128xf32>
    %add3A = arith.addf %get3A_3, %get3A_8 : vector<10240x128xf32>
    %get3A_9 = arith.constant 0 : index
    %get3A_10 = arith.constant 0 : index
    %get3A_11 = vector.load %arg2[%get3A_9, %get3A_10] : memref<10240x16xf32, #tpu.memory_space<vmem>>, vector<10240x1xf32>
    %max3A = arith.constant 1.000000e+00 : f32
    %max3A_12 = vector.broadcast %max3A : f32 to vector<10240x1xf32>
    %max3A_13 = arith.maximumf %get3A_11, %max3A_12 : vector<10240x1xf32>
    %rsqrt3A = math.rsqrt %max3A_13 : vector<10240x1xf32>
    %mul3A = vector.broadcast %rsqrt3A : vector<10240x1xf32> to vector<10240x128xf32>
    %mul3A_14 = arith.mulf %add3A, %mul3A : vector<10240x128xf32>
    %get3A_15 = arith.constant 0 : index
    %get3A_16 = arith.constant 0 : index
    %get3A_17 = vector.load %arg3[%get3A_15, %get3A_16] : memref<1x128xf32, #tpu.memory_space<vmem>>, vector<1x128xf32>
    %add3A_18 = vector.broadcast %get3A_17 : vector<1x128xf32> to vector<10240x128xf32>
    %add3A_19 = arith.addf %mul3A_14, %add3A_18 : vector<10240x128xf32>
    %max3A_20 = arith.constant 0.000000e+00 : f32
    %max3A_21 = vector.broadcast %max3A_20 : f32 to vector<10240x128xf32>
    %max3A_22 = arith.maximumf %add3A_19, %max3A_21 : vector<10240x128xf32>
    %get3A_23 = arith.constant 0 : index
    %get3A_24 = arith.constant 0 : index
    %get3A_25 = vector.load %arg1[%get3A_23, %get3A_24] : memref<10240x16xf32, #tpu.memory_space<vmem>>, vector<10240x1xf32>
    %max3A_26 = arith.constant 1.000000e+00 : f32
    %max3A_27 = vector.broadcast %max3A_26 : f32 to vector<10240x1xf32>
    %max3A_28 = arith.maximumf %get3A_25, %max3A_27 : vector<10240x1xf32>
    %rsqrt3A_29 = math.rsqrt %max3A_28 : vector<10240x1xf32>
    %mul3A_30 = vector.broadcast %rsqrt3A_29 : vector<10240x1xf32> to vector<10240x128xf32>
    %mul3A_31 = arith.mulf %max3A_22, %mul3A_30 : vector<10240x128xf32>
    %get3A_32 = arith.constant 0 : index
    %get3A_33 = arith.constant 0 : index
    %get3A_34 = vector.load %arg4[%get3A_32, %get3A_33] : memref<128x128xf32, #tpu.memory_space<vmem>>, vector<128x128xf32>
    %dot_general3A = arith.constant dense<0.000000e+00> : vector<10240x128xf32>
    %dot_general3A_35 = tpu.matmul %mul3A_31, %get3A_34, %dot_general3A {dimension_numbers = #tpu.dot_dimension_numbers<[1], [0], [0], [1], [0, 0, 1, 1], [], []>, transpose_lhs_hint = false} : vector<10240x128xf32>, vector<128x128xf32>, vector<10240x128xf32> -> vector<10240x128xf32>
    %swap3A = arith.constant 0 : index
    %swap3A_36 = arith.constant 0 : index
    %swap3A_37 = vector.load %arg5[%swap3A, %swap3A_36] : memref<10240x128xf32, #tpu.memory_space<vmem>>, vector<10240x128xf32>
    tpu.vector_store %arg5[%swap3A, %swap3A_36], %dot_general3A_35 {strides = array<i32>} : memref<10240x128xf32, #tpu.memory_space<vmem>>, vector<10240x128xf32>,
    return
  }
}

module attributes {stable_mosaic.version = 14 : i64} {
  func.func @_pre3_body(%arg0: memref<2x10240x128xf32, #tpu.memory_space<vmem>>, %arg1: memref<10240x16xf32, #tpu.memory_space<vmem>>, %arg2: memref<10240x16xf32, #tpu.memory_space<vmem>>, %arg3: memref<1x128xf32, #tpu.memory_space<vmem>>, %arg4: memref<10240x128xf32, #tpu.memory_space<vmem>>) attributes {dimension_semantics = [], scalar_prefetch = 0 : i64, scratch_operands = 0 : i64, tpu.core_type = #tpu.core_type<tc>} {
    %get3A = arith.constant 0 : index
    %get3A_0 = arith.constant 0 : index
    %get3A_1 = arith.constant 0 : index
    %get3A_2 = vector.load %arg0[%get3A, %get3A_0, %get3A_1] : memref<2x10240x128xf32, #tpu.memory_space<vmem>>, vector<1x10240x128xf32>
    %get3A_3 = vector.shape_cast %get3A_2 : vector<1x10240x128xf32> to vector<10240x128xf32>
    %get3A_4 = arith.constant 1 : index
    %get3A_5 = arith.constant 0 : index
    %get3A_6 = arith.constant 0 : index
    %get3A_7 = vector.load %arg0[%get3A_4, %get3A_5, %get3A_6] : memref<2x10240x128xf32, #tpu.memory_space<vmem>>, vector<1x10240x128xf32>
    %get3A_8 = vector.shape_cast %get3A_7 : vector<1x10240x128xf32> to vector<10240x128xf32>
    %add3A = arith.addf %get3A_3, %get3A_8 : vector<10240x128xf32>
    %get3A_9 = arith.constant 0 : index
    %get3A_10 = arith.constant 0 : index
    %get3A_11 = vector.load %arg2[%get3A_9, %get3A_10] : memref<10240x16xf32, #tpu.memory_space<vmem>>, vector<10240x1xf32>
    %max3A = arith.constant 1.000000e+00 : f32
    %max3A_12 = vector.broadcast %max3A : f32 to vector<10240x1xf32>
    %max3A_13 = arith.maximumf %get3A_11, %max3A_12 : vector<10240x1xf32>
    %rsqrt3A = math.rsqrt %max3A_13 : vector<10240x1xf32>
    %mul3A = vector.broadcast %rsqrt3A : vector<10240x1xf32> to vector<10240x128xf32>
    %mul3A_14 = arith.mulf %add3A, %mul3A : vector<10240x128xf32>
    %get3A_15 = arith.constant 0 : index
    %get3A_16 = arith.constant 0 : index
    %get3A_17 = vector.load %arg3[%get3A_15, %get3A_16] : memref<1x128xf32, #tpu.memory_space<vmem>>, vector<1x128xf32>
    %add3A_18 = vector.broadcast %get3A_17 : vector<1x128xf32> to vector<10240x128xf32>
    %add3A_19 = arith.addf %mul3A_14, %add3A_18 : vector<10240x128xf32>
    %max3A_20 = arith.constant 0.000000e+00 : f32
    %max3A_21 = vector.broadcast %max3A_20 : f32 to vector<10240x128xf32>
    %max3A_22 = arith.maximumf %add3A_19, %max3A_21 : vector<10240x128xf32>
    %get3A_23 = arith.constant 0 : index
    %get3A_24 = arith.constant 0 : index
    %get3A_25 = vector.load %arg1[%get3A_23, %get3A_24] : memref<10240x16xf32, #tpu.memory_space<vmem>>, vector<10240x1xf32>
    %max3A_26 = arith.constant 1.000000e+00 : f32
    %max3A_27 = vector.broadcast %max3A_26 : f32 to vector<10240x1xf32>
    %max3A_28 = arith.maximumf %get3A_25, %max3A_27 : vector<10240x1xf32>
    %rsqrt3A_29 = math.rsqrt %max3A_28 : vector<10240x1xf32>
    %mul3A_30 = vector.broadcast %rsqrt3A_29 : vector<10240x1xf32> to vector<10240x128xf32>
    %mul3A_31 = arith.mulf %max3A_22, %mul3A_30 : vector<10240x128xf32>
    %swap3A = arith.constant 0 : index
    %swap3A_32 = arith.constant 0 : index
    %swap3A_33 = vector.load %arg4[%swap3A, %swap3A_32] : memref<10240x128xf32, #tpu.memory_space<vmem>>, vector<10240x128xf32>
    tpu.vector_store %arg4[%swap3A, %swap3A_32], %mul3A_31 {strides = array<i32>} : memref<10240x128xf32, #tpu.memory_space<vmem>>, vector<10240x128xf32>,
    return
  }
}

module attributes {stable_mosaic.version = 14 : i64} {
  func.func @_final_body(%arg0: memref<2x10240x128xf32, #tpu.memory_space<vmem>>, %arg1: memref<10240x16xf32, #tpu.memory_space<vmem>>, %arg2: memref<128x128xf32, #tpu.memory_space<vmem>>, %arg3: memref<1x128xf32, #tpu.memory_space<vmem>>, %arg4: memref<10240x128xf32, #tpu.memory_space<vmem>>) attributes {dimension_semantics = [], scalar_prefetch = 0 : i64, scratch_operands = 0 : i64, tpu.core_type = #tpu.core_type<tc>} {
    %get3A = arith.constant 0 : index
    %get3A_0 = arith.constant 0 : index
    %get3A_1 = arith.constant 0 : index
    %get3A_2 = vector.load %arg0[%get3A, %get3A_0, %get3A_1] : memref<2x10240x128xf32, #tpu.memory_space<vmem>>, vector<1x10240x128xf32>
    %get3A_3 = vector.shape_cast %get3A_2 : vector<1x10240x128xf32> to vector<10240x128xf32>
    %get3A_4 = arith.constant 1 : index
    %get3A_5 = arith.constant 0 : index
    %get3A_6 = arith.constant 0 : index
    %get3A_7 = vector.load %arg0[%get3A_4, %get3A_5, %get3A_6] : memref<2x10240x128xf32, #tpu.memory_space<vmem>>, vector<1x10240x128xf32>
    %get3A_8 = vector.shape_cast %get3A_7 : vector<1x10240x128xf32> to vector<10240x128xf32>
    %add3A = arith.addf %get3A_3, %get3A_8 : vector<10240x128xf32>
    %get3A_9 = arith.constant 0 : index
    %get3A_10 = arith.constant 0 : index
    %get3A_11 = vector.load %arg1[%get3A_9, %get3A_10] : memref<10240x16xf32, #tpu.memory_space<vmem>>, vector<10240x1xf32>
    %max3A = arith.constant 1.000000e+00 : f32
    %max3A_12 = vector.broadcast %max3A : f32 to vector<10240x1xf32>
    %max3A_13 = arith.maximumf %get3A_11, %max3A_12 : vector<10240x1xf32>
    %rsqrt3A = math.rsqrt %max3A_13 : vector<10240x1xf32>
    %mul3A = vector.broadcast %rsqrt3A : vector<10240x1xf32> to vector<10240x128xf32>
    %mul3A_14 = arith.mulf %add3A, %mul3A : vector<10240x128xf32>
    %get3A_15 = arith.constant 0 : index
    %get3A_16 = arith.constant 0 : index
    %get3A_17 = vector.load %arg2[%get3A_15, %get3A_16] : memref<128x128xf32, #tpu.memory_space<vmem>>, vector<128x128xf32>
    %dot_general3A = arith.constant dense<0.000000e+00> : vector<10240x128xf32>
    %dot_general3A_18 = tpu.matmul %mul3A_14, %get3A_17, %dot_general3A {dimension_numbers = #tpu.dot_dimension_numbers<[1], [0], [0], [1], [0, 0, 1, 1], [], []>, transpose_lhs_hint = false} : vector<10240x128xf32>, vector<128x128xf32>, vector<10240x128xf32> -> vector<10240x128xf32>
    %get3A_19 = arith.constant 0 : index
    %get3A_20 = arith.constant 0 : index
    %get3A_21 = vector.load %arg3[%get3A_19, %get3A_20] : memref<1x128xf32, #tpu.memory_space<vmem>>, vector<1x128xf32>
    %add3A_22 = vector.broadcast %get3A_21 : vector<1x128xf32> to vector<10240x128xf32>
    %add3A_23 = arith.addf %dot_general3A_18, %add3A_22 : vector<10240x128xf32>
    %swap3A = arith.constant 0 : index
    %swap3A_24 = arith.constant 0 : index
    %swap3A_25 = vector.load %arg4[%swap3A, %swap3A_24] : memref<10240x128xf32, #tpu.memory_space<vmem>>, vector<10240x128xf32>
    tpu.vector_store %arg4[%swap3A, %swap3A_24], %add3A_23 {strides = array<i32>} : memref<10240x128xf32, #tpu.memory_space<vmem>>, vector<10240x128xf32>,
    return
  }
}

</mosaic_0001>

<sc_bundles>
// kernel: kernel.10.cloned.1.call-start
scs
__scs_entry_jumppad:
0x0: {  	(pc) =	sbr.rel $0x88, $3  }
0x1: {  	(tag) =	ssettag $0x0;
	lr =	simm.s32 $0x1  }
0x2: {  	[smem:$0x3F99] =	sst lr;
	_ =	strace $0xD0000000  }
0x3: {  	_ = 	snop  }
0x4: {  	_ = 	snop  }
0x5: {  	_ = 	snop  }
0x6: {  	_ = 	snop  }
0x7: {  	_ = 	snop  }
__scs_overlays_trampoline_lowered:
0x8: {  	[smem:$0x3FA8] =	sst s0  }
0x9: {  	[smem:$0x3FA9] =	sst s1  }
0xa: {  	[smem:$0x3FAA] =	sst s2  }
0xb: {  	[smem:$0x3FAB] =	sst s3  }
0xc: {  	[smem:$0x3FAC] =	sst s4  }
0xd: {  	[smem:$0x3FAD] =	sst s5  }
0xe: {  	[smem:$0x3FAE] =	sst s6  }
0xf: {  	[smem:$0x3FAF] =	sst s7  }
0x10: {  	[smem:$0x3FB0] =	sst s8  }
0x11: {  	[smem:$0x3FB1] =	sst s9;
	s0 =	simm.s32 @!p0 $0x0  }
0x12: {  	s1 =	sld [smem:$0x3F97];
	s0 =	simm.s32 @p0 $0x1  }
0x13: {  	[smem:$0x3FB2] =	sst s0;
	s0 =	simm.s32 @!p1 $0x0  }
0x14: {  	s2 =	sld [smem:$0x3F96];
	s0 =	simm.s32 @p1 $0x1  }
0x15: {  	[smem:$0x3FB3] =	sst s0;
	s0 =	simm.s32 @!p2 $0x0  }
0x16: {  	s3 =	sld [smem:$0x3FDB];
	s0 =	simm.s32 @p2 $0x1  }
0x17: {  	s4 =	simm.s32 $0x1BF5;
	[smem:$0x3FB5] =	sst s0  }
0x18: {  	s0 =	sld [smem:$0x3F98];
	_ =	swait.ge [sflag:s4], $0x0  }
0x19: {  	s7 =	sld [smem:$0x3F99]  }
0x1a: {  	s8 =	sadd.s32 $0xFFFFE003, lr  }
0x1b: {  	s9 =	sadd.s32 $0xFFFFFEF7, lr;
	s5 =	simm.s32 $0xFFFFFFFF;
	p2 =	slt.u32 s8, $0xFFFFF086  }
0x1c: {  	p1 =	slt.u32 s9, $0xF7A;
	s5 =	simm.s32 @!p2 $0x0  }
0x1d: {  	s5 =	simm.s32 @p1 $0x1;
	p0 =	seq.s32 s7, s2  }
0x1e: {  	s7 =	smul.u32 @!p0 $0xF7A, s2;
	p2 =	seq.s32 @!p0 s5, $0x0  }
0x1f: {  	s9 =	smul.u32 $0xF7A, s1;
	s8 =	simm.s32 @!p0 $0x1BF5;
	p2 =	por !p2, p0  }
0x20: {  	[sflag:s8] =	ssyncset.s32 @!p0 $0xFFFFF086;
	s6 =	sadd.s32 @!p0 s3, s7;
	s7 =	simm.s32 @!p0 $0x108  }
0x21: {  	s3 =	sadd.s32 s3, s9;
	s6 =	sadd.s32 @!p0 $0x88, s6;
	s7 =	simm.s32 @p2 $0x1082  }
0x22: {  	[simem:s7], [sflag:s8] =	dma.local @!p0 [hbm:s6], $0xF7A  }
0x23: {  	s9 =	sor.u32 $0xD0000000, s2;
	s6 =	simm.s32 $0x108;
	_ =	swait.ge @!p0 [sflag:s8], $0x0  }
0x24: {  	s3 =	sadd.s32 $0x88, s3;
	s6 =	simm.s32 @!p1 $0x1082;
	[sflag:s4] =	ssyncset.s32 $0xFFFFF086  }
0x25: {  	[simem:s6], [sflag:s4] =	dma.local [hbm:s3], $0xF7A  }
0x26: {  	[smem:$0x3F99] =	sst s1;
	(tag) =	ssettag s2;
	_ =	strace s9  }
0x27: {  	s1 =	sld [smem:$0x3FA9]  }
0x28: {  	s2 =	sld [smem:$0x3FAA]  }
0x29: {  	s4 =	sld [smem:$0x3FAC]  }
0x2a: {  	p0 =	seq.s32 s5, $0x0;
	s5 =	sld [smem:$0x3FAD]  }
0x2b: {  	s6 =	sld [smem:$0x3FAE]  }
0x2c: {  	s7 =	sld [smem:$0x3FAF]  }
0x2d: {  	s3 =	simm.s32 $0x108;
	s8 =	sld [smem:$0x3FB0]  }
0x2e: {  	s3 =	simm.s32 @!p0 $0x1082;
	s9 =	sld [smem:$0x3FB1]  }
0x2f: {  	lr =	sadd.s32 s0, s3;
	s0 =	sld [smem:$0x3FA8]  }
0x30: {  	s3 =	sld [smem:$0x3FAB]  }
0x31: {  	[smem:$0x3FB4] =	sst s10  }
0x32: {  	s10 =	sld [smem:$0x3FB2];
	_ =	sdelay $0x3  }
0x33: {  	p0 =	seq.s32 s10, $0x1;
	s10 =	sld [smem:$0x3FB4];
	_ =	sdelay $0x3  }
0x34: {  	[smem:$0x3FB4] =	sst s10  }
0x35: {  	s10 =	sld [smem:$0x3FB3];
	_ =	sdelay $0x3  }
0x36: {  	p1 =	seq.s32 s10, $0x1;
	s10 =	sld [smem:$0x3FB4];
	_ =	sdelay $0x3  }
0x37: {  	[smem:$0x3FB4] =	sst s10  }
0x38: {  	s10 =	sld [smem:$0x3FB5]  }
0x39: {  	_ = 	snop;
	(pc) =	sbr.ind lr, $3  }
0x3a: {  	_ = 	snop  }
0x3b: {  	_ = 	snop  }
0x3c: {  	p2 =	seq.s32 s10, $0x1;
	s10 =	sld [smem:$0x3FB4]  }
0x3d: {  	_ =	shalt  }
0x3e: {  	_ =	shalt  }
0x3f: {  	_ =	shalt  }
0x40: {  	_ =	shalt  }
0x41: {  	_ =	shalt  }
0x42: {  	_ =	shalt  }
0x43: {  	_ =	shalt  }
0x44: {  	_ =	shalt  }
0x45: {  	_ =	shalt  }
0x46: {  	_ =	shalt  }
0x47: {  	_ =	shalt  }
0x48: {  	_ =	shalt  }
0x49: {  	_ =	shalt  }
0x4a: {  	_ =	shalt  }
0x4b: {  	_ =	shalt  }
0x4c: {  	_ =	shalt  }
0x4d: {  	_ =	shalt  }
0x4e: {  	_ =	shalt  }
0x4f: {  	_ =	shalt  }
0x50: {  	_ =	shalt  }
0x51: {  	_ =	shalt  }
0x52: {  	_ =	shalt  }
0x53: {  	_ =	shalt  }
0x54: {  	_ =	shalt  }
0x55: {  	_ =	shalt  }
0x56: {  	_ =	shalt  }
0x57: {  	_ =	shalt  }
0x58: {  	_ =	shalt  }
0x59: {  	_ =	shalt  }
0x5a: {  	_ =	shalt  }
0x5b: {  	_ =	shalt  }
0x5c: {  	_ =	shalt  }
0x5d: {  	_ =	shalt  }
0x5e: {  	_ =	shalt  }
0x5f: {  	_ =	shalt  }
0x60: {  	_ =	shalt  }
0x61: {  	_ =	shalt  }
0x62: {  	_ =	shalt  }
0x63: {  	_ =	shalt  }
0x64: {  	_ =	shalt  }
0x65: {  	_ =	shalt  }
0x66: {  	_ =	shalt  }
0x67: {  	_ =	shalt  }
0x68: {  	_ =	shalt  }
0x69: {  	_ =	shalt  }
0x6a: {  	_ =	shalt  }
0x6b: {  	_ =	shalt  }
0x6c: {  	_ =	shalt  }
0x6d: {  	_ =	shalt  }
0x6e: {  	_ =	shalt  }
0x6f: {  	_ =	shalt  }
0x70: {  	_ =	shalt  }
0x71: {  	_ =	shalt  }
0x72: {  	_ =	shalt  }
0x73: {  	_ =	shalt  }
0x74: {  	_ =	shalt  }
0x75: {  	_ =	shalt  }
0x76: {  	_ =	shalt  }
0x77: {  	_ =	shalt  }
0x78: {  	_ =	shalt  }
0x79: {  	_ =	shalt  }
0x7a: {  	_ =	shalt  }
0x7b: {  	_ =	shalt  }
0x7c: {  	_ =	shalt  }
0x7d: {  	_ =	shalt  }
0x7e: {  	_ =	shalt  }
0x7f: {  	_ =	shalt  }
0x80: {  	_ =	shalt  }
0x81: {  	_ =	shalt  }
0x82: {  	_ =	shalt  }
0x83: {  	_ =	shalt  }
0x84: {  	_ =	shalt  }
0x85: {  	_ =	shalt  }
0x86: {  	_ =	shalt  }
0x87: {  	_ =	shalt  }
.Lfunc_end0:
.L_simem_size_0:
called_computation_lowered:
.L_overlay_start_0:
0x88: {  	s2 =	sld [smem:$0x3FD9]  }
0x89: {  	s3 =	sld [smem:$0x3FFE];
	_ =	sdelay $0x1  }
0x8a: {  	s1 =	srdreg.scid  }
0x8b: {  	s0 =	sand.u32 $0x1, s1  }
0x8c: {  	s17 =	sshll.u32 s0, $0xA;
	s2 =	sadd.s32 s3, s2  }
0x8d: {  	s2 =	sadd.s32 s2, s17  }
0x8e: {  	[smem:$0x3FC0] =	sst s2  }
0x8f: {  	_ = 	snop  }
0x90: {  	s2 =	sld [smem:$0x3FD0];
	(tm) =	ssettm $0x1  }
0x91: {  	s18 =	sld [smem:$0x3FFB];
	_ =	sdelay $0x3  }
0x92: {  	_ =	strace s18  }
0x93: {  	s3 =	sld [smem:$0x3FFC];
	_ =	sdelay $0x3  }
0x94: {  	_ =	strace s3  }
0x95: {  	s3 =	sld [smem:$0x3FFD];
	_ =	sdelay $0x3  }
0x96: {  	_ =	strace s3  }
0x97: {  	_ =	strace $0x8FFFFFFF  }
0x98: {  	s19 =	sld [smem:$0x3FDB];
	_ =	sdelay $0x1  }
0x99: {  	s4 =	simm.s32 $_scs_section_size  }
0x9a: {  	s5 =	simm.s32 $_size__tile_overlayer_lowered;
	s6 =	simm.s32 $_tile_overlayer_lowered  }
0x9b: {  	s22 =	simm.s32 $0x1BFF;
	s21 =	sshll.u32 s6, $0x1;
	s3 =	sadd.s32 s4, s19  }
0x9c: {  	s7 =	simm.s32 $0x0;
	s20 =	sshll.u32 s5, $0x1;
	s5 =	sadd.s32 s21, s3  }
0x9d: {  	[timem:s7], [sflag:s22] =	dma.local [hbm:s5], s20  }
0x9e: {  	_ =	swait.ge [sflag:s22], s20  }
0x9f: {  	s4 =	ssub.s32 $0x0, s20;
	[sflag:s22] =	ssyncset.done $0x0  }
0xa0: {  	[sflag:s22] =	ssyncadd.s32 s4;
	_ =	sdelay $0x1  }
0xa1: {  	s23 =	simm.s32 $0x1B8B  }
0xa2: {  	_ =	swait.ge [sflag:s23], $0x1  }
0xa3: {  	[sflag:s23] =	ssyncset.done $0x0  }
0xa4: {  	s25 =	simm.s32 $0x1B8E;
	s24 =	sld [smem:$0x3FFE];
	[sflag:s23] =	ssyncadd.s32 $0xFFFFFFFF  }
0xa5: {  	s26 =	simm.s32 $execute0_lowered;
	[smem:$0x3FD2] =	sst s25  }
0xa6: {  	s5 =	sshll.u32 s26, $0x1;
	_ =	strace $0x80000046;
	[dreg:$0x1] =	wrdreg $0xFFFFFFFF  }
0xa7: {  	s28 =	simm.s32 $_size_execute0_lowered;
	s3 =	sadd.s32 s3, s5;
	[dreg:$0x0] =	wrdreg $0x0  }
0xa8: {  	s5 =	sshll.u32 s28, $0x1;
	[dreg:$0x2] =	wrdreg s3  }
0xa9: {  	[dreg:$0x3] =	wrdreg s5  }
0xaa: {  	[dreg:$0x4] =	wrdreg $0xC0  }
0xab: {  	_ =	task [dreg:s7], $0x5FFFF  }
0xac: {  	[dreg:$0x1] =	wrdreg $0xFFFFFFFF  }
0xad: {  	[dreg:$0x0] =	wrdreg $0x60  }
0xae: {  	[dreg:$0x2] =	wrdreg s24  }
0xaf: {  	[dreg:$0x3] =	wrdreg s2  }
0xb0: {  	[dreg:$0x4] =	wrdreg $0x5AA00  }
0xb1: {  	[dreg:$0x5] =	wrdreg $0x9  }
0xb2: {  	_ =	task.clear_ibuf [dreg:s7], $0x6FFFF;
	_ =	strace $0x90000046  }
0xb3: {  	s29 =	simm.s32 $0x9;
	_ =	strace $0x80000048  }
0xb4: {  	_ =	swait.ge [sflag:s29], $0x1  }
0xb5: {  	[sflag:s29] =	ssyncadd.s32 $0xFFFFFFFF  }
0xb6: {  	_ =	strace $0x90000048  }
0xb7: {  	_ =	sfence  }
0xb8: {  	s30 =	sld [smem:$0x0];
	_ =	sdelay $0x2  }
0xb9: {  	s31 =	sshll.u32 s1, $0xD;
	s1 =	sshrl.u32 s1, $0x2  }
0xba: {  	s3 =	sand.u32 $0x4000, s31;
	s1 =	sadd.s32 s1, s30  }
0xbb: {  	s0 =	sor.u32 s3, s0;
	s1 =	sshll.u32 s1, $0x11  }
0xbc: {  	s0 =	sor.u32 s1, s0  }
0xbd: {  	s0 =	sadd.s32 $0x8F2B, s0  }
0xbe: {  	[sflag:s0] =	ssyncadd.remote.s32 $0x1  }
0xbf: {  	_ =	sfence.sel $0xFFFF  }
0xc0: {  	[dreg:$0x0] =	wrdreg $0xFFFFFFFF;
	(pc) =	sbr.abs _section_cstart, $3  }
0xc1: {  	[dreg:$0x1] =	wrdreg $0xFFFFFFFF  }
0xc2: {  	_ =	task.clear_ibuf [dreg:s7], $0x2FFFF;
	_ =	strace $0x9FFFFFFF  }
0xc3: {  	(tm) =	ssettm $0x7FFFFFFF  }
tec
execute0_lowered:
.L_overlay_start_1:
0x0: {  	(tag) =	ssettag $0x1  }
0x1: {  	s5 =	rddreg [dreg:$0x0]  }
0x2: {  	s7 =	rddreg [dreg:$0x1]  }
0x3: {  	s2 =	rddreg [dreg:$0x2]  }
0x4: {  	s0 =	rddreg [dreg:$0x3]  }
0x5: {  	s3 =	simm.s32 $0x0;
	s1 =	stileid.u32;
	s4 =	srdreg.scid  }
0x6: {  	[smem:$0x7FF] =	sst s3;
	s6 =	smul.u32 $0x2800, s1  }
0x7: {  	s8 =	sadd.s32 $0x2A00, s5;
	s9 =	sand.u32 $0x1, s4;
	s4 =	sadd.s32 $0x11800, s5  }
0x8: {  	s13 =	sadd.s32 $0x11A00, s5;
	s15 =	sadd.s32 $0x16A00, s5;
	s29 =	smul.u32 $0x9C4, s1  }
0x9: {  	s31 =	sshll.u32 s1, $0x6;
	_ =	strace $0x80000047;
	s11 =	ssub.s32 $0x2, s9  }
0xa: {  	p0 =	seq.s32 s9, $0x0;
	s9 =	simm.s32 $0x1;
	s10 =	sshrl.u32 s6, $0x3  }
0xb: {  	s14 =	sshrl.u32 s11, $0x1;
	s30 =	sadd.s32 s6, s2;
	s7 =	smov.u32 @p0 s8  }
0xc: {  	s15 =	smov.u32 @p0 s13;
	s13 =	simm.s32 $0xC8;
	s12 =	sadd.s32 s10, s5  }
0xd: {  	s11 =	ssub.s32 s11, s14;
	s7 =	sadd.s32 s7, s29;
	s8 =	sadd.s32 s15, s10  }
0xe: {  	s10 =	simm.s32 $0x4E20;
	s14 =	simm.s32 $0x0;
	s5 =	sadd.s32 $0xC800, s12  }
0xf: {  	s6 =	smax.u32 s11, $0x1;
	s11 =	sor.u32 $0x1C01, s31;
	s12 =	sshrl.u32 s30, $0x3  }
.LBB2_1:
0x10: {  	[tilespmem:s3], [sflag:$0x1] =	stream.linear.gather [hbm4b:s7+s3], $0x4E20, $0x38;
	[tilespmem:$0x82A0] =	vst v63  }
0x11: {  	_ =	swait.ge [sflag:s9], $0x4E20  }
0x12: {  	[sflag:s9] =	ssyncset.done $0x0  }
0x13: {  	[sflag:s9] =	ssyncadd.s32 $0xFFFFB1E0  }
0x14: {  	[tilespmem:s10], [sflag:$0x1] =	stream.linear.gather [hbm4b:s4+s3], $0xC80, $0x38;
	[tilespmem:$0x82A0] =	vst v63  }
0x15: {  	_ =	swait.ge [sflag:s9], $0xC80  }
0x16: {  	[sflag:s9] =	ssyncset.done $0x0  }
0x17: {  	[sflag:s9] =	ssyncadd.s32 $0xFFFFF380  }
0x18: {  	[spmem:s12], [sflag:s11] =	dma.local [hbm:s5], $0x500  }
0x19: {  	_ =	swait.ge [sflag:s9], $0x500  }
0x1a: {  	[sflag:s9] =	ssyncset.done $0x0  }
0x1b: {  	[sflag:s9] =	ssyncadd.s32 $0xFFFFFB00  }
0x1c: {  	s15 =	simm.s32 $0x0;
	[bflag:$0x0] =	sbarrier.arrive $0xFFFF  }
0x1d: {  	[spmem:s2] =	stream.indirect.scatter.add.f32 [tilespmem:s10], [sflag:$0x1], $0x10, s15, s13, $0xb8;
	[tilespmem:$0x82A0] =	vst v63  }
0x1e: {  	_ =	swait.ge [sflag:s9], $0xC80  }
0x1f: {  	s15 =	simm.s32 $0x320;
	[sflag:s9] =	ssyncset.done $0x0  }
.LBB2_2:
0x20: {  	s16 =	sshra.s32 s15, $0x2;
	[sflag:s9] =	ssyncadd.s32 $0xFFFFF380;
	p0 =	sne.s32 s15, $0x13560  }
0x21: {  	[spmem:s2] =	stream.indirect.scatter.add.f32 [tilespmem:s10], [sflag:$0x1], $0x10, s16, s13, $0xb8;
	[tilespmem:$0x82A0] =	vst v63  }
.Ltmp0:
0x22: {  	_ = 	snop;
	(pc) =	sbr.rel @p0 .LBB2_2-.Ltmp0, $4  }
0x23: {  	_ = 	snop  }
0x24: {  	s15 =	sadd.s32 $0x320, s15  }
0x25: {  	_ =	swait.ge [sflag:s9], $0xC80  }
0x26: {  	[sflag:s9] =	ssyncset.done $0x0  }
0x27: {  	s14 =	sadd.s32 $0x1, s14  }
0x28: {  	[sflag:s9] =	ssyncadd.s32 $0xFFFFF380;
	p0 =	sne.s32 s14, s6  }
.Ltmp1:
0x29: {  	[bflag:$0x0] =	sbarrier.arrive $0xFFFF;
	(pc) =	sbr.rel @p0 .LBB2_1-.Ltmp1, $4  }
0x2a: {  	[hbm:s8], [sflag:s11] =	dma.local [spmem:s12], $0x500  }
0x2b: {  	_ =	swait.ge [sflag:s9], $0x500  }
0x2c: {  	[sflag:s9] =	ssyncset.done $0x0  }
0x2d: {  	[sflag:s9] =	ssyncadd.s32 $0xFFFFFB00  }
0x2e: {  	_ =	sfence.sel $0x180000  }
0x2f: {  	[bflag:$0x0] =	sbarrier.arrive $0xFFFF  }
0x30: {  	p0 =	sne.s32 s1, $0x0;
	_ =	strace $0x90000047  }
0x31: {  	s0 =	sadd.s32 @!p0 $0x100000, s0;
	[bflag:$0x2] =	sbarrier.arrive $0xFFFF  }
0x32: {  	[sflag:s0] =	ssyncadd.tile.s32 @!p0 $0x1;
	_ =	shalt  }
.Lfunc_end2:
_tile_overlayer_lowered:
.L_overlay_start_2:
0x33: {  	(tag) =	ssettag $0x2  }
0x34: {  	s0 =	rddreg [dreg:$0x0];
	s2 =	stileid.u32  }
0x35: {  	s1 =	rddreg [dreg:$0x1];
	p0 =	sne.s32 s2, $0x0  }
0x36: {  	s3 =	rddreg [dreg:$0x2];
	[bflag:$0x3] =	sbarrier.arrive $0xFFFF;
	s2 =	simm.s32 @!p0 $0x1C01  }
0x37: {  	[timem:s3], [sflag:s2] =	dma.local @!p0 [hbm:s0], s1  }
0x38: {  	s0 =	simm.s32 @!p0 $0x1  }
0x39: {  	_ =	swait.ge @!p0 [sflag:s0], s1  }
0x3a: {  	s1 =	ssub.s32 @!p0 $0x0, s1;
	[sflag:s0] =	ssyncset.done @!p0 $0x0  }
0x3b: {  	[sflag:s0] =	ssyncadd.s32 @!p0 s1  }
0x3c: {  	[bflag:$0x3] =	sbarrier.arrive $0xFFFF  }
0x3d: {  	_ =	shalt  }

// kernel: kernel.13.cloned.1.call-start
scs
__scs_entry_jumppad:
0x0: {  	(pc) =	sbr.rel $0x88, $3  }
0x1: {  	(tag) =	ssettag $0x0;
	lr =	simm.s32 $0x1  }
0x2: {  	[smem:$0x3F99] =	sst lr;
	_ =	strace $0xD0000000  }
0x3: {  	_ = 	snop  }
0x4: {  	_ = 	snop  }
0x5: {  	_ = 	snop  }
0x6: {  	_ = 	snop  }
0x7: {  	_ = 	snop  }
__scs_overlays_trampoline_lowered:
0x8: {  	[smem:$0x3FA8] =	sst s0  }
0x9: {  	[smem:$0x3FA9] =	sst s1  }
0xa: {  	[smem:$0x3FAA] =	sst s2  }
0xb: {  	[smem:$0x3FAB] =	sst s3  }
0xc: {  	[smem:$0x3FAC] =	sst s4  }
0xd: {  	[smem:$0x3FAD] =	sst s5  }
0xe: {  	[smem:$0x3FAE] =	sst s6  }
0xf: {  	[smem:$0x3FAF] =	sst s7  }
0x10: {  	[smem:$0x3FB0] =	sst s8  }
0x11: {  	[smem:$0x3FB1] =	sst s9;
	s0 =	simm.s32 @!p0 $0x0  }
0x12: {  	s1 =	sld [smem:$0x3F97];
	s0 =	simm.s32 @p0 $0x1  }
0x13: {  	[smem:$0x3FB2] =	sst s0;
	s0 =	simm.s32 @!p1 $0x0  }
0x14: {  	s2 =	sld [smem:$0x3F96];
	s0 =	simm.s32 @p1 $0x1  }
0x15: {  	[smem:$0x3FB3] =	sst s0;
	s0 =	simm.s32 @!p2 $0x0  }
0x16: {  	s3 =	sld [smem:$0x3FDB];
	s0 =	simm.s32 @p2 $0x1  }
0x17: {  	s4 =	simm.s32 $0x1BF5;
	[smem:$0x3FB5] =	sst s0  }
0x18: {  	s0 =	sld [smem:$0x3F98];
	_ =	swait.ge [sflag:s4], $0x0  }
0x19: {  	s7 =	sld [smem:$0x3F99]  }
0x1a: {  	s8 =	sadd.s32 $0xFFFFE003, lr  }
0x1b: {  	s9 =	sadd.s32 $0xFFFFFEF7, lr;
	s5 =	simm.s32 $0xFFFFFFFF;
	p2 =	slt.u32 s8, $0xFFFFF086  }
0x1c: {  	p1 =	slt.u32 s9, $0xF7A;
	s5 =	simm.s32 @!p2 $0x0  }
0x1d: {  	s5 =	simm.s32 @p1 $0x1;
	p0 =	seq.s32 s7, s2  }
0x1e: {  	s7 =	smul.u32 @!p0 $0xF7A, s2;
	p2 =	seq.s32 @!p0 s5, $0x0  }
0x1f: {  	s9 =	smul.u32 $0xF7A, s1;
	s8 =	simm.s32 @!p0 $0x1BF5;
	p2 =	por !p2, p0  }
0x20: {  	[sflag:s8] =	ssyncset.s32 @!p0 $0xFFFFF086;
	s6 =	sadd.s32 @!p0 s3, s7;
	s7 =	simm.s32 @!p0 $0x108  }
0x21: {  	s3 =	sadd.s32 s3, s9;
	s6 =	sadd.s32 @!p0 $0x88, s6;
	s7 =	simm.s32 @p2 $0x1082  }
0x22: {  	[simem:s7], [sflag:s8] =	dma.local @!p0 [hbm:s6], $0xF7A  }
0x23: {  	s9 =	sor.u32 $0xD0000000, s2;
	s6 =	simm.s32 $0x108;
	_ =	swait.ge @!p0 [sflag:s8], $0x0  }
0x24: {  	s3 =	sadd.s32 $0x88, s3;
	s6 =	simm.s32 @!p1 $0x1082;
	[sflag:s4] =	ssyncset.s32 $0xFFFFF086  }
0x25: {  	[simem:s6], [sflag:s4] =	dma.local [hbm:s3], $0xF7A  }
0x26: {  	[smem:$0x3F99] =	sst s1;
	(tag) =	ssettag s2;
	_ =	strace s9  }
0x27: {  	s1 =	sld [smem:$0x3FA9]  }
0x28: {  	s2 =	sld [smem:$0x3FAA]  }
0x29: {  	s4 =	sld [smem:$0x3FAC]  }
0x2a: {  	p0 =	seq.s32 s5, $0x0;
	s5 =	sld [smem:$0x3FAD]  }
0x2b: {  	s6 =	sld [smem:$0x3FAE]  }
0x2c: {  	s7 =	sld [smem:$0x3FAF]  }
0x2d: {  	s3 =	simm.s32 $0x108;
	s8 =	sld [smem:$0x3FB0]  }
0x2e: {  	s3 =	simm.s32 @!p0 $0x1082;
	s9 =	sld [smem:$0x3FB1]  }
0x2f: {  	lr =	sadd.s32 s0, s3;
	s0 =	sld [smem:$0x3FA8]  }
0x30: {  	s3 =	sld [smem:$0x3FAB]  }
0x31: {  	[smem:$0x3FB4] =	sst s10  }
0x32: {  	s10 =	sld [smem:$0x3FB2];
	_ =	sdelay $0x3  }
0x33: {  	p0 =	seq.s32 s10, $0x1;
	s10 =	sld [smem:$0x3FB4];
	_ =	sdelay $0x3  }
0x34: {  	[smem:$0x3FB4] =	sst s10  }
0x35: {  	s10 =	sld [smem:$0x3FB3];
	_ =	sdelay $0x3  }
0x36: {  	p1 =	seq.s32 s10, $0x1;
	s10 =	sld [smem:$0x3FB4];
	_ =	sdelay $0x3  }
0x37: {  	[smem:$0x3FB4] =	sst s10  }
0x38: {  	s10 =	sld [smem:$0x3FB5]  }
0x39: {  	_ = 	snop;
	(pc) =	sbr.ind lr, $3  }
0x3a: {  	_ = 	snop  }
0x3b: {  	_ = 	snop  }
0x3c: {  	p2 =	seq.s32 s10, $0x1;
	s10 =	sld [smem:$0x3FB4]  }
0x3d: {  	_ =	shalt  }
0x3e: {  	_ =	shalt  }
0x3f: {  	_ =	shalt  }
0x40: {  	_ =	shalt  }
0x41: {  	_ =	shalt  }
0x42: {  	_ =	shalt  }
0x43: {  	_ =	shalt  }
0x44: {  	_ =	shalt  }
0x45: {  	_ =	shalt  }
0x46: {  	_ =	shalt  }
0x47: {  	_ =	shalt  }
0x48: {  	_ =	shalt  }
0x49: {  	_ =	shalt  }
0x4a: {  	_ =	shalt  }
0x4b: {  	_ =	shalt  }
0x4c: {  	_ =	shalt  }
0x4d: {  	_ =	shalt  }
0x4e: {  	_ =	shalt  }
0x4f: {  	_ =	shalt  }
0x50: {  	_ =	shalt  }
0x51: {  	_ =	shalt  }
0x52: {  	_ =	shalt  }
0x53: {  	_ =	shalt  }
0x54: {  	_ =	shalt  }
0x55: {  	_ =	shalt  }
0x56: {  	_ =	shalt  }
0x57: {  	_ =	shalt  }
0x58: {  	_ =	shalt  }
0x59: {  	_ =	shalt  }
0x5a: {  	_ =	shalt  }
0x5b: {  	_ =	shalt  }
0x5c: {  	_ =	shalt  }
0x5d: {  	_ =	shalt  }
0x5e: {  	_ =	shalt  }
0x5f: {  	_ =	shalt  }
0x60: {  	_ =	shalt  }
0x61: {  	_ =	shalt  }
0x62: {  	_ =	shalt  }
0x63: {  	_ =	shalt  }
0x64: {  	_ =	shalt  }
0x65: {  	_ =	shalt  }
0x66: {  	_ =	shalt  }
0x67: {  	_ =	shalt  }
0x68: {  	_ =	shalt  }
0x69: {  	_ =	shalt  }
0x6a: {  	_ =	shalt  }
0x6b: {  	_ =	shalt  }
0x6c: {  	_ =	shalt  }
0x6d: {  	_ =	shalt  }
0x6e: {  	_ =	shalt  }
0x6f: {  	_ =	shalt  }
0x70: {  	_ =	shalt  }
0x71: {  	_ =	shalt  }
0x72: {  	_ =	shalt  }
0x73: {  	_ =	shalt  }
0x74: {  	_ =	shalt  }
0x75: {  	_ =	shalt  }
0x76: {  	_ =	shalt  }
0x77: {  	_ =	shalt  }
0x78: {  	_ =	shalt  }
0x79: {  	_ =	shalt  }
0x7a: {  	_ =	shalt  }
0x7b: {  	_ =	shalt  }
0x7c: {  	_ =	shalt  }
0x7d: {  	_ =	shalt  }
0x7e: {  	_ =	shalt  }
0x7f: {  	_ =	shalt  }
0x80: {  	_ =	shalt  }
0x81: {  	_ =	shalt  }
0x82: {  	_ =	shalt  }
0x83: {  	_ =	shalt  }
0x84: {  	_ =	shalt  }
0x85: {  	_ =	shalt  }
0x86: {  	_ =	shalt  }
0x87: {  	_ =	shalt  }
.Lfunc_end0:
.L_simem_size_0:
called_computation.1_lowered:
.L_overlay_start_0:
0x88: {  	s2 =	sld [smem:$0x3FD9]  }
0x89: {  	s3 =	sld [smem:$0x3FFE];
	_ =	sdelay $0x1  }
0x8a: {  	s1 =	srdreg.scid  }
0x8b: {  	s0 =	sand.u32 $0x1, s1  }
0x8c: {  	s17 =	sshll.u32 s0, $0xA;
	s2 =	sadd.s32 s3, s2  }
0x8d: {  	s2 =	sadd.s32 s2, s17  }
0x8e: {  	[smem:$0x3FC0] =	sst s2  }
0x8f: {  	_ = 	snop  }
0x90: {  	s2 =	sld [smem:$0x3FD0];
	(tm) =	ssettm $0x1  }
0x91: {  	s18 =	sld [smem:$0x3FFB];
	_ =	sdelay $0x3  }
0x92: {  	_ =	strace s18  }
0x93: {  	s3 =	sld [smem:$0x3FFC];
	_ =	sdelay $0x3  }
0x94: {  	_ =	strace s3  }
0x95: {  	s3 =	sld [smem:$0x3FFD];
	_ =	sdelay $0x3  }
0x96: {  	_ =	strace s3  }
0x97: {  	_ =	strace $0x8FFFFFFF  }
0x98: {  	s19 =	sld [smem:$0x3FDB];
	_ =	sdelay $0x1  }
0x99: {  	s4 =	simm.s32 $_scs_section_size  }
0x9a: {  	s5 =	simm.s32 $_size__tile_overlayer_lowered;
	s6 =	simm.s32 $_tile_overlayer_lowered  }
0x9b: {  	s22 =	simm.s32 $0x1BFF;
	s21 =	sshll.u32 s6, $0x1;
	s3 =	sadd.s32 s4, s19  }
0x9c: {  	s7 =	simm.s32 $0x0;
	s20 =	sshll.u32 s5, $0x1;
	s5 =	sadd.s32 s21, s3  }
0x9d: {  	[timem:s7], [sflag:s22] =	dma.local [hbm:s5], s20  }
0x9e: {  	_ =	swait.ge [sflag:s22], s20  }
0x9f: {  	s4 =	ssub.s32 $0x0, s20;
	[sflag:s22] =	ssyncset.done $0x0  }
0xa0: {  	[sflag:s22] =	ssyncadd.s32 s4;
	_ =	sdelay $0x1  }
0xa1: {  	s23 =	simm.s32 $0x1B8B  }
0xa2: {  	_ =	swait.ge [sflag:s23], $0x1  }
0xa3: {  	[sflag:s23] =	ssyncset.done $0x0  }
0xa4: {  	s25 =	simm.s32 $0x1B8E;
	s24 =	sld [smem:$0x3FFE];
	[sflag:s23] =	ssyncadd.s32 $0xFFFFFFFF  }
0xa5: {  	s26 =	simm.s32 $execute0_lowered;
	[smem:$0x3FD2] =	sst s25  }
0xa6: {  	s5 =	sshll.u32 s26, $0x1;
	_ =	strace $0x80000049;
	[dreg:$0x1] =	wrdreg $0xFFFFFFFF  }
0xa7: {  	s28 =	simm.s32 $_size_execute0_lowered;
	s3 =	sadd.s32 s3, s5;
	[dreg:$0x0] =	wrdreg $0x0  }
0xa8: {  	s5 =	sshll.u32 s28, $0x1;
	[dreg:$0x2] =	wrdreg s3  }
0xa9: {  	[dreg:$0x3] =	wrdreg s5  }
0xaa: {  	[dreg:$0x4] =	wrdreg $0xC0  }
0xab: {  	_ =	task [dreg:s7], $0x5FFFF  }
0xac: {  	[dreg:$0x1] =	wrdreg $0xFFFFFFFF  }
0xad: {  	[dreg:$0x0] =	wrdreg $0x60  }
0xae: {  	[dreg:$0x2] =	wrdreg s24  }
0xaf: {  	[dreg:$0x3] =	wrdreg s2  }
0xb0: {  	[dreg:$0x4] =	wrdreg $0xB2200  }
0xb1: {  	[dreg:$0x5] =	wrdreg $0x9  }
0xb2: {  	_ =	task.clear_ibuf [dreg:s7], $0x6FFFF;
	_ =	strace $0x90000049  }
0xb3: {  	s29 =	simm.s32 $0x9;
	_ =	strace $0x8000004B  }
0xb4: {  	_ =	swait.ge [sflag:s29], $0x1  }
0xb5: {  	[sflag:s29] =	ssyncadd.s32 $0xFFFFFFFF  }
0xb6: {  	_ =	strace $0x9000004B  }
0xb7: {  	_ =	sfence  }
0xb8: {  	s30 =	sld [smem:$0x0];
	_ =	sdelay $0x2  }
0xb9: {  	s31 =	sshll.u32 s1, $0xD;
	s1 =	sshrl.u32 s1, $0x2  }
0xba: {  	s3 =	sand.u32 $0x4000, s31;
	s1 =	sadd.s32 s1, s30  }
0xbb: {  	s0 =	sor.u32 s3, s0;
	s1 =	sshll.u32 s1, $0x11  }
0xbc: {  	s0 =	sor.u32 s1, s0  }
0xbd: {  	s0 =	sadd.s32 $0x8F2B, s0  }
0xbe: {  	[sflag:s0] =	ssyncadd.remote.s32 $0x1  }
0xbf: {  	_ =	sfence.sel $0xFFFF  }
0xc0: {  	[dreg:$0x0] =	wrdreg $0xFFFFFFFF;
	(pc) =	sbr.abs _section_cstart, $3  }
0xc1: {  	[dreg:$0x1] =	wrdreg $0xFFFFFFFF  }
0xc2: {  	_ =	task.clear_ibuf [dreg:s7], $0x2FFFF;
	_ =	strace $0x9FFFFFFF  }
0xc3: {  	(tm) =	ssettm $0x7FFFFFFF  }
tec
execute0_lowered:
.L_overlay_start_1:
0x0: {  	(tag) =	ssettag $0x1  }
0x1: {  	s0 =	rddreg [dreg:$0x0]  }
0x2: {  	s2 =	rddreg [dreg:$0x1]  }
0x3: {  	s1 =	rddreg [dreg:$0x2]  }
0x4: {  	s3 =	srdreg.scid;
	s14 =	stileid.u32;
	s15 =	simm.s32 $0x6220  }
0x5: {  	s17 =	simm.s32 $0x7620;
	s19 =	simm.s32 $0x8A20;
	s21 =	simm.s32 $0x9E20  }
0x6: {  	s22 =	simm.s32 $0x1;
	s28 =	simm.s32 $0x5;
	s29 =	simm.s32 $0x4D58  }
0x7: {  	s30 =	simm.s32 $0x4D80;
	s31 =	simm.s32 $0x4DA8;
	s7 =	smul.u32 $0x14000, s14  }
0x8: {  	s5 =	sand.u32 $0x1, s3;
	s3 =	simm.s32 $0x0;
	s9 =	smul.u32 $0x4E2, s14  }
0x9: {  	s4 =	sadd.s32 $0x1BA00, s0;
	s26 =	sshll.u32 s14, $0x6;
	s6 =	smul.u32 $0x4E20, s5  }
0xa: {  	s14 =	simm.s32 $0x4E20;
	[smem:$0x7FF] =	sst s3;
	s8 =	smul.u32 $0x28000, s5  }
0xb: {  	s5 =	ssub.s32 $0x2, s5;
	_ =	strace $0x8000004A;
	s10 =	sshrl.u32 s7, $0x3  }
0xc: {  	s13 =	sshrl.u32 s5, $0x1;
	s25 =	sadd.s32 s7, s1;
	s11 =	sadd.s32 s6, s0  }
0xd: {  	s12 =	sadd.s32 s10, s0;
	s0 =	sadd.s32 s8, s0;
	s23 =	ssub.s32 s5, s13  }
0xe: {  	s2 =	sadd.s32 s2, s6;
	s8 =	simm.s32 $0x6;
	s13 =	simm.s32 $0x28  }
0xf: {  	s24 =	sadd.s32 s9, s11;
	s6 =	sadd.s32 $0x43A00, s12;
	s0 =	sadd.s32 $0x6BA00, s0  }
0x10: {  	s7 =	smax.u32 s23, $0x1;
	s9 =	sadd.s32 s9, s2;
	s11 =	sor.u32 $0x1C06, s26  }
0x11: {  	s12 =	sshrl.u32 s25, $0x3;
	s23 =	simm.s32 $0x2;
	s25 =	simm.s32 $0x3  }
0x12: {  	s26 =	simm.s32 $0x4;
	s2 =	simm.s32 $0x4DF8;
	s5 =	sadd.s32 $0x2A00, s24  }
0x13: {  	s24 =	sadd.s32 s10, s0;
	s0 =	simm.s32 $0x4DD0;
	s10 =	simm.s32 $0x0  }
.LBB2_1:
0x14: {  	[tilespmem:s3], [sflag:$0x6] =	stream.linear.gather [hbm4b:s5+s3], $0x2710, $0x38;
	[tilespmem:$0x1F220] =	vst v63  }
0x15: {  	_ =	swait.ge [sflag:s8], $0x2710  }
0x16: {  	[sflag:s8] =	ssyncset.done $0x0  }
0x17: {  	s16 =	simm.s32 $0x2710;
	[sflag:s8] =	ssyncadd.s32 $0xFFFFD8F0  }
0x18: {  	[tilespmem:s16], [sflag:$0x6] =	stream.linear.gather [hbm4b:s9+s3], $0x2710, $0x38;
	[tilespmem:$0x1F220] =	vst v63  }
0x19: {  	_ =	swait.ge [sflag:s8], $0x2710  }
0x1a: {  	[sflag:s8] =	ssyncset.done $0x0  }
0x1b: {  	[sflag:s8] =	ssyncadd.s32 $0xFFFFD8F0  }
0x1c: {  	[spmem:s12], [sflag:s11] =	dma.local [hbm:s6], $0x2800  }
0x1d: {  	_ =	swait.ge [sflag:s8], $0x2800  }
0x1e: {  	[sflag:s8] =	ssyncset.done $0x0  }
0x1f: {  	[sflag:s8] =	ssyncadd.s32 $0xFFFFD800  }
0x20: {  	[bflag:$0x0] =	sbarrier.arrive $0xFFFF  }
0x21: {  	[tilespmem:s14], [sflag:$0x1] =	stream.indirect.gather [hbm4b:s4+s13], $0x80, s3, s13, $0xb8;
	[tilespmem:$0x1F220] =	vst v63  }
0x22: {  	_ = 	snop  }
0x23: {  	[tilespmem:s15], [sflag:$0x2] =	stream.indirect.gather [hbm4b:s4+s13], $0x80, s13, s13, $0xb8;
	[tilespmem:$0x1F220] =	vst v63  }
0x24: {  	s18 =	simm.s32 $0x50  }
0x25: {  	[tilespmem:s17], [sflag:$0x3] =	stream.indirect.gather [hbm4b:s4+s13], $0x80, s18, s13, $0xb8;
	[tilespmem:$0x1F220] =	vst v63  }
0x26: {  	s20 =	simm.s32 $0x78  }
0x27: {  	[tilespmem:s19], [sflag:$0x4] =	stream.indirect.gather [hbm4b:s4+s13], $0x80, s20, s13, $0xb8;
	[tilespmem:$0x1F220] =	vst v63  }
0x28: {  	s18 =	simm.s32 $0xA0  }
0x29: {  	[tilespmem:s21], [sflag:$0x5] =	stream.indirect.gather [hbm4b:s4+s13], $0x80, s18, s13, $0xb8;
	[tilespmem:$0x1F220] =	vst v63  }
0x2a: {  	_ =	swait.ge [sflag:s22], $0x1400  }
0x2b: {  	[sflag:s22] =	ssyncset.done $0x0  }
0x2c: {  	s20 =	simm.s32 $0x2710;
	[sflag:s22] =	ssyncadd.s32 $0xFFFFEC00  }
0x2d: {  	[spmem:s1] =	stream.indirect.scatter.add.f32 [tilespmem:s14], [sflag:$0x6], $0x80, s20, s13, $0xb8;
	[tilespmem:$0x1F220] =	vst v63  }
0x2e: {  	_ =	swait.ge [sflag:s8], $0x1400  }
0x2f: {  	[sflag:s8] =	ssyncset.done $0x0  }
0x30: {  	s18 =	simm.s32 $0xC8;
	[sflag:s8] =	ssyncadd.s32 $0xFFFFEC00  }
0x31: {  	[tilespmem:s14], [sflag:$0x1] =	stream.indirect.gather [hbm4b:s4+s13], $0x80, s18, s13, $0xb8;
	[tilespmem:$0x1F220] =	vst v63  }
0x32: {  	_ =	swait.ge [sflag:s23], $0x1400  }
0x33: {  	[sflag:s23] =	ssyncset.done $0x0  }
0x34: {  	s20 =	simm.s32 $0x2738;
	[sflag:s23] =	ssyncadd.s32 $0xFFFFEC00  }
0x35: {  	[spmem:s1] =	stream.indirect.scatter.add.f32 [tilespmem:s15], [sflag:$0x6], $0x80, s20, s13, $0xb8;
	[tilespmem:$0x1F220] =	vst v63  }
0x36: {  	_ =	swait.ge [sflag:s8], $0x1400  }
0x37: {  	[sflag:s8] =	ssyncset.done $0x0  }
0x38: {  	s18 =	simm.s32 $0xF0;
	[sflag:s8] =	ssyncadd.s32 $0xFFFFEC00  }
0x39: {  	[tilespmem:s15], [sflag:$0x2] =	stream.indirect.gather [hbm4b:s4+s13], $0x80, s18, s13, $0xb8;
	[tilespmem:$0x1F220] =	vst v63  }
0x3a: {  	_ =	swait.ge [sflag:s25], $0x1400  }
0x3b: {  	[sflag:s25] =	ssyncset.done $0x0  }
0x3c: {  	s20 =	simm.s32 $0x2760;
	[sflag:s25] =	ssyncadd.s32 $0xFFFFEC00  }
0x3d: {  	[spmem:s1] =	stream.indirect.scatter.add.f32 [tilespmem:s17], [sflag:$0x6], $0x80, s20, s13, $0xb8;
	[tilespmem:$0x1F220] =	vst v63  }
0x3e: {  	_ =	swait.ge [sflag:s8], $0x1400  }
0x3f: {  	[sflag:s8] =	ssyncset.done $0x0  }
0x40: {  	s18 =	simm.s32 $0x118;
	[sflag:s8] =	ssyncadd.s32 $0xFFFFEC00  }
0x41: {  	[tilespmem:s17], [sflag:$0x3] =	stream.indirect.gather [hbm4b:s4+s13], $0x80, s18, s13, $0xb8;
	[tilespmem:$0x1F220] =	vst v63  }
0x42: {  	_ =	swait.ge [sflag:s26], $0x1400  }
0x43: {  	[sflag:s26] =	ssyncset.done $0x0  }
0x44: {  	s20 =	simm.s32 $0x2788;
	[sflag:s26] =	ssyncadd.s32 $0xFFFFEC00  }
0x45: {  	[spmem:s1] =	stream.indirect.scatter.add.f32 [tilespmem:s19], [sflag:$0x6], $0x80, s20, s13, $0xb8;
	[tilespmem:$0x1F220] =	vst v63  }
0x46: {  	_ =	swait.ge [sflag:s8], $0x1400  }
0x47: {  	[sflag:s8] =	ssyncset.done $0x0  }
0x48: {  	s18 =	simm.s32 $0x140;
	[sflag:s8] =	ssyncadd.s32 $0xFFFFEC00  }
0x49: {  	[tilespmem:s19], [sflag:$0x4] =	stream.indirect.gather [hbm4b:s4+s13], $0x80, s18, s13, $0xb8;
	[tilespmem:$0x1F220] =	vst v63  }
0x4a: {  	_ =	swait.ge [sflag:s28], $0x1400  }
0x4b: {  	[sflag:s28] =	ssyncset.done $0x0  }
0x4c: {  	s20 =	simm.s32 $0x27B0;
	[sflag:s28] =	ssyncadd.s32 $0xFFFFEC00  }
0x4d: {  	[spmem:s1] =	stream.indirect.scatter.add.f32 [tilespmem:s21], [sflag:$0x6], $0x80, s20, s13, $0xb8;
	[tilespmem:$0x1F220] =	vst v63  }
0x4e: {  	_ =	swait.ge [sflag:s8], $0x1400  }
0x4f: {  	[sflag:s8] =	ssyncset.done $0x0  }
0x50: {  	s16 =	simm.s32 $0x320;
	s18 =	simm.s32 $0x168;
	[sflag:s8] =	ssyncadd.s32 $0xFFFFEC00  }
.LBB2_2:
0x51: {  	[tilespmem:s21], [sflag:$0x5] =	stream.indirect.gather [hbm4b:s4+s13], $0x80, s18, s13, $0xb8;
	[tilespmem:$0x1F220] =	vst v63  }
0x52: {  	s18 =	smov.u32 s16  }
0x53: {  	p0 =	sne.s32 s16, $0x9600;
	s16 =	sadd.s32 $0x320, s16;
	_ =	swait.ge [sflag:s22], $0x1400  }
0x54: {  	s18 =	sshra.s32 s18, $0x2;
	[sflag:s22] =	ssyncset.done $0x0  }
0x55: {  	s20 =	sadd.s32 $0x2710, s18;
	[sflag:s22] =	ssyncadd.s32 $0xFFFFEC00  }
0x56: {  	[spmem:s1] =	stream.indirect.scatter.add.f32 [tilespmem:s14], [sflag:$0x6], $0x80, s20, s13, $0xb8;
	[tilespmem:$0x1F220] =	vst v63  }
0x57: {  	_ =	swait.ge [sflag:s8], $0x1400  }
0x58: {  	[sflag:s8] =	ssyncset.done $0x0  }
0x59: {  	s20 =	sadd.s32 $0xC8, s18;
	[sflag:s8] =	ssyncadd.s32 $0xFFFFEC00  }
0x5a: {  	[tilespmem:s14], [sflag:$0x1] =	stream.indirect.gather [hbm4b:s4+s13], $0x80, s20, s13, $0xb8;
	[tilespmem:$0x1F220] =	vst v63  }
0x5b: {  	_ =	swait.ge [sflag:s23], $0x1400  }
0x5c: {  	[sflag:s23] =	ssyncset.done $0x0  }
0x5d: {  	s20 =	sadd.s32 $0x2738, s18;
	[sflag:s23] =	ssyncadd.s32 $0xFFFFEC00  }
0x5e: {  	[spmem:s1] =	stream.indirect.scatter.add.f32 [tilespmem:s15], [sflag:$0x6], $0x80, s20, s13, $0xb8;
	[tilespmem:$0x1F220] =	vst v63  }
0x5f: {  	_ =	swait.ge [sflag:s8], $0x1400  }
0x60: {  	[sflag:s8] =	ssyncset.done $0x0  }
0x61: {  	s20 =	sadd.s32 $0xF0, s18;
	[sflag:s8] =	ssyncadd.s32 $0xFFFFEC00  }
0x62: {  	[tilespmem:s15], [sflag:$0x2] =	stream.indirect.gather [hbm4b:s4+s13], $0x80, s20, s13, $0xb8;
	[tilespmem:$0x1F220] =	vst v63  }
0x63: {  	_ =	swait.ge [sflag:s25], $0x1400  }
0x64: {  	[sflag:s25] =	ssyncset.done $0x0  }
0x65: {  	s20 =	sadd.s32 $0x2760, s18;
	[sflag:s25] =	ssyncadd.s32 $0xFFFFEC00  }
0x66: {  	[spmem:s1] =	stream.indirect.scatter.add.f32 [tilespmem:s17], [sflag:$0x6], $0x80, s20, s13, $0xb8;
	[tilespmem:$0x1F220] =	vst v63  }
0x67: {  	_ =	swait.ge [sflag:s8], $0x1400  }
0x68: {  	[sflag:s8] =	ssyncset.done $0x0  }
0x69: {  	s20 =	sadd.s32 $0x118, s18;
	[sflag:s8] =	ssyncadd.s32 $0xFFFFEC00  }
0x6a: {  	[tilespmem:s17], [sflag:$0x3] =	stream.indirect.gather [hbm4b:s4+s13], $0x80, s20, s13, $0xb8;
	[tilespmem:$0x1F220] =	vst v63  }
0x6b: {  	_ =	swait.ge [sflag:s26], $0x1400  }
0x6c: {  	[sflag:s26] =	ssyncset.done $0x0  }
0x6d: {  	s20 =	sadd.s32 $0x2788, s18;
	[sflag:s26] =	ssyncadd.s32 $0xFFFFEC00  }
0x6e: {  	[spmem:s1] =	stream.indirect.scatter.add.f32 [tilespmem:s19], [sflag:$0x6], $0x80, s20, s13, $0xb8;
	[tilespmem:$0x1F220] =	vst v63  }
0x6f: {  	_ =	swait.ge [sflag:s8], $0x1400  }
0x70: {  	[sflag:s8] =	ssyncset.done $0x0  }
0x71: {  	s20 =	sadd.s32 $0x140, s18;
	[sflag:s8] =	ssyncadd.s32 $0xFFFFEC00  }
0x72: {  	[tilespmem:s19], [sflag:$0x4] =	stream.indirect.gather [hbm4b:s4+s13], $0x80, s20, s13, $0xb8;
	[tilespmem:$0x1F220] =	vst v63  }
0x73: {  	_ =	swait.ge [sflag:s28], $0x1400  }
0x74: {  	[sflag:s28] =	ssyncset.done $0x0  }
.Ltmp0:
0x75: {  	s20 =	sadd.s32 $0x27B0, s18;
	[sflag:s28] =	ssyncadd.s32 $0xFFFFEC00;
	(pc) =	sbr.rel @p0 .LBB2_2-.Ltmp0, $4  }
0x76: {  	[spmem:s1] =	stream.indirect.scatter.add.f32 [tilespmem:s21], [sflag:$0x6], $0x80, s20, s13, $0xb8;
	[tilespmem:$0x1F220] =	vst v63  }
0x77: {  	_ =	swait.ge [sflag:s8], $0x1400  }
0x78: {  	[sflag:s8] =	ssyncset.done $0x0  }
0x79: {  	s18 =	sadd.s32 $0x168, s18;
	[sflag:s8] =	ssyncadd.s32 $0xFFFFEC00  }
0x7a: {  	[tilespmem:s21], [sflag:$0x5] =	stream.indirect.gather [hbm4b:s4+s13], $0x80, s18, s13, $0xb8;
	[tilespmem:$0x1F220] =	vst v63  }
0x7b: {  	_ =	swait.ge [sflag:s22], $0x1400  }
0x7c: {  	[sflag:s22] =	ssyncset.done $0x0  }
0x7d: {  	[sflag:s22] =	ssyncadd.s32 $0xFFFFEC00  }
0x7e: {  	[spmem:s1] =	stream.indirect.scatter.add.f32 [tilespmem:s14], [sflag:$0x6], $0x80, s29, s13, $0xb8;
	[tilespmem:$0x1F220] =	vst v63  }
0x7f: {  	_ =	swait.ge [sflag:s8], $0x1400  }
0x80: {  	[sflag:s8] =	ssyncset.done $0x0  }
0x81: {  	[sflag:s8] =	ssyncadd.s32 $0xFFFFEC00  }
0x82: {  	_ =	swait.ge [sflag:s23], $0x1400  }
0x83: {  	[sflag:s23] =	ssyncset.done $0x0  }
0x84: {  	[sflag:s23] =	ssyncadd.s32 $0xFFFFEC00  }
0x85: {  	[spmem:s1] =	stream.indirect.scatter.add.f32 [tilespmem:s15], [sflag:$0x6], $0x80, s30, s13, $0xb8;
	[tilespmem:$0x1F220] =	vst v63  }
0x86: {  	_ =	swait.ge [sflag:s8], $0x1400  }
0x87: {  	[sflag:s8] =	ssyncset.done $0x0  }
0x88: {  	[sflag:s8] =	ssyncadd.s32 $0xFFFFEC00  }
0x89: {  	_ =	swait.ge [sflag:s25], $0x1400  }
0x8a: {  	[sflag:s25] =	ssyncset.done $0x0  }
0x8b: {  	[sflag:s25] =	ssyncadd.s32 $0xFFFFEC00  }
0x8c: {  	[spmem:s1] =	stream.indirect.scatter.add.f32 [tilespmem:s17], [sflag:$0x6], $0x80, s31, s13, $0xb8;
	[tilespmem:$0x1F220] =	vst v63  }
0x8d: {  	_ =	swait.ge [sflag:s8], $0x1400  }
0x8e: {  	[sflag:s8] =	ssyncset.done $0x0  }
0x8f: {  	[sflag:s8] =	ssyncadd.s32 $0xFFFFEC00  }
0x90: {  	_ =	swait.ge [sflag:s26], $0x1400  }
0x91: {  	[sflag:s26] =	ssyncset.done $0x0  }
0x92: {  	[sflag:s26] =	ssyncadd.s32 $0xFFFFEC00  }
0x93: {  	[spmem:s1] =	stream.indirect.scatter.add.f32 [tilespmem:s19], [sflag:$0x6], $0x80, s0, s13, $0xb8;
	[tilespmem:$0x1F220] =	vst v63  }
0x94: {  	_ =	swait.ge [sflag:s8], $0x1400  }
0x95: {  	[sflag:s8] =	ssyncset.done $0x0  }
0x96: {  	[sflag:s8] =	ssyncadd.s32 $0xFFFFEC00  }
0x97: {  	_ =	swait.ge [sflag:s28], $0x1400  }
0x98: {  	[sflag:s28] =	ssyncset.done $0x0  }
0x99: {  	[sflag:s28] =	ssyncadd.s32 $0xFFFFEC00  }
0x9a: {  	[spmem:s1] =	stream.indirect.scatter.add.f32 [tilespmem:s21], [sflag:$0x6], $0x80, s2, s13, $0xb8;
	[tilespmem:$0x1F220] =	vst v63  }
0x9b: {  	_ =	swait.ge [sflag:s8], $0x1400  }
0x9c: {  	s10 =	sadd.s32 $0x1, s10;
	[sflag:s8] =	ssyncset.done $0x0  }
0x9d: {  	p0 =	sne.s32 s10, s7;
	[sflag:s8] =	ssyncadd.s32 $0xFFFFEC00  }
.Ltmp1:
0x9e: {  	[bflag:$0x0] =	sbarrier.arrive $0xFFFF;
	(pc) =	sbr.rel @p0 .LBB2_1-.Ltmp1, $4  }
0x9f: {  	[hbm:s24], [sflag:s11] =	dma.local [spmem:s12], $0x2800  }
0xa0: {  	_ =	swait.ge [sflag:s8], $0x2800  }
0xa1: {  	[sflag:s8] =	ssyncset.done $0x0  }
0xa2: {  	[sflag:s8] =	ssyncadd.s32 $0xFFFFD800  }
0xa3: {  	_ =	sfence.sel $0x180000  }
0xa4: {  	[bflag:$0x0] =	sbarrier.arrive $0xFFFF  }
0xa5: {  	_ =	strace $0x9000004A  }
0xa6: {  	s0 =	stileid.u32;
	[bflag:$0x2] =	sbarrier.arrive $0xFFFF  }
0xa7: {  	p0 =	sne.s32 s0, $0x0;
	s0 =	rddreg [dreg:$0x3]  }
0xa8: {  	s0 =	sadd.s32 @!p0 $0x100000, s0  }
0xa9: {  	[sflag:s0] =	ssyncadd.tile.s32 @!p0 $0x1;
	_ =	shalt  }
.Lfunc_end2:
_tile_overlayer_lowered:
.L_overlay_start_2:
0xaa: {  	(tag) =	ssettag $0x2  }
0xab: {  	s0 =	rddreg [dreg:$0x0];
	s2 =	stileid.u32  }
0xac: {  	s1 =	rddreg [dreg:$0x1];
	p0 =	sne.s32 s2, $0x0  }
0xad: {  	s3 =	rddreg [dreg:$0x2];
	[bflag:$0x3] =	sbarrier.arrive $0xFFFF;
	s2 =	simm.s32 @!p0 $0x1C06  }
0xae: {  	[timem:s3], [sflag:s2] =	dma.local @!p0 [hbm:s0], s1  }
0xaf: {  	s0 =	simm.s32 @!p0 $0x6  }
0xb0: {  	_ =	swait.ge @!p0 [sflag:s0], s1  }
0xb1: {  	s1 =	ssub.s32 @!p0 $0x0, s1;
	[sflag:s0] =	ssyncset.done @!p0 $0x0  }
0xb2: {  	[sflag:s0] =	ssyncadd.s32 @!p0 s1  }
0xb3: {  	[bflag:$0x3] =	sbarrier.arrive $0xFFFF  }
0xb4: {  	_ =	shalt  }

// kernel: kernel.16.cloned.1.call-start
scs
__scs_entry_jumppad:
0x0: {  	(pc) =	sbr.rel $0x88, $3  }
0x1: {  	(tag) =	ssettag $0x0;
	lr =	simm.s32 $0x1  }
0x2: {  	[smem:$0x3F99] =	sst lr;
	_ =	strace $0xD0000000  }
0x3: {  	_ = 	snop  }
0x4: {  	_ = 	snop  }
0x5: {  	_ = 	snop  }
0x6: {  	_ = 	snop  }
0x7: {  	_ = 	snop  }
__scs_overlays_trampoline_lowered:
0x8: {  	[smem:$0x3FA8] =	sst s0  }
0x9: {  	[smem:$0x3FA9] =	sst s1  }
0xa: {  	[smem:$0x3FAA] =	sst s2  }
0xb: {  	[smem:$0x3FAB] =	sst s3  }
0xc: {  	[smem:$0x3FAC] =	sst s4  }
0xd: {  	[smem:$0x3FAD] =	sst s5  }
0xe: {  	[smem:$0x3FAE] =	sst s6  }
0xf: {  	[smem:$0x3FAF] =	sst s7  }
0x10: {  	[smem:$0x3FB0] =	sst s8  }
0x11: {  	[smem:$0x3FB1] =	sst s9;
	s0 =	simm.s32 @!p0 $0x0  }
0x12: {  	s1 =	sld [smem:$0x3F97];
	s0 =	simm.s32 @p0 $0x1  }
0x13: {  	[smem:$0x3FB2] =	sst s0;
	s0 =	simm.s32 @!p1 $0x0  }
0x14: {  	s2 =	sld [smem:$0x3F96];
	s0 =	simm.s32 @p1 $0x1  }
0x15: {  	[smem:$0x3FB3] =	sst s0;
	s0 =	simm.s32 @!p2 $0x0  }
0x16: {  	s3 =	sld [smem:$0x3FDB];
	s0 =	simm.s32 @p2 $0x1  }
0x17: {  	s4 =	simm.s32 $0x1BF5;
	[smem:$0x3FB5] =	sst s0  }
0x18: {  	s0 =	sld [smem:$0x3F98];
	_ =	swait.ge [sflag:s4], $0x0  }
0x19: {  	s7 =	sld [smem:$0x3F99]  }
0x1a: {  	s8 =	sadd.s32 $0xFFFFE003, lr  }
0x1b: {  	s9 =	sadd.s32 $0xFFFFFEF7, lr;
	s5 =	simm.s32 $0xFFFFFFFF;
	p2 =	slt.u32 s8, $0xFFFFF086  }
0x1c: {  	p1 =	slt.u32 s9, $0xF7A;
	s5 =	simm.s32 @!p2 $0x0  }
0x1d: {  	s5 =	simm.s32 @p1 $0x1;
	p0 =	seq.s32 s7, s2  }
0x1e: {  	s7 =	smul.u32 @!p0 $0xF7A, s2;
	p2 =	seq.s32 @!p0 s5, $0x0  }
0x1f: {  	s9 =	smul.u32 $0xF7A, s1;
	s8 =	simm.s32 @!p0 $0x1BF5;
	p2 =	por !p2, p0  }
0x20: {  	[sflag:s8] =	ssyncset.s32 @!p0 $0xFFFFF086;
	s6 =	sadd.s32 @!p0 s3, s7;
	s7 =	simm.s32 @!p0 $0x108  }
0x21: {  	s3 =	sadd.s32 s3, s9;
	s6 =	sadd.s32 @!p0 $0x88, s6;
	s7 =	simm.s32 @p2 $0x1082  }
0x22: {  	[simem:s7], [sflag:s8] =	dma.local @!p0 [hbm:s6], $0xF7A  }
0x23: {  	s9 =	sor.u32 $0xD0000000, s2;
	s6 =	simm.s32 $0x108;
	_ =	swait.ge @!p0 [sflag:s8], $0x0  }
0x24: {  	s3 =	sadd.s32 $0x88, s3;
	s6 =	simm.s32 @!p1 $0x1082;
	[sflag:s4] =	ssyncset.s32 $0xFFFFF086  }
0x25: {  	[simem:s6], [sflag:s4] =	dma.local [hbm:s3], $0xF7A  }
0x26: {  	[smem:$0x3F99] =	sst s1;
	(tag) =	ssettag s2;
	_ =	strace s9  }
0x27: {  	s1 =	sld [smem:$0x3FA9]  }
0x28: {  	s2 =	sld [smem:$0x3FAA]  }
0x29: {  	s4 =	sld [smem:$0x3FAC]  }
0x2a: {  	p0 =	seq.s32 s5, $0x0;
	s5 =	sld [smem:$0x3FAD]  }
0x2b: {  	s6 =	sld [smem:$0x3FAE]  }
0x2c: {  	s7 =	sld [smem:$0x3FAF]  }
0x2d: {  	s3 =	simm.s32 $0x108;
	s8 =	sld [smem:$0x3FB0]  }
0x2e: {  	s3 =	simm.s32 @!p0 $0x1082;
	s9 =	sld [smem:$0x3FB1]  }
0x2f: {  	lr =	sadd.s32 s0, s3;
	s0 =	sld [smem:$0x3FA8]  }
0x30: {  	s3 =	sld [smem:$0x3FAB]  }
0x31: {  	[smem:$0x3FB4] =	sst s10  }
0x32: {  	s10 =	sld [smem:$0x3FB2];
	_ =	sdelay $0x3  }
0x33: {  	p0 =	seq.s32 s10, $0x1;
	s10 =	sld [smem:$0x3FB4];
	_ =	sdelay $0x3  }
0x34: {  	[smem:$0x3FB4] =	sst s10  }
0x35: {  	s10 =	sld [smem:$0x3FB3];
	_ =	sdelay $0x3  }
0x36: {  	p1 =	seq.s32 s10, $0x1;
	s10 =	sld [smem:$0x3FB4];
	_ =	sdelay $0x3  }
0x37: {  	[smem:$0x3FB4] =	sst s10  }
0x38: {  	s10 =	sld [smem:$0x3FB5]  }
0x39: {  	_ = 	snop;
	(pc) =	sbr.ind lr, $3  }
0x3a: {  	_ = 	snop  }
0x3b: {  	_ = 	snop  }
0x3c: {  	p2 =	seq.s32 s10, $0x1;
	s10 =	sld [smem:$0x3FB4]  }
0x3d: {  	_ =	shalt  }
0x3e: {  	_ =	shalt  }
0x3f: {  	_ =	shalt  }
0x40: {  	_ =	shalt  }
0x41: {  	_ =	shalt  }
0x42: {  	_ =	shalt  }
0x43: {  	_ =	shalt  }
0x44: {  	_ =	shalt  }
0x45: {  	_ =	shalt  }
0x46: {  	_ =	shalt  }
0x47: {  	_ =	shalt  }
0x48: {  	_ =	shalt  }
0x49: {  	_ =	shalt  }
0x4a: {  	_ =	shalt  }
0x4b: {  	_ =	shalt  }
0x4c: {  	_ =	shalt  }
0x4d: {  	_ =	shalt  }
0x4e: {  	_ =	shalt  }
0x4f: {  	_ =	shalt  }
0x50: {  	_ =	shalt  }
0x51: {  	_ =	shalt  }
0x52: {  	_ =	shalt  }
0x53: {  	_ =	shalt  }
0x54: {  	_ =	shalt  }
0x55: {  	_ =	shalt  }
0x56: {  	_ =	shalt  }
0x57: {  	_ =	shalt  }
0x58: {  	_ =	shalt  }
0x59: {  	_ =	shalt  }
0x5a: {  	_ =	shalt  }
0x5b: {  	_ =	shalt  }
0x5c: {  	_ =	shalt  }
0x5d: {  	_ =	shalt  }
0x5e: {  	_ =	shalt  }
0x5f: {  	_ =	shalt  }
0x60: {  	_ =	shalt  }
0x61: {  	_ =	shalt  }
0x62: {  	_ =	shalt  }
0x63: {  	_ =	shalt  }
0x64: {  	_ =	shalt  }
0x65: {  	_ =	shalt  }
0x66: {  	_ =	shalt  }
0x67: {  	_ =	shalt  }
0x68: {  	_ =	shalt  }
0x69: {  	_ =	shalt  }
0x6a: {  	_ =	shalt  }
0x6b: {  	_ =	shalt  }
0x6c: {  	_ =	shalt  }
0x6d: {  	_ =	shalt  }
0x6e: {  	_ =	shalt  }
0x6f: {  	_ =	shalt  }
0x70: {  	_ =	shalt  }
0x71: {  	_ =	shalt  }
0x72: {  	_ =	shalt  }
0x73: {  	_ =	shalt  }
0x74: {  	_ =	shalt  }
0x75: {  	_ =	shalt  }
0x76: {  	_ =	shalt  }
0x77: {  	_ =	shalt  }
0x78: {  	_ =	shalt  }
0x79: {  	_ =	shalt  }
0x7a: {  	_ =	shalt  }
0x7b: {  	_ =	shalt  }
0x7c: {  	_ =	shalt  }
0x7d: {  	_ =	shalt  }
0x7e: {  	_ =	shalt  }
0x7f: {  	_ =	shalt  }
0x80: {  	_ =	shalt  }
0x81: {  	_ =	shalt  }
0x82: {  	_ =	shalt  }
0x83: {  	_ =	shalt  }
0x84: {  	_ =	shalt  }
0x85: {  	_ =	shalt  }
0x86: {  	_ =	shalt  }
0x87: {  	_ =	shalt  }
.Lfunc_end0:
.L_simem_size_0:
called_computation.2_lowered:
.L_overlay_start_0:
0x88: {  	s2 =	sld [smem:$0x3FD9]  }
0x89: {  	s3 =	sld [smem:$0x3FFE];
	_ =	sdelay $0x1  }
0x8a: {  	s1 =	srdreg.scid  }
0x8b: {  	s0 =	sand.u32 $0x1, s1  }
0x8c: {  	s17 =	sshll.u32 s0, $0xA;
	s2 =	sadd.s32 s3, s2  }
0x8d: {  	s2 =	sadd.s32 s2, s17  }
0x8e: {  	[smem:$0x3FC0] =	sst s2  }
0x8f: {  	_ = 	snop  }
0x90: {  	s2 =	sld [smem:$0x3FD0];
	(tm) =	ssettm $0x1  }
0x91: {  	s18 =	sld [smem:$0x3FFB];
	_ =	sdelay $0x3  }
0x92: {  	_ =	strace s18  }
0x93: {  	s3 =	sld [smem:$0x3FFC];
	_ =	sdelay $0x3  }
0x94: {  	_ =	strace s3  }
0x95: {  	s3 =	sld [smem:$0x3FFD];
	_ =	sdelay $0x3  }
0x96: {  	_ =	strace s3  }
0x97: {  	_ =	strace $0x8FFFFFFF  }
0x98: {  	s19 =	sld [smem:$0x3FDB];
	_ =	sdelay $0x1  }
0x99: {  	s4 =	simm.s32 $_scs_section_size  }
0x9a: {  	s5 =	simm.s32 $_size__tile_overlayer_lowered;
	s6 =	simm.s32 $_tile_overlayer_lowered  }
0x9b: {  	s22 =	simm.s32 $0x1BFF;
	s21 =	sshll.u32 s6, $0x1;
	s3 =	sadd.s32 s4, s19  }
0x9c: {  	s7 =	simm.s32 $0x0;
	s20 =	sshll.u32 s5, $0x1;
	s5 =	sadd.s32 s21, s3  }
0x9d: {  	[timem:s7], [sflag:s22] =	dma.local [hbm:s5], s20  }
0x9e: {  	_ =	swait.ge [sflag:s22], s20  }
0x9f: {  	s4 =	ssub.s32 $0x0, s20;
	[sflag:s22] =	ssyncset.done $0x0  }
0xa0: {  	[sflag:s22] =	ssyncadd.s32 s4;
	_ =	sdelay $0x1  }
0xa1: {  	s23 =	simm.s32 $0x1B8B  }
0xa2: {  	_ =	swait.ge [sflag:s23], $0x1  }
0xa3: {  	[sflag:s23] =	ssyncset.done $0x0  }
0xa4: {  	s25 =	simm.s32 $0x1B8E;
	s24 =	sld [smem:$0x3FFE];
	[sflag:s23] =	ssyncadd.s32 $0xFFFFFFFF  }
0xa5: {  	s26 =	simm.s32 $execute0_lowered;
	[smem:$0x3FD2] =	sst s25  }
0xa6: {  	s5 =	sshll.u32 s26, $0x1;
	_ =	strace $0x8000004C;
	[dreg:$0x1] =	wrdreg $0xFFFFFFFF  }
0xa7: {  	s28 =	simm.s32 $_size_execute0_lowered;
	s3 =	sadd.s32 s3, s5;
	[dreg:$0x0] =	wrdreg $0x0  }
0xa8: {  	s5 =	sshll.u32 s28, $0x1;
	[dreg:$0x2] =	wrdreg s3  }
0xa9: {  	[dreg:$0x3] =	wrdreg s5  }
0xaa: {  	[dreg:$0x4] =	wrdreg $0xC0  }
0xab: {  	_ =	task [dreg:s7], $0x5FFFF  }
0xac: {  	[dreg:$0x1] =	wrdreg $0xFFFFFFFF  }
0xad: {  	[dreg:$0x0] =	wrdreg $0x60  }
0xae: {  	[dreg:$0x2] =	wrdreg s24  }
0xaf: {  	[dreg:$0x3] =	wrdreg s2  }
0xb0: {  	[dreg:$0x4] =	wrdreg $0xB2200  }
0xb1: {  	[dreg:$0x5] =	wrdreg $0x9  }
0xb2: {  	_ =	task.clear_ibuf [dreg:s7], $0x6FFFF;
	_ =	strace $0x9000004C  }
0xb3: {  	s29 =	simm.s32 $0x9;
	_ =	strace $0x8000004E  }
0xb4: {  	_ =	swait.ge [sflag:s29], $0x1  }
0xb5: {  	[sflag:s29] =	ssyncadd.s32 $0xFFFFFFFF  }
0xb6: {  	_ =	strace $0x9000004E  }
0xb7: {  	_ =	sfence  }
0xb8: {  	s30 =	sld [smem:$0x0];
	_ =	sdelay $0x2  }
0xb9: {  	s31 =	sshll.u32 s1, $0xD;
	s1 =	sshrl.u32 s1, $0x2  }
0xba: {  	s3 =	sand.u32 $0x4000, s31;
	s1 =	sadd.s32 s1, s30  }
0xbb: {  	s0 =	sor.u32 s3, s0;
	s1 =	sshll.u32 s1, $0x11  }
0xbc: {  	s0 =	sor.u32 s1, s0  }
0xbd: {  	s0 =	sadd.s32 $0x8F2B, s0  }
0xbe: {  	[sflag:s0] =	ssyncadd.remote.s32 $0x1  }
0xbf: {  	_ =	sfence.sel $0xFFFF  }
0xc0: {  	[dreg:$0x0] =	wrdreg $0xFFFFFFFF;
	(pc) =	sbr.abs _section_cstart, $3  }
0xc1: {  	[dreg:$0x1] =	wrdreg $0xFFFFFFFF  }
0xc2: {  	_ =	task.clear_ibuf [dreg:s7], $0x2FFFF;
	_ =	strace $0x9FFFFFFF  }
0xc3: {  	(tm) =	ssettm $0x7FFFFFFF  }
tec
execute0_lowered:
.L_overlay_start_1:
0x0: {  	(tag) =	ssettag $0x1  }
0x1: {  	s0 =	rddreg [dreg:$0x0]  }
0x2: {  	s2 =	rddreg [dreg:$0x1]  }
0x3: {  	s1 =	rddreg [dreg:$0x2]  }
0x4: {  	s3 =	srdreg.scid;
	s14 =	stileid.u32;
	s15 =	simm.s32 $0x6220  }
0x5: {  	s17 =	simm.s32 $0x7620;
	s19 =	simm.s32 $0x8A20;
	s21 =	simm.s32 $0x9E20  }
0x6: {  	s22 =	simm.s32 $0x1;
	s28 =	simm.s32 $0x5;
	s29 =	simm.s32 $0x4D58  }
0x7: {  	s30 =	simm.s32 $0x4D80;
	s31 =	simm.s32 $0x4DA8;
	s7 =	smul.u32 $0x14000, s14  }
0x8: {  	s5 =	sand.u32 $0x1, s3;
	s3 =	simm.s32 $0x0;
	s9 =	smul.u32 $0x4E2, s14  }
0x9: {  	s4 =	sadd.s32 $0xC800, s0;
	s26 =	sshll.u32 s14, $0x6;
	s6 =	smul.u32 $0x4E20, s5  }
0xa: {  	s14 =	simm.s32 $0x4E20;
	[smem:$0x7FF] =	sst s3;
	s8 =	smul.u32 $0x28000, s5  }
0xb: {  	s5 =	ssub.s32 $0x2, s5;
	_ =	strace $0x8000004D;
	s10 =	sshrl.u32 s7, $0x3  }
0xc: {  	s13 =	sshrl.u32 s5, $0x1;
	s25 =	sadd.s32 s7, s1;
	s11 =	sadd.s32 s6, s0  }
0xd: {  	s12 =	sadd.s32 s10, s0;
	s0 =	sadd.s32 s8, s0;
	s23 =	ssub.s32 s5, s13  }
0xe: {  	s2 =	sadd.s32 s2, s6;
	s8 =	simm.s32 $0x6;
	s13 =	simm.s32 $0x28  }
0xf: {  	s24 =	sadd.s32 s9, s11;
	s6 =	sadd.s32 $0x43A00, s12;
	s0 =	sadd.s32 $0x6BA00, s0  }
0x10: {  	s7 =	smax.u32 s23, $0x1;
	s9 =	sadd.s32 s9, s2;
	s11 =	sor.u32 $0x1C06, s26  }
0x11: {  	s12 =	sshrl.u32 s25, $0x3;
	s23 =	simm.s32 $0x2;
	s25 =	simm.s32 $0x3  }
0x12: {  	s26 =	simm.s32 $0x4;
	s2 =	simm.s32 $0x4DF8;
	s5 =	sadd.s32 $0x2A00, s24  }
0x13: {  	s24 =	sadd.s32 s10, s0;
	s0 =	simm.s32 $0x4DD0;
	s10 =	simm.s32 $0x0  }
.LBB2_1:
0x14: {  	[tilespmem:s3], [sflag:$0x6] =	stream.linear.gather [hbm4b:s5+s3], $0x2710, $0x38;
	[tilespmem:$0x1F220] =	vst v63  }
0x15: {  	_ =	swait.ge [sflag:s8], $0x2710  }
0x16: {  	[sflag:s8] =	ssyncset.done $0x0  }
0x17: {  	s16 =	simm.s32 $0x2710;
	[sflag:s8] =	ssyncadd.s32 $0xFFFFD8F0  }
0x18: {  	[tilespmem:s16], [sflag:$0x6] =	stream.linear.gather [hbm4b:s9+s3], $0x2710, $0x38;
	[tilespmem:$0x1F220] =	vst v63  }
0x19: {  	_ =	swait.ge [sflag:s8], $0x2710  }
0x1a: {  	[sflag:s8] =	ssyncset.done $0x0  }
0x1b: {  	[sflag:s8] =	ssyncadd.s32 $0xFFFFD8F0  }
0x1c: {  	[spmem:s12], [sflag:s11] =	dma.local [hbm:s6], $0x2800  }
0x1d: {  	_ =	swait.ge [sflag:s8], $0x2800  }
0x1e: {  	[sflag:s8] =	ssyncset.done $0x0  }
0x1f: {  	[sflag:s8] =	ssyncadd.s32 $0xFFFFD800  }
0x20: {  	[bflag:$0x0] =	sbarrier.arrive $0xFFFF  }
0x21: {  	[tilespmem:s14], [sflag:$0x1] =	stream.indirect.gather [hbm4b:s4+s13], $0x80, s3, s13, $0xb8;
	[tilespmem:$0x1F220] =	vst v63  }
0x22: {  	_ = 	snop  }
0x23: {  	[tilespmem:s15], [sflag:$0x2] =	stream.indirect.gather [hbm4b:s4+s13], $0x80, s13, s13, $0xb8;
	[tilespmem:$0x1F220] =	vst v63  }
0x24: {  	s18 =	simm.s32 $0x50  }
0x25: {  	[tilespmem:s17], [sflag:$0x3] =	stream.indirect.gather [hbm4b:s4+s13], $0x80, s18, s13, $0xb8;
	[tilespmem:$0x1F220] =	vst v63  }
0x26: {  	s20 =	simm.s32 $0x78  }
0x27: {  	[tilespmem:s19], [sflag:$0x4] =	stream.indirect.gather [hbm4b:s4+s13], $0x80, s20, s13, $0xb8;
	[tilespmem:$0x1F220] =	vst v63  }
0x28: {  	s18 =	simm.s32 $0xA0  }
0x29: {  	[tilespmem:s21], [sflag:$0x5] =	stream.indirect.gather [hbm4b:s4+s13], $0x80, s18, s13, $0xb8;
	[tilespmem:$0x1F220] =	vst v63  }
0x2a: {  	_ =	swait.ge [sflag:s22], $0x1400  }
0x2b: {  	[sflag:s22] =	ssyncset.done $0x0  }
0x2c: {  	s20 =	simm.s32 $0x2710;
	[sflag:s22] =	ssyncadd.s32 $0xFFFFEC00  }
0x2d: {  	[spmem:s1] =	stream.indirect.scatter.add.f32 [tilespmem:s14], [sflag:$0x6], $0x80, s20, s13, $0xb8;
	[tilespmem:$0x1F220] =	vst v63  }
0x2e: {  	_ =	swait.ge [sflag:s8], $0x1400  }
0x2f: {  	[sflag:s8] =	ssyncset.done $0x0  }
0x30: {  	s18 =	simm.s32 $0xC8;
	[sflag:s8] =	ssyncadd.s32 $0xFFFFEC00  }
0x31: {  	[tilespmem:s14], [sflag:$0x1] =	stream.indirect.gather [hbm4b:s4+s13], $0x80, s18, s13, $0xb8;
	[tilespmem:$0x1F220] =	vst v63  }
0x32: {  	_ =	swait.ge [sflag:s23], $0x1400  }
0x33: {  	[sflag:s23] =	ssyncset.done $0x0  }
0x34: {  	s20 =	simm.s32 $0x2738;
	[sflag:s23] =	ssyncadd.s32 $0xFFFFEC00  }
0x35: {  	[spmem:s1] =	stream.indirect.scatter.add.f32 [tilespmem:s15], [sflag:$0x6], $0x80, s20, s13, $0xb8;
	[tilespmem:$0x1F220] =	vst v63  }
0x36: {  	_ =	swait.ge [sflag:s8], $0x1400  }
0x37: {  	[sflag:s8] =	ssyncset.done $0x0  }
0x38: {  	s18 =	simm.s32 $0xF0;
	[sflag:s8] =	ssyncadd.s32 $0xFFFFEC00  }
0x39: {  	[tilespmem:s15], [sflag:$0x2] =	stream.indirect.gather [hbm4b:s4+s13], $0x80, s18, s13, $0xb8;
	[tilespmem:$0x1F220] =	vst v63  }
0x3a: {  	_ =	swait.ge [sflag:s25], $0x1400  }
0x3b: {  	[sflag:s25] =	ssyncset.done $0x0  }
0x3c: {  	s20 =	simm.s32 $0x2760;
	[sflag:s25] =	ssyncadd.s32 $0xFFFFEC00  }
0x3d: {  	[spmem:s1] =	stream.indirect.scatter.add.f32 [tilespmem:s17], [sflag:$0x6], $0x80, s20, s13, $0xb8;
	[tilespmem:$0x1F220] =	vst v63  }
0x3e: {  	_ =	swait.ge [sflag:s8], $0x1400  }
0x3f: {  	[sflag:s8] =	ssyncset.done $0x0  }
0x40: {  	s18 =	simm.s32 $0x118;
	[sflag:s8] =	ssyncadd.s32 $0xFFFFEC00  }
0x41: {  	[tilespmem:s17], [sflag:$0x3] =	stream.indirect.gather [hbm4b:s4+s13], $0x80, s18, s13, $0xb8;
	[tilespmem:$0x1F220] =	vst v63  }
0x42: {  	_ =	swait.ge [sflag:s26], $0x1400  }
0x43: {  	[sflag:s26] =	ssyncset.done $0x0  }
0x44: {  	s20 =	simm.s32 $0x2788;
	[sflag:s26] =	ssyncadd.s32 $0xFFFFEC00  }
0x45: {  	[spmem:s1] =	stream.indirect.scatter.add.f32 [tilespmem:s19], [sflag:$0x6], $0x80, s20, s13, $0xb8;
	[tilespmem:$0x1F220] =	vst v63  }
0x46: {  	_ =	swait.ge [sflag:s8], $0x1400  }
0x47: {  	[sflag:s8] =	ssyncset.done $0x0  }
0x48: {  	s18 =	simm.s32 $0x140;
	[sflag:s8] =	ssyncadd.s32 $0xFFFFEC00  }
0x49: {  	[tilespmem:s19], [sflag:$0x4] =	stream.indirect.gather [hbm4b:s4+s13], $0x80, s18, s13, $0xb8;
	[tilespmem:$0x1F220] =	vst v63  }
0x4a: {  	_ =	swait.ge [sflag:s28], $0x1400  }
0x4b: {  	[sflag:s28] =	ssyncset.done $0x0  }
0x4c: {  	s20 =	simm.s32 $0x27B0;
	[sflag:s28] =	ssyncadd.s32 $0xFFFFEC00  }
0x4d: {  	[spmem:s1] =	stream.indirect.scatter.add.f32 [tilespmem:s21], [sflag:$0x6], $0x80, s20, s13, $0xb8;
	[tilespmem:$0x1F220] =	vst v63  }
0x4e: {  	_ =	swait.ge [sflag:s8], $0x1400  }
0x4f: {  	[sflag:s8] =	ssyncset.done $0x0  }
0x50: {  	s16 =	simm.s32 $0x320;
	s18 =	simm.s32 $0x168;
	[sflag:s8] =	ssyncadd.s32 $0xFFFFEC00  }
.LBB2_2:
0x51: {  	[tilespmem:s21], [sflag:$0x5] =	stream.indirect.gather [hbm4b:s4+s13], $0x80, s18, s13, $0xb8;
	[tilespmem:$0x1F220] =	vst v63  }
0x52: {  	s18 =	smov.u32 s16  }
0x53: {  	p0 =	sne.s32 s16, $0x9600;
	s16 =	sadd.s32 $0x320, s16;
	_ =	swait.ge [sflag:s22], $0x1400  }
0x54: {  	s18 =	sshra.s32 s18, $0x2;
	[sflag:s22] =	ssyncset.done $0x0  }
0x55: {  	s20 =	sadd.s32 $0x2710, s18;
	[sflag:s22] =	ssyncadd.s32 $0xFFFFEC00  }
0x56: {  	[spmem:s1] =	stream.indirect.scatter.add.f32 [tilespmem:s14], [sflag:$0x6], $0x80, s20, s13, $0xb8;
	[tilespmem:$0x1F220] =	vst v63  }
0x57: {  	_ =	swait.ge [sflag:s8], $0x1400  }
0x58: {  	[sflag:s8] =	ssyncset.done $0x0  }
0x59: {  	s20 =	sadd.s32 $0xC8, s18;
	[sflag:s8] =	ssyncadd.s32 $0xFFFFEC00  }
0x5a: {  	[tilespmem:s14], [sflag:$0x1] =	stream.indirect.gather [hbm4b:s4+s13], $0x80, s20, s13, $0xb8;
	[tilespmem:$0x1F220] =	vst v63  }
0x5b: {  	_ =	swait.ge [sflag:s23], $0x1400  }
0x5c: {  	[sflag:s23] =	ssyncset.done $0x0  }
0x5d: {  	s20 =	sadd.s32 $0x2738, s18;
	[sflag:s23] =	ssyncadd.s32 $0xFFFFEC00  }
0x5e: {  	[spmem:s1] =	stream.indirect.scatter.add.f32 [tilespmem:s15], [sflag:$0x6], $0x80, s20, s13, $0xb8;
	[tilespmem:$0x1F220] =	vst v63  }
0x5f: {  	_ =	swait.ge [sflag:s8], $0x1400  }
0x60: {  	[sflag:s8] =	ssyncset.done $0x0  }
0x61: {  	s20 =	sadd.s32 $0xF0, s18;
	[sflag:s8] =	ssyncadd.s32 $0xFFFFEC00  }
0x62: {  	[tilespmem:s15], [sflag:$0x2] =	stream.indirect.gather [hbm4b:s4+s13], $0x80, s20, s13, $0xb8;
	[tilespmem:$0x1F220] =	vst v63  }
0x63: {  	_ =	swait.ge [sflag:s25], $0x1400  }
0x64: {  	[sflag:s25] =	ssyncset.done $0x0  }
0x65: {  	s20 =	sadd.s32 $0x2760, s18;
	[sflag:s25] =	ssyncadd.s32 $0xFFFFEC00  }
0x66: {  	[spmem:s1] =	stream.indirect.scatter.add.f32 [tilespmem:s17], [sflag:$0x6], $0x80, s20, s13, $0xb8;
	[tilespmem:$0x1F220] =	vst v63  }
0x67: {  	_ =	swait.ge [sflag:s8], $0x1400  }
0x68: {  	[sflag:s8] =	ssyncset.done $0x0  }
0x69: {  	s20 =	sadd.s32 $0x118, s18;
	[sflag:s8] =	ssyncadd.s32 $0xFFFFEC00  }
0x6a: {  	[tilespmem:s17], [sflag:$0x3] =	stream.indirect.gather [hbm4b:s4+s13], $0x80, s20, s13, $0xb8;
	[tilespmem:$0x1F220] =	vst v63  }
0x6b: {  	_ =	swait.ge [sflag:s26], $0x1400  }
0x6c: {  	[sflag:s26] =	ssyncset.done $0x0  }
0x6d: {  	s20 =	sadd.s32 $0x2788, s18;
	[sflag:s26] =	ssyncadd.s32 $0xFFFFEC00  }
0x6e: {  	[spmem:s1] =	stream.indirect.scatter.add.f32 [tilespmem:s19], [sflag:$0x6], $0x80, s20, s13, $0xb8;
	[tilespmem:$0x1F220] =	vst v63  }
0x6f: {  	_ =	swait.ge [sflag:s8], $0x1400  }
0x70: {  	[sflag:s8] =	ssyncset.done $0x0  }
0x71: {  	s20 =	sadd.s32 $0x140, s18;
	[sflag:s8] =	ssyncadd.s32 $0xFFFFEC00  }
0x72: {  	[tilespmem:s19], [sflag:$0x4] =	stream.indirect.gather [hbm4b:s4+s13], $0x80, s20, s13, $0xb8;
	[tilespmem:$0x1F220] =	vst v63  }
0x73: {  	_ =	swait.ge [sflag:s28], $0x1400  }
0x74: {  	[sflag:s28] =	ssyncset.done $0x0  }
.Ltmp0:
0x75: {  	s20 =	sadd.s32 $0x27B0, s18;
	[sflag:s28] =	ssyncadd.s32 $0xFFFFEC00;
	(pc) =	sbr.rel @p0 .LBB2_2-.Ltmp0, $4  }
0x76: {  	[spmem:s1] =	stream.indirect.scatter.add.f32 [tilespmem:s21], [sflag:$0x6], $0x80, s20, s13, $0xb8;
	[tilespmem:$0x1F220] =	vst v63  }
0x77: {  	_ =	swait.ge [sflag:s8], $0x1400  }
0x78: {  	[sflag:s8] =	ssyncset.done $0x0  }
0x79: {  	s18 =	sadd.s32 $0x168, s18;
	[sflag:s8] =	ssyncadd.s32 $0xFFFFEC00  }
0x7a: {  	[tilespmem:s21], [sflag:$0x5] =	stream.indirect.gather [hbm4b:s4+s13], $0x80, s18, s13, $0xb8;
	[tilespmem:$0x1F220] =	vst v63  }
0x7b: {  	_ =	swait.ge [sflag:s22], $0x1400  }
0x7c: {  	[sflag:s22] =	ssyncset.done $0x0  }
0x7d: {  	[sflag:s22] =	ssyncadd.s32 $0xFFFFEC00  }
0x7e: {  	[spmem:s1] =	stream.indirect.scatter.add.f32 [tilespmem:s14], [sflag:$0x6], $0x80, s29, s13, $0xb8;
	[tilespmem:$0x1F220] =	vst v63  }
0x7f: {  	_ =	swait.ge [sflag:s8], $0x1400  }
0x80: {  	[sflag:s8] =	ssyncset.done $0x0  }
0x81: {  	[sflag:s8] =	ssyncadd.s32 $0xFFFFEC00  }
0x82: {  	_ =	swait.ge [sflag:s23], $0x1400  }
0x83: {  	[sflag:s23] =	ssyncset.done $0x0  }
0x84: {  	[sflag:s23] =	ssyncadd.s32 $0xFFFFEC00  }
0x85: {  	[spmem:s1] =	stream.indirect.scatter.add.f32 [tilespmem:s15], [sflag:$0x6], $0x80, s30, s13, $0xb8;
	[tilespmem:$0x1F220] =	vst v63  }
0x86: {  	_ =	swait.ge [sflag:s8], $0x1400  }
0x87: {  	[sflag:s8] =	ssyncset.done $0x0  }
0x88: {  	[sflag:s8] =	ssyncadd.s32 $0xFFFFEC00  }
0x89: {  	_ =	swait.ge [sflag:s25], $0x1400  }
0x8a: {  	[sflag:s25] =	ssyncset.done $0x0  }
0x8b: {  	[sflag:s25] =	ssyncadd.s32 $0xFFFFEC00  }
0x8c: {  	[spmem:s1] =	stream.indirect.scatter.add.f32 [tilespmem:s17], [sflag:$0x6], $0x80, s31, s13, $0xb8;
	[tilespmem:$0x1F220] =	vst v63  }
0x8d: {  	_ =	swait.ge [sflag:s8], $0x1400  }
0x8e: {  	[sflag:s8] =	ssyncset.done $0x0  }
0x8f: {  	[sflag:s8] =	ssyncadd.s32 $0xFFFFEC00  }
0x90: {  	_ =	swait.ge [sflag:s26], $0x1400  }
0x91: {  	[sflag:s26] =	ssyncset.done $0x0  }
0x92: {  	[sflag:s26] =	ssyncadd.s32 $0xFFFFEC00  }
0x93: {  	[spmem:s1] =	stream.indirect.scatter.add.f32 [tilespmem:s19], [sflag:$0x6], $0x80, s0, s13, $0xb8;
	[tilespmem:$0x1F220] =	vst v63  }
0x94: {  	_ =	swait.ge [sflag:s8], $0x1400  }
0x95: {  	[sflag:s8] =	ssyncset.done $0x0  }
0x96: {  	[sflag:s8] =	ssyncadd.s32 $0xFFFFEC00  }
0x97: {  	_ =	swait.ge [sflag:s28], $0x1400  }
0x98: {  	[sflag:s28] =	ssyncset.done $0x0  }
0x99: {  	[sflag:s28] =	ssyncadd.s32 $0xFFFFEC00  }
0x9a: {  	[spmem:s1] =	stream.indirect.scatter.add.f32 [tilespmem:s21], [sflag:$0x6], $0x80, s2, s13, $0xb8;
	[tilespmem:$0x1F220] =	vst v63  }
0x9b: {  	_ =	swait.ge [sflag:s8], $0x1400  }
0x9c: {  	s10 =	sadd.s32 $0x1, s10;
	[sflag:s8] =	ssyncset.done $0x0  }
0x9d: {  	p0 =	sne.s32 s10, s7;
	[sflag:s8] =	ssyncadd.s32 $0xFFFFEC00  }
.Ltmp1:
0x9e: {  	[bflag:$0x0] =	sbarrier.arrive $0xFFFF;
	(pc) =	sbr.rel @p0 .LBB2_1-.Ltmp1, $4  }
0x9f: {  	[hbm:s24], [sflag:s11] =	dma.local [spmem:s12], $0x2800  }
0xa0: {  	_ =	swait.ge [sflag:s8], $0x2800  }
0xa1: {  	[sflag:s8] =	ssyncset.done $0x0  }
0xa2: {  	[sflag:s8] =	ssyncadd.s32 $0xFFFFD800  }
0xa3: {  	_ =	sfence.sel $0x180000  }
0xa4: {  	[bflag:$0x0] =	sbarrier.arrive $0xFFFF  }
0xa5: {  	_ =	strace $0x9000004D  }
0xa6: {  	s0 =	stileid.u32;
	[bflag:$0x2] =	sbarrier.arrive $0xFFFF  }
0xa7: {  	p0 =	sne.s32 s0, $0x0;
	s0 =	rddreg [dreg:$0x3]  }
0xa8: {  	s0 =	sadd.s32 @!p0 $0x100000, s0  }
0xa9: {  	[sflag:s0] =	ssyncadd.tile.s32 @!p0 $0x1;
	_ =	shalt  }
.Lfunc_end2:
_tile_overlayer_lowered:
.L_overlay_start_2:
0xaa: {  	(tag) =	ssettag $0x2  }
0xab: {  	s0 =	rddreg [dreg:$0x0];
	s2 =	stileid.u32  }
0xac: {  	s1 =	rddreg [dreg:$0x1];
	p0 =	sne.s32 s2, $0x0  }
0xad: {  	s3 =	rddreg [dreg:$0x2];
	[bflag:$0x3] =	sbarrier.arrive $0xFFFF;
	s2 =	simm.s32 @!p0 $0x1C06  }
0xae: {  	[timem:s3], [sflag:s2] =	dma.local @!p0 [hbm:s0], s1  }
0xaf: {  	s0 =	simm.s32 @!p0 $0x6  }
0xb0: {  	_ =	swait.ge @!p0 [sflag:s0], s1  }
0xb1: {  	s1 =	ssub.s32 @!p0 $0x0, s1;
	[sflag:s0] =	ssyncset.done @!p0 $0x0  }
0xb2: {  	[sflag:s0] =	ssyncadd.s32 @!p0 s1  }
0xb3: {  	[bflag:$0x3] =	sbarrier.arrive $0xFFFF  }
0xb4: {  	_ =	shalt  }

// kernel: kernel.19.cloned.1.call-start
scs
__scs_entry_jumppad:
0x0: {  	(pc) =	sbr.rel $0x88, $3  }
0x1: {  	(tag) =	ssettag $0x0;
	lr =	simm.s32 $0x1  }
0x2: {  	[smem:$0x3F99] =	sst lr;
	_ =	strace $0xD0000000  }
0x3: {  	_ = 	snop  }
0x4: {  	_ = 	snop  }
0x5: {  	_ = 	snop  }
0x6: {  	_ = 	snop  }
0x7: {  	_ = 	snop  }
__scs_overlays_trampoline_lowered:
0x8: {  	[smem:$0x3FA8] =	sst s0  }
0x9: {  	[smem:$0x3FA9] =	sst s1  }
0xa: {  	[smem:$0x3FAA] =	sst s2  }
0xb: {  	[smem:$0x3FAB] =	sst s3  }
0xc: {  	[smem:$0x3FAC] =	sst s4  }
0xd: {  	[smem:$0x3FAD] =	sst s5  }
0xe: {  	[smem:$0x3FAE] =	sst s6  }
0xf: {  	[smem:$0x3FAF] =	sst s7  }
0x10: {  	[smem:$0x3FB0] =	sst s8  }
0x11: {  	[smem:$0x3FB1] =	sst s9;
	s0 =	simm.s32 @!p0 $0x0  }
0x12: {  	s1 =	sld [smem:$0x3F97];
	s0 =	simm.s32 @p0 $0x1  }
0x13: {  	[smem:$0x3FB2] =	sst s0;
	s0 =	simm.s32 @!p1 $0x0  }
0x14: {  	s2 =	sld [smem:$0x3F96];
	s0 =	simm.s32 @p1 $0x1  }
0x15: {  	[smem:$0x3FB3] =	sst s0;
	s0 =	simm.s32 @!p2 $0x0  }
0x16: {  	s3 =	sld [smem:$0x3FDB];
	s0 =	simm.s32 @p2 $0x1  }
0x17: {  	s4 =	simm.s32 $0x1BF5;
	[smem:$0x3FB5] =	sst s0  }
0x18: {  	s0 =	sld [smem:$0x3F98];
	_ =	swait.ge [sflag:s4], $0x0  }
0x19: {  	s7 =	sld [smem:$0x3F99]  }
0x1a: {  	s8 =	sadd.s32 $0xFFFFE003, lr  }
0x1b: {  	s9 =	sadd.s32 $0xFFFFFEF7, lr;
	s5 =	simm.s32 $0xFFFFFFFF;
	p2 =	slt.u32 s8, $0xFFFFF086  }
0x1c: {  	p1 =	slt.u32 s9, $0xF7A;
	s5 =	simm.s32 @!p2 $0x0  }
0x1d: {  	s5 =	simm.s32 @p1 $0x1;
	p0 =	seq.s32 s7, s2  }
0x1e: {  	s7 =	smul.u32 @!p0 $0xF7A, s2;
	p2 =	seq.s32 @!p0 s5, $0x0  }
0x1f: {  	s9 =	smul.u32 $0xF7A, s1;
	s8 =	simm.s32 @!p0 $0x1BF5;
	p2 =	por !p2, p0  }
0x20: {  	[sflag:s8] =	ssyncset.s32 @!p0 $0xFFFFF086;
	s6 =	sadd.s32 @!p0 s3, s7;
	s7 =	simm.s32 @!p0 $0x108  }
0x21: {  	s3 =	sadd.s32 s3, s9;
	s6 =	sadd.s32 @!p0 $0x88, s6;
	s7 =	simm.s32 @p2 $0x1082  }
0x22: {  	[simem:s7], [sflag:s8] =	dma.local @!p0 [hbm:s6], $0xF7A  }
0x23: {  	s9 =	sor.u32 $0xD0000000, s2;
	s6 =	simm.s32 $0x108;
	_ =	swait.ge @!p0 [sflag:s8], $0x0  }
0x24: {  	s3 =	sadd.s32 $0x88, s3;
	s6 =	simm.s32 @!p1 $0x1082;
	[sflag:s4] =	ssyncset.s32 $0xFFFFF086  }
0x25: {  	[simem:s6], [sflag:s4] =	dma.local [hbm:s3], $0xF7A  }
0x26: {  	[smem:$0x3F99] =	sst s1;
	(tag) =	ssettag s2;
	_ =	strace s9  }
0x27: {  	s1 =	sld [smem:$0x3FA9]  }
0x28: {  	s2 =	sld [smem:$0x3FAA]  }
0x29: {  	s4 =	sld [smem:$0x3FAC]  }
0x2a: {  	p0 =	seq.s32 s5, $0x0;
	s5 =	sld [smem:$0x3FAD]  }
0x2b: {  	s6 =	sld [smem:$0x3FAE]  }
0x2c: {  	s7 =	sld [smem:$0x3FAF]  }
0x2d: {  	s3 =	simm.s32 $0x108;
	s8 =	sld [smem:$0x3FB0]  }
0x2e: {  	s3 =	simm.s32 @!p0 $0x1082;
	s9 =	sld [smem:$0x3FB1]  }
0x2f: {  	lr =	sadd.s32 s0, s3;
	s0 =	sld [smem:$0x3FA8]  }
0x30: {  	s3 =	sld [smem:$0x3FAB]  }
0x31: {  	[smem:$0x3FB4] =	sst s10  }
0x32: {  	s10 =	sld [smem:$0x3FB2];
	_ =	sdelay $0x3  }
0x33: {  	p0 =	seq.s32 s10, $0x1;
	s10 =	sld [smem:$0x3FB4];
	_ =	sdelay $0x3  }
0x34: {  	[smem:$0x3FB4] =	sst s10  }
0x35: {  	s10 =	sld [smem:$0x3FB3];
	_ =	sdelay $0x3  }
0x36: {  	p1 =	seq.s32 s10, $0x1;
	s10 =	sld [smem:$0x3FB4];
	_ =	sdelay $0x3  }
0x37: {  	[smem:$0x3FB4] =	sst s10  }
0x38: {  	s10 =	sld [smem:$0x3FB5]  }
0x39: {  	_ = 	snop;
	(pc) =	sbr.ind lr, $3  }
0x3a: {  	_ = 	snop  }
0x3b: {  	_ = 	snop  }
0x3c: {  	p2 =	seq.s32 s10, $0x1;
	s10 =	sld [smem:$0x3FB4]  }
0x3d: {  	_ =	shalt  }
0x3e: {  	_ =	shalt  }
0x3f: {  	_ =	shalt  }
0x40: {  	_ =	shalt  }
0x41: {  	_ =	shalt  }
0x42: {  	_ =	shalt  }
0x43: {  	_ =	shalt  }
0x44: {  	_ =	shalt  }
0x45: {  	_ =	shalt  }
0x46: {  	_ =	shalt  }
0x47: {  	_ =	shalt  }
0x48: {  	_ =	shalt  }
0x49: {  	_ =	shalt  }
0x4a: {  	_ =	shalt  }
0x4b: {  	_ =	shalt  }
0x4c: {  	_ =	shalt  }
0x4d: {  	_ =	shalt  }
0x4e: {  	_ =	shalt  }
0x4f: {  	_ =	shalt  }
0x50: {  	_ =	shalt  }
0x51: {  	_ =	shalt  }
0x52: {  	_ =	shalt  }
0x53: {  	_ =	shalt  }
0x54: {  	_ =	shalt  }
0x55: {  	_ =	shalt  }
0x56: {  	_ =	shalt  }
0x57: {  	_ =	shalt  }
0x58: {  	_ =	shalt  }
0x59: {  	_ =	shalt  }
0x5a: {  	_ =	shalt  }
0x5b: {  	_ =	shalt  }
0x5c: {  	_ =	shalt  }
0x5d: {  	_ =	shalt  }
0x5e: {  	_ =	shalt  }
0x5f: {  	_ =	shalt  }
0x60: {  	_ =	shalt  }
0x61: {  	_ =	shalt  }
0x62: {  	_ =	shalt  }
0x63: {  	_ =	shalt  }
0x64: {  	_ =	shalt  }
0x65: {  	_ =	shalt  }
0x66: {  	_ =	shalt  }
0x67: {  	_ =	shalt  }
0x68: {  	_ =	shalt  }
0x69: {  	_ =	shalt  }
0x6a: {  	_ =	shalt  }
0x6b: {  	_ =	shalt  }
0x6c: {  	_ =	shalt  }
0x6d: {  	_ =	shalt  }
0x6e: {  	_ =	shalt  }
0x6f: {  	_ =	shalt  }
0x70: {  	_ =	shalt  }
0x71: {  	_ =	shalt  }
0x72: {  	_ =	shalt  }
0x73: {  	_ =	shalt  }
0x74: {  	_ =	shalt  }
0x75: {  	_ =	shalt  }
0x76: {  	_ =	shalt  }
0x77: {  	_ =	shalt  }
0x78: {  	_ =	shalt  }
0x79: {  	_ =	shalt  }
0x7a: {  	_ =	shalt  }
0x7b: {  	_ =	shalt  }
0x7c: {  	_ =	shalt  }
0x7d: {  	_ =	shalt  }
0x7e: {  	_ =	shalt  }
0x7f: {  	_ =	shalt  }
0x80: {  	_ =	shalt  }
0x81: {  	_ =	shalt  }
0x82: {  	_ =	shalt  }
0x83: {  	_ =	shalt  }
0x84: {  	_ =	shalt  }
0x85: {  	_ =	shalt  }
0x86: {  	_ =	shalt  }
0x87: {  	_ =	shalt  }
.Lfunc_end0:
.L_simem_size_0:
called_computation.3_lowered:
.L_overlay_start_0:
0x88: {  	s2 =	sld [smem:$0x3FD9]  }
0x89: {  	s3 =	sld [smem:$0x3FFE];
	_ =	sdelay $0x1  }
0x8a: {  	s1 =	srdreg.scid  }
0x8b: {  	s0 =	sand.u32 $0x1, s1  }
0x8c: {  	s17 =	sshll.u32 s0, $0xA;
	s2 =	sadd.s32 s3, s2  }
0x8d: {  	s2 =	sadd.s32 s2, s17  }
0x8e: {  	[smem:$0x3FC0] =	sst s2  }
0x8f: {  	_ = 	snop  }
0x90: {  	s2 =	sld [smem:$0x3FD0];
	(tm) =	ssettm $0x1  }
0x91: {  	s18 =	sld [smem:$0x3FFB];
	_ =	sdelay $0x3  }
0x92: {  	_ =	strace s18  }
0x93: {  	s3 =	sld [smem:$0x3FFC];
	_ =	sdelay $0x3  }
0x94: {  	_ =	strace s3  }
0x95: {  	s3 =	sld [smem:$0x3FFD];
	_ =	sdelay $0x3  }
0x96: {  	_ =	strace s3  }
0x97: {  	_ =	strace $0x8FFFFFFF  }
0x98: {  	s19 =	sld [smem:$0x3FDB];
	_ =	sdelay $0x1  }
0x99: {  	s4 =	simm.s32 $_scs_section_size  }
0x9a: {  	s5 =	simm.s32 $_size__tile_overlayer_lowered;
	s6 =	simm.s32 $_tile_overlayer_lowered  }
0x9b: {  	s22 =	simm.s32 $0x1BFF;
	s21 =	sshll.u32 s6, $0x1;
	s3 =	sadd.s32 s4, s19  }
0x9c: {  	s7 =	simm.s32 $0x0;
	s20 =	sshll.u32 s5, $0x1;
	s5 =	sadd.s32 s21, s3  }
0x9d: {  	[timem:s7], [sflag:s22] =	dma.local [hbm:s5], s20  }
0x9e: {  	_ =	swait.ge [sflag:s22], s20  }
0x9f: {  	s4 =	ssub.s32 $0x0, s20;
	[sflag:s22] =	ssyncset.done $0x0  }
0xa0: {  	[sflag:s22] =	ssyncadd.s32 s4;
	_ =	sdelay $0x1  }
0xa1: {  	s23 =	simm.s32 $0x1B8B  }
0xa2: {  	_ =	swait.ge [sflag:s23], $0x1  }
0xa3: {  	[sflag:s23] =	ssyncset.done $0x0  }
0xa4: {  	s25 =	simm.s32 $0x1B8E;
	s24 =	sld [smem:$0x3FFE];
	[sflag:s23] =	ssyncadd.s32 $0xFFFFFFFF  }
0xa5: {  	s26 =	simm.s32 $execute0_lowered;
	[smem:$0x3FD2] =	sst s25  }
0xa6: {  	s5 =	sshll.u32 s26, $0x1;
	_ =	strace $0x8000004F;
	[dreg:$0x1] =	wrdreg $0xFFFFFFFF  }
0xa7: {  	s28 =	simm.s32 $_size_execute0_lowered;
	s3 =	sadd.s32 s3, s5;
	[dreg:$0x0] =	wrdreg $0x0  }
0xa8: {  	s5 =	sshll.u32 s28, $0x1;
	[dreg:$0x2] =	wrdreg s3  }
0xa9: {  	[dreg:$0x3] =	wrdreg s5  }
0xaa: {  	[dreg:$0x4] =	wrdreg $0xC0  }
0xab: {  	_ =	task [dreg:s7], $0x5FFFF  }
0xac: {  	[dreg:$0x1] =	wrdreg $0xFFFFFFFF  }
0xad: {  	[dreg:$0x0] =	wrdreg $0x60  }
0xae: {  	[dreg:$0x2] =	wrdreg s24  }
0xaf: {  	[dreg:$0x3] =	wrdreg s2  }
0xb0: {  	[dreg:$0x4] =	wrdreg $0xB2200  }
0xb1: {  	[dreg:$0x5] =	wrdreg $0x9  }
0xb2: {  	_ =	task.clear_ibuf [dreg:s7], $0x6FFFF;
	_ =	strace $0x9000004F  }
0xb3: {  	s29 =	simm.s32 $0x9;
	_ =	strace $0x80000051  }
0xb4: {  	_ =	swait.ge [sflag:s29], $0x1  }
0xb5: {  	[sflag:s29] =	ssyncadd.s32 $0xFFFFFFFF  }
0xb6: {  	_ =	strace $0x90000051  }
0xb7: {  	_ =	sfence  }
0xb8: {  	s30 =	sld [smem:$0x0];
	_ =	sdelay $0x2  }
0xb9: {  	s31 =	sshll.u32 s1, $0xD;
	s1 =	sshrl.u32 s1, $0x2  }
0xba: {  	s3 =	sand.u32 $0x4000, s31;
	s1 =	sadd.s32 s1, s30  }
0xbb: {  	s0 =	sor.u32 s3, s0;
	s1 =	sshll.u32 s1, $0x11  }
0xbc: {  	s0 =	sor.u32 s1, s0  }
0xbd: {  	s0 =	sadd.s32 $0x8F2B, s0  }
0xbe: {  	[sflag:s0] =	ssyncadd.remote.s32 $0x1  }
0xbf: {  	_ =	sfence.sel $0xFFFF  }
0xc0: {  	[dreg:$0x0] =	wrdreg $0xFFFFFFFF;
	(pc) =	sbr.abs _section_cstart, $3  }
0xc1: {  	[dreg:$0x1] =	wrdreg $0xFFFFFFFF  }
0xc2: {  	_ =	task.clear_ibuf [dreg:s7], $0x2FFFF;
	_ =	strace $0x9FFFFFFF  }
0xc3: {  	(tm) =	ssettm $0x7FFFFFFF  }
tec
execute0_lowered:
.L_overlay_start_1:
0x0: {  	(tag) =	ssettag $0x1  }
0x1: {  	s0 =	rddreg [dreg:$0x0]  }
0x2: {  	s2 =	rddreg [dreg:$0x1]  }
0x3: {  	s1 =	rddreg [dreg:$0x2]  }
0x4: {  	s3 =	srdreg.scid;
	s14 =	stileid.u32;
	s15 =	simm.s32 $0x6220  }
0x5: {  	s17 =	simm.s32 $0x7620;
	s19 =	simm.s32 $0x8A20;
	s21 =	simm.s32 $0x9E20  }
0x6: {  	s22 =	simm.s32 $0x1;
	s28 =	simm.s32 $0x5;
	s29 =	simm.s32 $0x4D58  }
0x7: {  	s30 =	simm.s32 $0x4D80;
	s31 =	simm.s32 $0x4DA8;
	s7 =	smul.u32 $0x14000, s14  }
0x8: {  	s5 =	sand.u32 $0x1, s3;
	s3 =	simm.s32 $0x0;
	s9 =	smul.u32 $0x4E2, s14  }
0x9: {  	s4 =	sadd.s32 $0xC800, s0;
	s26 =	sshll.u32 s14, $0x6;
	s6 =	smul.u32 $0x4E20, s5  }
0xa: {  	s14 =	simm.s32 $0x4E20;
	[smem:$0x7FF] =	sst s3;
	s8 =	smul.u32 $0x28000, s5  }
0xb: {  	s5 =	ssub.s32 $0x2, s5;
	_ =	strace $0x80000050;
	s10 =	sshrl.u32 s7, $0x3  }
0xc: {  	s13 =	sshrl.u32 s5, $0x1;
	s25 =	sadd.s32 s7, s1;
	s11 =	sadd.s32 s6, s0  }
0xd: {  	s12 =	sadd.s32 s10, s0;
	s0 =	sadd.s32 s8, s0;
	s23 =	ssub.s32 s5, s13  }
0xe: {  	s2 =	sadd.s32 s2, s6;
	s8 =	simm.s32 $0x6;
	s13 =	simm.s32 $0x28  }
0xf: {  	s24 =	sadd.s32 s9, s11;
	s6 =	sadd.s32 $0x43A00, s12;
	s0 =	sadd.s32 $0x6BA00, s0  }
0x10: {  	s7 =	smax.u32 s23, $0x1;
	s9 =	sadd.s32 s9, s2;
	s11 =	sor.u32 $0x1C06, s26  }
0x11: {  	s12 =	sshrl.u32 s25, $0x3;
	s23 =	simm.s32 $0x2;
	s25 =	simm.s32 $0x3  }
0x12: {  	s26 =	simm.s32 $0x4;
	s2 =	simm.s32 $0x4DF8;
	s5 =	sadd.s32 $0x2A00, s24  }
0x13: {  	s24 =	sadd.s32 s10, s0;
	s0 =	simm.s32 $0x4DD0;
	s10 =	simm.s32 $0x0  }
.LBB2_1:
0x14: {  	[tilespmem:s3], [sflag:$0x6] =	stream.linear.gather [hbm4b:s5+s3], $0x2710, $0x38;
	[tilespmem:$0x1F220] =	vst v63  }
0x15: {  	_ =	swait.ge [sflag:s8], $0x2710  }
0x16: {  	[sflag:s8] =	ssyncset.done $0x0  }
0x17: {  	s16 =	simm.s32 $0x2710;
	[sflag:s8] =	ssyncadd.s32 $0xFFFFD8F0  }
0x18: {  	[tilespmem:s16], [sflag:$0x6] =	stream.linear.gather [hbm4b:s9+s3], $0x2710, $0x38;
	[tilespmem:$0x1F220] =	vst v63  }
0x19: {  	_ =	swait.ge [sflag:s8], $0x2710  }
0x1a: {  	[sflag:s8] =	ssyncset.done $0x0  }
0x1b: {  	[sflag:s8] =	ssyncadd.s32 $0xFFFFD8F0  }
0x1c: {  	[spmem:s12], [sflag:s11] =	dma.local [hbm:s6], $0x2800  }
0x1d: {  	_ =	swait.ge [sflag:s8], $0x2800  }
0x1e: {  	[sflag:s8] =	ssyncset.done $0x0  }
0x1f: {  	[sflag:s8] =	ssyncadd.s32 $0xFFFFD800  }
0x20: {  	[bflag:$0x0] =	sbarrier.arrive $0xFFFF  }
0x21: {  	[tilespmem:s14], [sflag:$0x1] =	stream.indirect.gather [hbm4b:s4+s13], $0x80, s3, s13, $0xb8;
	[tilespmem:$0x1F220] =	vst v63  }
0x22: {  	_ = 	snop  }
0x23: {  	[tilespmem:s15], [sflag:$0x2] =	stream.indirect.gather [hbm4b:s4+s13], $0x80, s13, s13, $0xb8;
	[tilespmem:$0x1F220] =	vst v63  }
0x24: {  	s18 =	simm.s32 $0x50  }
0x25: {  	[tilespmem:s17], [sflag:$0x3] =	stream.indirect.gather [hbm4b:s4+s13], $0x80, s18, s13, $0xb8;
	[tilespmem:$0x1F220] =	vst v63  }
0x26: {  	s20 =	simm.s32 $0x78  }
0x27: {  	[tilespmem:s19], [sflag:$0x4] =	stream.indirect.gather [hbm4b:s4+s13], $0x80, s20, s13, $0xb8;
	[tilespmem:$0x1F220] =	vst v63  }
0x28: {  	s18 =	simm.s32 $0xA0  }
0x29: {  	[tilespmem:s21], [sflag:$0x5] =	stream.indirect.gather [hbm4b:s4+s13], $0x80, s18, s13, $0xb8;
	[tilespmem:$0x1F220] =	vst v63  }
0x2a: {  	_ =	swait.ge [sflag:s22], $0x1400  }
0x2b: {  	[sflag:s22] =	ssyncset.done $0x0  }
0x2c: {  	s20 =	simm.s32 $0x2710;
	[sflag:s22] =	ssyncadd.s32 $0xFFFFEC00  }
0x2d: {  	[spmem:s1] =	stream.indirect.scatter.add.f32 [tilespmem:s14], [sflag:$0x6], $0x80, s20, s13, $0xb8;
	[tilespmem:$0x1F220] =	vst v63  }
0x2e: {  	_ =	swait.ge [sflag:s8], $0x1400  }
0x2f: {  	[sflag:s8] =	ssyncset.done $0x0  }
0x30: {  	s18 =	simm.s32 $0xC8;
	[sflag:s8] =	ssyncadd.s32 $0xFFFFEC00  }
0x31: {  	[tilespmem:s14], [sflag:$0x1] =	stream.indirect.gather [hbm4b:s4+s13], $0x80, s18, s13, $0xb8;
	[tilespmem:$0x1F220] =	vst v63  }
0x32: {  	_ =	swait.ge [sflag:s23], $0x1400  }
0x33: {  	[sflag:s23] =	ssyncset.done $0x0  }
0x34: {  	s20 =	simm.s32 $0x2738;
	[sflag:s23] =	ssyncadd.s32 $0xFFFFEC00  }
0x35: {  	[spmem:s1] =	stream.indirect.scatter.add.f32 [tilespmem:s15], [sflag:$0x6], $0x80, s20, s13, $0xb8;
	[tilespmem:$0x1F220] =	vst v63  }
0x36: {  	_ =	swait.ge [sflag:s8], $0x1400  }
0x37: {  	[sflag:s8] =	ssyncset.done $0x0  }
0x38: {  	s18 =	simm.s32 $0xF0;
	[sflag:s8] =	ssyncadd.s32 $0xFFFFEC00  }
0x39: {  	[tilespmem:s15], [sflag:$0x2] =	stream.indirect.gather [hbm4b:s4+s13], $0x80, s18, s13, $0xb8;
	[tilespmem:$0x1F220] =	vst v63  }
0x3a: {  	_ =	swait.ge [sflag:s25], $0x1400  }
0x3b: {  	[sflag:s25] =	ssyncset.done $0x0  }
0x3c: {  	s20 =	simm.s32 $0x2760;
	[sflag:s25] =	ssyncadd.s32 $0xFFFFEC00  }
0x3d: {  	[spmem:s1] =	stream.indirect.scatter.add.f32 [tilespmem:s17], [sflag:$0x6], $0x80, s20, s13, $0xb8;
	[tilespmem:$0x1F220] =	vst v63  }
0x3e: {  	_ =	swait.ge [sflag:s8], $0x1400  }
0x3f: {  	[sflag:s8] =	ssyncset.done $0x0  }
0x40: {  	s18 =	simm.s32 $0x118;
	[sflag:s8] =	ssyncadd.s32 $0xFFFFEC00  }
0x41: {  	[tilespmem:s17], [sflag:$0x3] =	stream.indirect.gather [hbm4b:s4+s13], $0x80, s18, s13, $0xb8;
	[tilespmem:$0x1F220] =	vst v63  }
0x42: {  	_ =	swait.ge [sflag:s26], $0x1400  }
0x43: {  	[sflag:s26] =	ssyncset.done $0x0  }
0x44: {  	s20 =	simm.s32 $0x2788;
	[sflag:s26] =	ssyncadd.s32 $0xFFFFEC00  }
0x45: {  	[spmem:s1] =	stream.indirect.scatter.add.f32 [tilespmem:s19], [sflag:$0x6], $0x80, s20, s13, $0xb8;
	[tilespmem:$0x1F220] =	vst v63  }
0x46: {  	_ =	swait.ge [sflag:s8], $0x1400  }
0x47: {  	[sflag:s8] =	ssyncset.done $0x0  }
0x48: {  	s18 =	simm.s32 $0x140;
	[sflag:s8] =	ssyncadd.s32 $0xFFFFEC00  }
0x49: {  	[tilespmem:s19], [sflag:$0x4] =	stream.indirect.gather [hbm4b:s4+s13], $0x80, s18, s13, $0xb8;
	[tilespmem:$0x1F220] =	vst v63  }
0x4a: {  	_ =	swait.ge [sflag:s28], $0x1400  }
0x4b: {  	[sflag:s28] =	ssyncset.done $0x0  }
0x4c: {  	s20 =	simm.s32 $0x27B0;
	[sflag:s28] =	ssyncadd.s32 $0xFFFFEC00  }
0x4d: {  	[spmem:s1] =	stream.indirect.scatter.add.f32 [tilespmem:s21], [sflag:$0x6], $0x80, s20, s13, $0xb8;
	[tilespmem:$0x1F220] =	vst v63  }
0x4e: {  	_ =	swait.ge [sflag:s8], $0x1400  }
0x4f: {  	[sflag:s8] =	ssyncset.done $0x0  }
0x50: {  	s16 =	simm.s32 $0x320;
	s18 =	simm.s32 $0x168;
	[sflag:s8] =	ssyncadd.s32 $0xFFFFEC00  }
.LBB2_2:
0x51: {  	[tilespmem:s21], [sflag:$0x5] =	stream.indirect.gather [hbm4b:s4+s13], $0x80, s18, s13, $0xb8;
	[tilespmem:$0x1F220] =	vst v63  }
0x52: {  	s18 =	smov.u32 s16  }
0x53: {  	p0 =	sne.s32 s16, $0x9600;
	s16 =	sadd.s32 $0x320, s16;
	_ =	swait.ge [sflag:s22], $0x1400  }
0x54: {  	s18 =	sshra.s32 s18, $0x2;
	[sflag:s22] =	ssyncset.done $0x0  }
0x55: {  	s20 =	sadd.s32 $0x2710, s18;
	[sflag:s22] =	ssyncadd.s32 $0xFFFFEC00  }
0x56: {  	[spmem:s1] =	stream.indirect.scatter.add.f32 [tilespmem:s14], [sflag:$0x6], $0x80, s20, s13, $0xb8;
	[tilespmem:$0x1F220] =	vst v63  }
0x57: {  	_ =	swait.ge [sflag:s8], $0x1400  }
0x58: {  	[sflag:s8] =	ssyncset.done $0x0  }
0x59: {  	s20 =	sadd.s32 $0xC8, s18;
	[sflag:s8] =	ssyncadd.s32 $0xFFFFEC00  }
0x5a: {  	[tilespmem:s14], [sflag:$0x1] =	stream.indirect.gather [hbm4b:s4+s13], $0x80, s20, s13, $0xb8;
	[tilespmem:$0x1F220] =	vst v63  }
0x5b: {  	_ =	swait.ge [sflag:s23], $0x1400  }
0x5c: {  	[sflag:s23] =	ssyncset.done $0x0  }
0x5d: {  	s20 =	sadd.s32 $0x2738, s18;
	[sflag:s23] =	ssyncadd.s32 $0xFFFFEC00  }
0x5e: {  	[spmem:s1] =	stream.indirect.scatter.add.f32 [tilespmem:s15], [sflag:$0x6], $0x80, s20, s13, $0xb8;
	[tilespmem:$0x1F220] =	vst v63  }
0x5f: {  	_ =	swait.ge [sflag:s8], $0x1400  }
0x60: {  	[sflag:s8] =	ssyncset.done $0x0  }
0x61: {  	s20 =	sadd.s32 $0xF0, s18;
	[sflag:s8] =	ssyncadd.s32 $0xFFFFEC00  }
0x62: {  	[tilespmem:s15], [sflag:$0x2] =	stream.indirect.gather [hbm4b:s4+s13], $0x80, s20, s13, $0xb8;
	[tilespmem:$0x1F220] =	vst v63  }
0x63: {  	_ =	swait.ge [sflag:s25], $0x1400  }
0x64: {  	[sflag:s25] =	ssyncset.done $0x0  }
0x65: {  	s20 =	sadd.s32 $0x2760, s18;
	[sflag:s25] =	ssyncadd.s32 $0xFFFFEC00  }
0x66: {  	[spmem:s1] =	stream.indirect.scatter.add.f32 [tilespmem:s17], [sflag:$0x6], $0x80, s20, s13, $0xb8;
	[tilespmem:$0x1F220] =	vst v63  }
0x67: {  	_ =	swait.ge [sflag:s8], $0x1400  }
0x68: {  	[sflag:s8] =	ssyncset.done $0x0  }
0x69: {  	s20 =	sadd.s32 $0x118, s18;
	[sflag:s8] =	ssyncadd.s32 $0xFFFFEC00  }
0x6a: {  	[tilespmem:s17], [sflag:$0x3] =	stream.indirect.gather [hbm4b:s4+s13], $0x80, s20, s13, $0xb8;
	[tilespmem:$0x1F220] =	vst v63  }
0x6b: {  	_ =	swait.ge [sflag:s26], $0x1400  }
0x6c: {  	[sflag:s26] =	ssyncset.done $0x0  }
0x6d: {  	s20 =	sadd.s32 $0x2788, s18;
	[sflag:s26] =	ssyncadd.s32 $0xFFFFEC00  }
0x6e: {  	[spmem:s1] =	stream.indirect.scatter.add.f32 [tilespmem:s19], [sflag:$0x6], $0x80, s20, s13, $0xb8;
	[tilespmem:$0x1F220] =	vst v63  }
0x6f: {  	_ =	swait.ge [sflag:s8], $0x1400  }
0x70: {  	[sflag:s8] =	ssyncset.done $0x0  }
0x71: {  	s20 =	sadd.s32 $0x140, s18;
	[sflag:s8] =	ssyncadd.s32 $0xFFFFEC00  }
0x72: {  	[tilespmem:s19], [sflag:$0x4] =	stream.indirect.gather [hbm4b:s4+s13], $0x80, s20, s13, $0xb8;
	[tilespmem:$0x1F220] =	vst v63  }
0x73: {  	_ =	swait.ge [sflag:s28], $0x1400  }
0x74: {  	[sflag:s28] =	ssyncset.done $0x0  }
.Ltmp0:
0x75: {  	s20 =	sadd.s32 $0x27B0, s18;
	[sflag:s28] =	ssyncadd.s32 $0xFFFFEC00;
	(pc) =	sbr.rel @p0 .LBB2_2-.Ltmp0, $4  }
0x76: {  	[spmem:s1] =	stream.indirect.scatter.add.f32 [tilespmem:s21], [sflag:$0x6], $0x80, s20, s13, $0xb8;
	[tilespmem:$0x1F220] =	vst v63  }
0x77: {  	_ =	swait.ge [sflag:s8], $0x1400  }
0x78: {  	[sflag:s8] =	ssyncset.done $0x0  }
0x79: {  	s18 =	sadd.s32 $0x168, s18;
	[sflag:s8] =	ssyncadd.s32 $0xFFFFEC00  }
0x7a: {  	[tilespmem:s21], [sflag:$0x5] =	stream.indirect.gather [hbm4b:s4+s13], $0x80, s18, s13, $0xb8;
	[tilespmem:$0x1F220] =	vst v63  }
0x7b: {  	_ =	swait.ge [sflag:s22], $0x1400  }
0x7c: {  	[sflag:s22] =	ssyncset.done $0x0  }
0x7d: {  	[sflag:s22] =	ssyncadd.s32 $0xFFFFEC00  }
0x7e: {  	[spmem:s1] =	stream.indirect.scatter.add.f32 [tilespmem:s14], [sflag:$0x6], $0x80, s29, s13, $0xb8;
	[tilespmem:$0x1F220] =	vst v63  }
0x7f: {  	_ =	swait.ge [sflag:s8], $0x1400  }
0x80: {  	[sflag:s8] =	ssyncset.done $0x0  }
0x81: {  	[sflag:s8] =	ssyncadd.s32 $0xFFFFEC00  }
0x82: {  	_ =	swait.ge [sflag:s23], $0x1400  }
0x83: {  	[sflag:s23] =	ssyncset.done $0x0  }
0x84: {  	[sflag:s23] =	ssyncadd.s32 $0xFFFFEC00  }
0x85: {  	[spmem:s1] =	stream.indirect.scatter.add.f32 [tilespmem:s15], [sflag:$0x6], $0x80, s30, s13, $0xb8;
	[tilespmem:$0x1F220] =	vst v63  }
0x86: {  	_ =	swait.ge [sflag:s8], $0x1400  }
0x87: {  	[sflag:s8] =	ssyncset.done $0x0  }
0x88: {  	[sflag:s8] =	ssyncadd.s32 $0xFFFFEC00  }
0x89: {  	_ =	swait.ge [sflag:s25], $0x1400  }
0x8a: {  	[sflag:s25] =	ssyncset.done $0x0  }
0x8b: {  	[sflag:s25] =	ssyncadd.s32 $0xFFFFEC00  }
0x8c: {  	[spmem:s1] =	stream.indirect.scatter.add.f32 [tilespmem:s17], [sflag:$0x6], $0x80, s31, s13, $0xb8;
	[tilespmem:$0x1F220] =	vst v63  }
0x8d: {  	_ =	swait.ge [sflag:s8], $0x1400  }
0x8e: {  	[sflag:s8] =	ssyncset.done $0x0  }
0x8f: {  	[sflag:s8] =	ssyncadd.s32 $0xFFFFEC00  }
0x90: {  	_ =	swait.ge [sflag:s26], $0x1400  }
0x91: {  	[sflag:s26] =	ssyncset.done $0x0  }
0x92: {  	[sflag:s26] =	ssyncadd.s32 $0xFFFFEC00  }
0x93: {  	[spmem:s1] =	stream.indirect.scatter.add.f32 [tilespmem:s19], [sflag:$0x6], $0x80, s0, s13, $0xb8;
	[tilespmem:$0x1F220] =	vst v63  }
0x94: {  	_ =	swait.ge [sflag:s8], $0x1400  }
0x95: {  	[sflag:s8] =	ssyncset.done $0x0  }
0x96: {  	[sflag:s8] =	ssyncadd.s32 $0xFFFFEC00  }
0x97: {  	_ =	swait.ge [sflag:s28], $0x1400  }
0x98: {  	[sflag:s28] =	ssyncset.done $0x0  }
0x99: {  	[sflag:s28] =	ssyncadd.s32 $0xFFFFEC00  }
0x9a: {  	[spmem:s1] =	stream.indirect.scatter.add.f32 [tilespmem:s21], [sflag:$0x6], $0x80, s2, s13, $0xb8;
	[tilespmem:$0x1F220] =	vst v63  }
0x9b: {  	_ =	swait.ge [sflag:s8], $0x1400  }
0x9c: {  	s10 =	sadd.s32 $0x1, s10;
	[sflag:s8] =	ssyncset.done $0x0  }
0x9d: {  	p0 =	sne.s32 s10, s7;
	[sflag:s8] =	ssyncadd.s32 $0xFFFFEC00  }
.Ltmp1:
0x9e: {  	[bflag:$0x0] =	sbarrier.arrive $0xFFFF;
	(pc) =	sbr.rel @p0 .LBB2_1-.Ltmp1, $4  }
0x9f: {  	[hbm:s24], [sflag:s11] =	dma.local [spmem:s12], $0x2800  }
0xa0: {  	_ =	swait.ge [sflag:s8], $0x2800  }
0xa1: {  	[sflag:s8] =	ssyncset.done $0x0  }
0xa2: {  	[sflag:s8] =	ssyncadd.s32 $0xFFFFD800  }
0xa3: {  	_ =	sfence.sel $0x180000  }
0xa4: {  	[bflag:$0x0] =	sbarrier.arrive $0xFFFF  }
0xa5: {  	_ =	strace $0x90000050  }
0xa6: {  	s0 =	stileid.u32;
	[bflag:$0x2] =	sbarrier.arrive $0xFFFF  }
0xa7: {  	p0 =	sne.s32 s0, $0x0;
	s0 =	rddreg [dreg:$0x3]  }
0xa8: {  	s0 =	sadd.s32 @!p0 $0x100000, s0  }
0xa9: {  	[sflag:s0] =	ssyncadd.tile.s32 @!p0 $0x1;
	_ =	shalt  }
.Lfunc_end2:
_tile_overlayer_lowered:
.L_overlay_start_2:
0xaa: {  	(tag) =	ssettag $0x2  }
0xab: {  	s0 =	rddreg [dreg:$0x0];
	s2 =	stileid.u32  }
0xac: {  	s1 =	rddreg [dreg:$0x1];
	p0 =	sne.s32 s2, $0x0  }
0xad: {  	s3 =	rddreg [dreg:$0x2];
	[bflag:$0x3] =	sbarrier.arrive $0xFFFF;
	s2 =	simm.s32 @!p0 $0x1C06  }
0xae: {  	[timem:s3], [sflag:s2] =	dma.local @!p0 [hbm:s0], s1  }
0xaf: {  	s0 =	simm.s32 @!p0 $0x6  }
0xb0: {  	_ =	swait.ge @!p0 [sflag:s0], s1  }
0xb1: {  	s1 =	ssub.s32 @!p0 $0x0, s1;
	[sflag:s0] =	ssyncset.done @!p0 $0x0  }
0xb2: {  	[sflag:s0] =	ssyncadd.s32 @!p0 s1  }
0xb3: {  	[bflag:$0x3] =	sbarrier.arrive $0xFFFF  }
0xb4: {  	_ =	shalt  }

</sc_bundles>
